<compile_context>
chip_gen: v7x
topology: tpu7x:2x2x1
jax: 0.10.2.dev20260603
libtpu: 0.0.44.dev20260713+nightly
codegen_flags: <defaults>
</compile_context>

<pallas_src>
import functools

import jax
import jax.numpy as jnp
from jax import lax
from jax.experimental import pallas as pl
from jax.experimental.pallas import tpu as pltpu
from jax.experimental.pallas import tpu_sc as plsc

F = 26
B = 16384
V = 100000
D = 32
OUT_W = F * D + 1

BK = 512
RSTEPS = (V + BK - 1) // BK


NG = 7


def _reformat_body(*refs):
    sel = refs[0]
    ins = refs[1:1 + F]
    outs = refs[1 + F:]
    dn = (((1,), (1,)), ((), ()))
    x_all = jnp.concatenate(
        [ins[f][...] for f in range(F)]
        + [jnp.zeros((32 * (4 * NG - F), BK), jnp.float32)],
        axis=0).astype(jnp.bfloat16)
    piece = jax.lax.dot_general(
        sel[...], x_all, dn, preferred_element_type=jnp.float32)
    for j in range(NG):
        outs[j][...] = jax.lax.slice(
            piece, (0, 128 * j), (BK, 128 * j + 128))


_reformat = pl.pallas_call(
    _reformat_body,
    grid=(RSTEPS,),
    in_specs=[pl.BlockSpec((BK, BK), lambda i: (0, 0))]
    + [pl.BlockSpec((32, BK), lambda i: (0, i))] * F,
    out_specs=[pl.BlockSpec((BK, 128), lambda i: (i, 0))] * NG,
    out_shape=[jax.ShapeDtypeStruct((RSTEPS * BK, 128), jnp.float32)] * NG,
)


def _selection_matrix():
    r_i = jax.lax.broadcasted_iota(jnp.int32, (BK, BK), 0)
    c_i = jax.lax.broadcasted_iota(jnp.int32, (BK, BK), 1)
    a_i = r_i % (BK // 4)
    b_i = r_i // (BK // 4)
    return (c_i == 4 * a_i + b_i).astype(jnp.bfloat16)

NC = 2
NS = 16
NW = NC * NS
BPW = B // NW
CH = 128
NCHUNK = BPW // CH


def _make_kernel():
    mesh = plsc.VectorSubcoreMesh(core_axis_name="c", subcore_axis_name="s")

    @functools.partial(
        pl.kernel,
        mesh=mesh,
        out_type=jax.ShapeDtypeStruct((B, OUT_W), jnp.float32),
        scratch_types=[
            pltpu.VMEM((F, BPW), jnp.int32),
            pltpu.VMEM((F * CH, D), jnp.float32),
            pltpu.VMEM((CH, 1), jnp.float32),
            pltpu.SemaphoreType.DMA,
            pltpu.SemaphoreType.DMA,
        ],
        compiler_params=pltpu.CompilerParams(use_tc_tiling_on_sc=False),
    )
    def k(idx_hbm, cum_hbm, *rest):
        tables = rest[:NG]
        out_hbm = rest[NG]
        idx_v, gat_v, cum_v, gsem, wsem = rest[NG + 1:]

        wid = lax.axis_index("s") * NC + lax.axis_index("c")
        base = wid * BPW

        pltpu.sync_copy(idx_hbm.at[:, pl.ds(base, BPW)], idx_v)

        def chunk(ci, _):
            coff = pl.multiple_of(ci * CH, CH)
            cbase = base + coff
            gathers = []
            for f in range(F):
                gathers.append(pltpu.async_copy(
                    tables[f // 4].at[idx_v.at[f, pl.ds(coff, CH)]],
                    gat_v.at[pl.ds(f * CH, CH), :],
                    gsem))
            pltpu.sync_copy(cum_hbm.at[pl.ds(cbase, CH), :], cum_v)
            for g in gathers:
                g.wait()
            writes = []
            for f in range(F):
                writes.append(pltpu.async_copy(
                    gat_v.at[pl.ds(f * CH, CH), :],
                    out_hbm.at[pl.ds(cbase, CH), pl.ds(f * D, D)],
                    wsem))
            writes.append(pltpu.async_copy(
                cum_v, out_hbm.at[pl.ds(cbase, CH), pl.ds(F * D, 1)], wsem))
            for w in writes:
                w.wait()
            return 0

        lax.fori_loop(0, NCHUNK, chunk, 0)

    return k


_gather_concat = jax.jit(_make_kernel())


def kernel(idx_0, idx_1, idx_2, idx_3, idx_4, idx_5, idx_6, idx_7, idx_8,
           idx_9, idx_10, idx_11, idx_12, idx_13, idx_14, idx_15, idx_16,
           idx_17, idx_18, idx_19, idx_20, idx_21, idx_22, idx_23, idx_24,
           idx_25, cumul_dist_km,
           table_0, table_1, table_2, table_3, table_4, table_5, table_6,
           table_7, table_8, table_9, table_10, table_11, table_12, table_13,
           table_14, table_15, table_16, table_17, table_18, table_19,
           table_20, table_21, table_22, table_23, table_24, table_25):
    idxs = [idx_0, idx_1, idx_2, idx_3, idx_4, idx_5, idx_6, idx_7, idx_8,
            idx_9, idx_10, idx_11, idx_12, idx_13, idx_14, idx_15, idx_16,
            idx_17, idx_18, idx_19, idx_20, idx_21, idx_22, idx_23, idx_24,
            idx_25]
    tables = [table_0, table_1, table_2, table_3, table_4, table_5, table_6,
              table_7, table_8, table_9, table_10, table_11, table_12,
              table_13, table_14, table_15, table_16, table_17, table_18,
              table_19, table_20, table_21, table_22, table_23, table_24,
              table_25]
    v = jnp.stack([i.reshape(-1).astype(jnp.int32) for i in idxs])
    g = (jnp.arange(F, dtype=jnp.int32) % 4)[:, None]
    idx_all = (4 * BK) * (v // BK) + BK * (v & 3) + 4 * ((v % BK) >> 2) + g
    cum = cumul_dist_km.reshape(B, 1).astype(jnp.float32)
    lin = _reformat(_selection_matrix(), *[t.T for t in tables])
    gtabs = [lt.reshape(RSTEPS * BK * 4, D) for lt in lin]
    return _gather_concat(idx_all, cum, *gtabs)

# --- scband reference (transcript-rebuilt; emitter-appended) ---
"""Pipeline reference for scband-net-41231686041830 (READ-ONLY COPY).

The authoritative reference and input builder live on the scoring server;
editing this copy changes nothing except your own understanding.
"""

import jax, jax.numpy as jnp
import numpy as np

F = 26
B = 16384
V = 100000
D = 32

def setup_inputs(seed: int = 0) -> dict:
    key = jax.random.key(seed)
    inp = {}
    for i in range(F):
        inp[f"idx_{i}"] = jax.random.randint(jax.random.fold_in(key, i), (B,), 0, V)
    inp["cumul_dist_km"] = jax.random.normal(jax.random.fold_in(key, 1000), (B,), dtype=jnp.float32)
    # learned parameters: one embedding table per sparse field (EMBED_DICT analogue)
    for i in range(F):
        inp[f"table_{i}"] = jax.random.normal(jax.random.fold_in(key, 2000 + i), (V, D), dtype=jnp.float32) * 0.02
    return inp

def reference(
    idx_0, idx_1, idx_2, idx_3, idx_4, idx_5, idx_6, idx_7, idx_8, idx_9,
    idx_10, idx_11, idx_12, idx_13, idx_14, idx_15, idx_16, idx_17, idx_18, idx_19,
    idx_20, idx_21, idx_22, idx_23, idx_24, idx_25,
    cumul_dist_km,
    table_0, table_1, table_2, table_3, table_4, table_5, table_6, table_7, table_8, table_9,
    table_10, table_11, table_12, table_13, table_14, table_15, table_16, table_17, table_18, table_19,
    table_20, table_21, table_22, table_23, table_24, table_25,
) -> jnp.ndarray:
    kw = dict(locals())
    em_list = []
    for i in range(F):
        idx = kw[f"idx_{i}"].reshape(-1)
        em = jnp.take(kw[f"table_{i}"], idx, axis=0)  # [B, D] embedding gather
        em_list.append(em)
    em_list.append(kw["cumul_dist_km"].reshape(-1, 1))
    return jnp.concatenate(em_list, axis=1)  # [B, F*D + 1]

if __name__ == "__main__":
    import jax
    _d = setup_inputs()
    print(jax.jit(kernel)(*tuple(_d.values())))

</pallas_src>

<mosaic_0001>
#map = affine_map<(d0, d1) -> (0, 0)>
module attributes {stable_mosaic.version = 14 : i64} {
  func.func @k(%arg0: i32, %arg1: i32, %arg2: memref<26x16384xi32, #tpu.memory_space<hbm>>, %arg3: memref<16384x1xf32, #tpu.memory_space<hbm>>, %arg4: memref<401408x32xf32, #tpu.memory_space<hbm>>, %arg5: memref<401408x32xf32, #tpu.memory_space<hbm>>, %arg6: memref<401408x32xf32, #tpu.memory_space<hbm>>, %arg7: memref<401408x32xf32, #tpu.memory_space<hbm>>, %arg8: memref<401408x32xf32, #tpu.memory_space<hbm>>, %arg9: memref<401408x32xf32, #tpu.memory_space<hbm>>, %arg10: memref<401408x32xf32, #tpu.memory_space<hbm>>, %arg11: memref<16384x833xf32, #tpu.memory_space<hbm>>, %arg12: memref<26x512xi32, #tpu.memory_space<vmem>>, %arg13: memref<3328x32xf32, #tpu.memory_space<vmem>>, %arg14: memref<128x1xf32, #tpu.memory_space<vmem>>, %arg15: memref<!tpu.dma_semaphore, #tpu.memory_space<semaphore_mem>>, %arg16: memref<!tpu.dma_semaphore, #tpu.memory_space<semaphore_mem>>) attributes {dimension_semantics = [#tpu.dimension_semantics<core_parallel>, #tpu.dimension_semantics<subcore_parallel>], iteration_bounds = array<i64: 2, 16>, scalar_prefetch = 0 : i64, scratch_operands = 5 : i64, tpu.core_type = #tpu.core_type<sc_vector_subcore>, window_params = [{transform_indices = #map}, {transform_indices = #map}, {transform_indices = #map}, {transform_indices = #map}, {transform_indices = #map}, {transform_indices = #map}, {transform_indices = #map}, {transform_indices = #map}, {transform_indices = #map}, {transform_indices = #map}]} {
    %mul3A = arith.constant 2 : i32
    %mul3A_0 = arith.muli %arg1, %mul3A : i32
    %add3A = arith.addi %mul3A_0, %arg0 : i32
    %mul3A_1 = arith.constant 512 : i32
    %mul3A_2 = arith.muli %add3A, %mul3A_1 : i32
    "tpu.region"() ({
      %run_scoped3A = tpu.sem_alloc : memref<!tpu.dma_semaphore, #tpu.memory_space<semaphore_mem>>
      %dma_start3A = arith.constant 0 : i32
      %dma_start3A_9 = tpu.memref_slice %arg2[%dma_start3A, %mul3A_2] : memref<26x16384xi32, #tpu.memory_space<hbm>> -> memref<26x512xi32, #tpu.memory_space<hbm>>
      %dma_start3A_10 = arith.constant 0 : i32
      %dma_start3A_11 = tpu.memref_slice %arg2[%dma_start3A_10, %mul3A_2] : memref<26x16384xi32, #tpu.memory_space<hbm>> -> memref<26x512xi32, #tpu.memory_space<hbm>>
      tpu.enqueue_dma source(%dma_start3A_11 : memref<26x512xi32, #tpu.memory_space<hbm>>) target(%arg12 : memref<26x512xi32, #tpu.memory_space<vmem>>) target_semaphore(%run_scoped3A : memref<!tpu.dma_semaphore, #tpu.memory_space<semaphore_mem>>)
      %dma_wait3A = arith.constant 0 : i32
      %dma_wait3A_12 = tpu.memref_slice %arg2[%dma_wait3A, %mul3A_2] : memref<26x16384xi32, #tpu.memory_space<hbm>> -> memref<26x512xi32, #tpu.memory_space<hbm>>
      %dma_wait3A_13 = arith.constant 0 : i32
      %dma_wait3A_14 = tpu.memref_slice %arg2[%dma_wait3A_13, %mul3A_2] : memref<26x16384xi32, #tpu.memory_space<hbm>> -> memref<26x512xi32, #tpu.memory_space<hbm>>
      tpu.wait_dma2 semaphore(%run_scoped3A : memref<!tpu.dma_semaphore, #tpu.memory_space<semaphore_mem>>) src(%dma_wait3A_14 : memref<26x512xi32, #tpu.memory_space<hbm>>) dst(%arg12 : memref<26x512xi32, #tpu.memory_space<vmem>>)
      tpu.yield
    }) : () -> ()
    %scan3A = arith.constant 0 : i32
    %scan3A_3 = arith.constant 0 : i32
    %scan3A_4 = arith.constant 4 : i32
    %scan3A_5 = arith.addi %scan3A_3, %scan3A_4 : i32
    %scan3A_6 = arith.constant 1 : i32
    %scan3A_7 = scf.for %scan3A_9 = %scan3A_3 to %scan3A_5 step %scan3A_6 iter_args(%scan3A_10 = %scan3A) -> (i32)  : i32 {
      %mul3A_11 = arith.constant 128 : i32
      %mul3A_12 = arith.muli %scan3A_9, %mul3A_11 : i32
      %multiple_of3A = tpu.assume_multiple %mul3A_12, 128 : i32
      %add3A_13 = arith.addi %mul3A_2, %multiple_of3A : i32
      %dma_start3A = arith.constant 0 : i32
      %dma_start3A_14 = arith.constant 0 : i32
      %dma_start3A_15 = arith.constant 0 : i32
      %dma_start3A_16 = tpu.memref_slice %arg13[%dma_start3A_14, %dma_start3A_15] : memref<3328x32xf32, #tpu.memory_space<vmem>> -> memref<128x32xf32, #tpu.memory_space<vmem>>
      %dma_start3A_17 = tpu.memref_slice %arg12[%dma_start3A, %multiple_of3A] : memref<26x512xi32, #tpu.memory_space<vmem>> -> memref<1x128xi32, #tpu.memory_space<vmem>>
      %dma_start3A_18 = tpu.memref_squeeze %dma_start3A_17 : memref<1x128xi32, #tpu.memory_space<vmem>> -> memref<128xi32, #tpu.memory_space<vmem>>
      %dma_start3A_19 = arith.constant 0 : i32
      %dma_start3A_20 = arith.constant 0 : i32
      %dma_start3A_21 = tpu.memref_slice %arg4[%dma_start3A_19, %dma_start3A_20] : memref<401408x32xf32, #tpu.memory_space<hbm>> -> memref<401408x32xf32, #tpu.memory_space<hbm>>
      tpu.enqueue_indirect_dma source(%dma_start3A_21 : memref<401408x32xf32, #tpu.memory_space<hbm>>) target(%dma_start3A_16 : memref<128x32xf32, #tpu.memory_space<vmem>>) offsets(%dma_start3A_18 : memref<128xi32, #tpu.memory_space<vmem>>) semaphore(%arg15 : memref<!tpu.dma_semaphore, #tpu.memory_space<semaphore_mem>>)
      %dma_start3A_22 = arith.constant 1 : i32
      %dma_start3A_23 = arith.constant 128 : i32
      %dma_start3A_24 = arith.constant 0 : i32
      %dma_start3A_25 = tpu.memref_slice %arg13[%dma_start3A_23, %dma_start3A_24] : memref<3328x32xf32, #tpu.memory_space<vmem>> -> memref<128x32xf32, #tpu.memory_space<vmem>>
      %dma_start3A_26 = tpu.memref_slice %arg12[%dma_start3A_22, %multiple_of3A] : memref<26x512xi32, #tpu.memory_space<vmem>> -> memref<1x128xi32, #tpu.memory_space<vmem>>
      %dma_start3A_27 = tpu.memref_squeeze %dma_start3A_26 : memref<1x128xi32, #tpu.memory_space<vmem>> -> memref<128xi32, #tpu.memory_space<vmem>>
      %dma_start3A_28 = arith.constant 0 : i32
      %dma_start3A_29 = arith.constant 0 : i32
      %dma_start3A_30 = tpu.memref_slice %arg4[%dma_start3A_28, %dma_start3A_29] : memref<401408x32xf32, #tpu.memory_space<hbm>> -> memref<401408x32xf32, #tpu.memory_space<hbm>>
      tpu.enqueue_indirect_dma source(%dma_start3A_30 : memref<401408x32xf32, #tpu.memory_space<hbm>>) target(%dma_start3A_25 : memref<128x32xf32, #tpu.memory_space<vmem>>) offsets(%dma_start3A_27 : memref<128xi32, #tpu.memory_space<vmem>>) semaphore(%arg15 : memref<!tpu.dma_semaphore, #tpu.memory_space<semaphore_mem>>)
      %dma_start3A_31 = arith.constant 2 : i32
      %dma_start3A_32 = arith.constant 256 : i32
      %dma_start3A_33 = arith.constant 0 : i32
      %dma_start3A_34 = tpu.memref_slice %arg13[%dma_start3A_32, %dma_start3A_33] : memref<3328x32xf32, #tpu.memory_space<vmem>> -> memref<128x32xf32, #tpu.memory_space<vmem>>
      %dma_start3A_35 = tpu.memref_slice %arg12[%dma_start3A_31, %multiple_of3A] : memref<26x512xi32, #tpu.memory_space<vmem>> -> memref<1x128xi32, #tpu.memory_space<vmem>>
      %dma_start3A_36 = tpu.memref_squeeze %dma_start3A_35 : memref<1x128xi32, #tpu.memory_space<vmem>> -> memref<128xi32, #tpu.memory_space<vmem>>
      %dma_start3A_37 = arith.constant 0 : i32
      %dma_start3A_38 = arith.constant 0 : i32
      %dma_start3A_39 = tpu.memref_slice %arg4[%dma_start3A_37, %dma_start3A_38] : memref<401408x32xf32, #tpu.memory_space<hbm>> -> memref<401408x32xf32, #tpu.memory_space<hbm>>
      tpu.enqueue_indirect_dma source(%dma_start3A_39 : memref<401408x32xf32, #tpu.memory_space<hbm>>) target(%dma_start3A_34 : memref<128x32xf32, #tpu.memory_space<vmem>>) offsets(%dma_start3A_36 : memref<128xi32, #tpu.memory_space<vmem>>) semaphore(%arg15 : memref<!tpu.dma_semaphore, #tpu.memory_space<semaphore_mem>>)
      %dma_start3A_40 = arith.constant 3 : i32
      %dma_start3A_41 = arith.constant 384 : i32
      %dma_start3A_42 = arith.constant 0 : i32
      %dma_start3A_43 = tpu.memref_slice %arg13[%dma_start3A_41, %dma_start3A_42] : memref<3328x32xf32, #tpu.memory_space<vmem>> -> memref<128x32xf32, #tpu.memory_space<vmem>>
      %dma_start3A_44 = tpu.memref_slice %arg12[%dma_start3A_40, %multiple_of3A] : memref<26x512xi32, #tpu.memory_space<vmem>> -> memref<1x128xi32, #tpu.memory_space<vmem>>
      %dma_start3A_45 = tpu.memref_squeeze %dma_start3A_44 : memref<1x128xi32, #tpu.memory_space<vmem>> -> memref<128xi32, #tpu.memory_space<vmem>>
      %dma_start3A_46 = arith.constant 0 : i32
      %dma_start3A_47 = arith.constant 0 : i32
      %dma_start3A_48 = tpu.memref_slice %arg4[%dma_start3A_46, %dma_start3A_47] : memref<401408x32xf32, #tpu.memory_space<hbm>> -> memref<401408x32xf32, #tpu.memory_space<hbm>>
      tpu.enqueue_indirect_dma source(%dma_start3A_48 : memref<401408x32xf32, #tpu.memory_space<hbm>>) target(%dma_start3A_43 : memref<128x32xf32, #tpu.memory_space<vmem>>) offsets(%dma_start3A_45 : memref<128xi32, #tpu.memory_space<vmem>>) semaphore(%arg15 : memref<!tpu.dma_semaphore, #tpu.memory_space<semaphore_mem>>)
      %dma_start3A_49 = arith.constant 4 : i32
      %dma_start3A_50 = arith.constant 512 : i32
      %dma_start3A_51 = arith.constant 0 : i32
      %dma_start3A_52 = tpu.memref_slice %arg13[%dma_start3A_50, %dma_start3A_51] : memref<3328x32xf32, #tpu.memory_space<vmem>> -> memref<128x32xf32, #tpu.memory_space<vmem>>
      %dma_start3A_53 = tpu.memref_slice %arg12[%dma_start3A_49, %multiple_of3A] : memref<26x512xi32, #tpu.memory_space<vmem>> -> memref<1x128xi32, #tpu.memory_space<vmem>>
      %dma_start3A_54 = tpu.memref_squeeze %dma_start3A_53 : memref<1x128xi32, #tpu.memory_space<vmem>> -> memref<128xi32, #tpu.memory_space<vmem>>
      %dma_start3A_55 = arith.constant 0 : i32
      %dma_start3A_56 = arith.constant 0 : i32
      %dma_start3A_57 = tpu.memref_slice %arg5[%dma_start3A_55, %dma_start3A_56] : memref<401408x32xf32, #tpu.memory_space<hbm>> -> memref<401408x32xf32, #tpu.memory_space<hbm>>
      tpu.enqueue_indirect_dma source(%dma_start3A_57 : memref<401408x32xf32, #tpu.memory_space<hbm>>) target(%dma_start3A_52 : memref<128x32xf32, #tpu.memory_space<vmem>>) offsets(%dma_start3A_54 : memref<128xi32, #tpu.memory_space<vmem>>) semaphore(%arg15 : memref<!tpu.dma_semaphore, #tpu.memory_space<semaphore_mem>>)
      %dma_start3A_58 = arith.constant 5 : i32
      %dma_start3A_59 = arith.constant 640 : i32
      %dma_start3A_60 = arith.constant 0 : i32
      %dma_start3A_61 = tpu.memref_slice %arg13[%dma_start3A_59, %dma_start3A_60] : memref<3328x32xf32, #tpu.memory_space<vmem>> -> memref<128x32xf32, #tpu.memory_space<vmem>>
      %dma_start3A_62 = tpu.memref_slice %arg12[%dma_start3A_58, %multiple_of3A] : memref<26x512xi32, #tpu.memory_space<vmem>> -> memref<1x128xi32, #tpu.memory_space<vmem>>
      %dma_start3A_63 = tpu.memref_squeeze %dma_start3A_62 : memref<1x128xi32, #tpu.memory_space<vmem>> -> memref<128xi32, #tpu.memory_space<vmem>>
      %dma_start3A_64 = arith.constant 0 : i32
      %dma_start3A_65 = arith.constant 0 : i32
      %dma_start3A_66 = tpu.memref_slice %arg5[%dma_start3A_64, %dma_start3A_65] : memref<401408x32xf32, #tpu.memory_space<hbm>> -> memref<401408x32xf32, #tpu.memory_space<hbm>>
      tpu.enqueue_indirect_dma source(%dma_start3A_66 : memref<401408x32xf32, #tpu.memory_space<hbm>>) target(%dma_start3A_61 : memref<128x32xf32, #tpu.memory_space<vmem>>) offsets(%dma_start3A_63 : memref<128xi32, #tpu.memory_space<vmem>>) semaphore(%arg15 : memref<!tpu.dma_semaphore, #tpu.memory_space<semaphore_mem>>)
      %dma_start3A_67 = arith.constant 6 : i32
      %dma_start3A_68 = arith.constant 768 : i32
      %dma_start3A_69 = arith.constant 0 : i32
      %dma_start3A_70 = tpu.memref_slice %arg13[%dma_start3A_68, %dma_start3A_69] : memref<3328x32xf32, #tpu.memory_space<vmem>> -> memref<128x32xf32, #tpu.memory_space<vmem>>
      %dma_start3A_71 = tpu.memref_slice %arg12[%dma_start3A_67, %multiple_of3A] : memref<26x512xi32, #tpu.memory_space<vmem>> -> memref<1x128xi32, #tpu.memory_space<vmem>>
      %dma_start3A_72 = tpu.memref_squeeze %dma_start3A_71 : memref<1x128xi32, #tpu.memory_space<vmem>> -> memref<128xi32, #tpu.memory_space<vmem>>
      %dma_start3A_73 = arith.constant 0 : i32
      %dma_start3A_74 = arith.constant 0 : i32
      %dma_start3A_75 = tpu.memref_slice %arg5[%dma_start3A_73, %dma_start3A_74] : memref<401408x32xf32, #tpu.memory_space<hbm>> -> memref<401408x32xf32, #tpu.memory_space<hbm>>
      tpu.enqueue_indirect_dma source(%dma_start3A_75 : memref<401408x32xf32, #tpu.memory_space<hbm>>) target(%dma_start3A_70 : memref<128x32xf32, #tpu.memory_space<vmem>>) offsets(%dma_start3A_72 : memref<128xi32, #tpu.memory_space<vmem>>) semaphore(%arg15 : memref<!tpu.dma_semaphore, #tpu.memory_space<semaphore_mem>>)
      %dma_start3A_76 = arith.constant 7 : i32
      %dma_start3A_77 = arith.constant 896 : i32
      %dma_start3A_78 = arith.constant 0 : i32
      %dma_start3A_79 = tpu.memref_slice %arg13[%dma_start3A_77, %dma_start3A_78] : memref<3328x32xf32, #tpu.memory_space<vmem>> -> memref<128x32xf32, #tpu.memory_space<vmem>>
      %dma_start3A_80 = tpu.memref_slice %arg12[%dma_start3A_76, %multiple_of3A] : memref<26x512xi32, #tpu.memory_space<vmem>> -> memref<1x128xi32, #tpu.memory_space<vmem>>
      %dma_start3A_81 = tpu.memref_squeeze %dma_start3A_80 : memref<1x128xi32, #tpu.memory_space<vmem>> -> memref<128xi32, #tpu.memory_space<vmem>>
      %dma_start3A_82 = arith.constant 0 : i32
      %dma_start3A_83 = arith.constant 0 : i32
      %dma_start3A_84 = tpu.memref_slice %arg5[%dma_start3A_82, %dma_start3A_83] : memref<401408x32xf32, #tpu.memory_space<hbm>> -> memref<401408x32xf32, #tpu.memory_space<hbm>>
      tpu.enqueue_indirect_dma source(%dma_start3A_84 : memref<401408x32xf32, #tpu.memory_space<hbm>>) target(%dma_start3A_79 : memref<128x32xf32, #tpu.memory_space<vmem>>) offsets(%dma_start3A_81 : memref<128xi32, #tpu.memory_space<vmem>>) semaphore(%arg15 : memref<!tpu.dma_semaphore, #tpu.memory_space<semaphore_mem>>)
      %dma_start3A_85 = arith.constant 8 : i32
      %dma_start3A_86 = arith.constant 1024 : i32
      %dma_start3A_87 = arith.constant 0 : i32
      %dma_start3A_88 = tpu.memref_slice %arg13[%dma_start3A_86, %dma_start3A_87] : memref<3328x32xf32, #tpu.memory_space<vmem>> -> memref<128x32xf32, #tpu.memory_space<vmem>>
      %dma_start3A_89 = tpu.memref_slice %arg12[%dma_start3A_85, %multiple_of3A] : memref<26x512xi32, #tpu.memory_space<vmem>> -> memref<1x128xi32, #tpu.memory_space<vmem>>
      %dma_start3A_90 = tpu.memref_squeeze %dma_start3A_89 : memref<1x128xi32, #tpu.memory_space<vmem>> -> memref<128xi32, #tpu.memory_space<vmem>>
      %dma_start3A_91 = arith.constant 0 : i32
      %dma_start3A_92 = arith.constant 0 : i32
      %dma_start3A_93 = tpu.memref_slice %arg6[%dma_start3A_91, %dma_start3A_92] : memref<401408x32xf32, #tpu.memory_space<hbm>> -> memref<401408x32xf32, #tpu.memory_space<hbm>>
      tpu.enqueue_indirect_dma source(%dma_start3A_93 : memref<401408x32xf32, #tpu.memory_space<hbm>>) target(%dma_start3A_88 : memref<128x32xf32, #tpu.memory_space<vmem>>) offsets(%dma_start3A_90 : memref<128xi32, #tpu.memory_space<vmem>>) semaphore(%arg15 : memref<!tpu.dma_semaphore, #tpu.memory_space<semaphore_mem>>)
      %dma_start3A_94 = arith.constant 9 : i32
      %dma_start3A_95 = arith.constant 1152 : i32
      %dma_start3A_96 = arith.constant 0 : i32
      %dma_start3A_97 = tpu.memref_slice %arg13[%dma_start3A_95, %dma_start3A_96] : memref<3328x32xf32, #tpu.memory_space<vmem>> -> memref<128x32xf32, #tpu.memory_space<vmem>>
      %dma_start3A_98 = tpu.memref_slice %arg12[%dma_start3A_94, %multiple_of3A] : memref<26x512xi32, #tpu.memory_space<vmem>> -> memref<1x128xi32, #tpu.memory_space<vmem>>
      %dma_start3A_99 = tpu.memref_squeeze %dma_start3A_98 : memref<1x128xi32, #tpu.memory_space<vmem>> -> memref<128xi32, #tpu.memory_space<vmem>>
      %dma_start3A_100 = arith.constant 0 : i32
      %dma_start3A_101 = arith.constant 0 : i32
      %dma_start3A_102 = tpu.memref_slice %arg6[%dma_start3A_100, %dma_start3A_101] : memref<401408x32xf32, #tpu.memory_space<hbm>> -> memref<401408x32xf32, #tpu.memory_space<hbm>>
      tpu.enqueue_indirect_dma source(%dma_start3A_102 : memref<401408x32xf32, #tpu.memory_space<hbm>>) target(%dma_start3A_97 : memref<128x32xf32, #tpu.memory_space<vmem>>) offsets(%dma_start3A_99 : memref<128xi32, #tpu.memory_space<vmem>>) semaphore(%arg15 : memref<!tpu.dma_semaphore, #tpu.memory_space<semaphore_mem>>)
      %dma_start3A_103 = arith.constant 10 : i32
      %dma_start3A_104 = arith.constant 1280 : i32
      %dma_start3A_105 = arith.constant 0 : i32
      %dma_start3A_106 = tpu.memref_slice %arg13[%dma_start3A_104, %dma_start3A_105] : memref<3328x32xf32, #tpu.memory_space<vmem>> -> memref<128x32xf32, #tpu.memory_space<vmem>>
      %dma_start3A_107 = tpu.memref_slice %arg12[%dma_start3A_103, %multiple_of3A] : memref<26x512xi32, #tpu.memory_space<vmem>> -> memref<1x128xi32, #tpu.memory_space<vmem>>
      %dma_start3A_108 = tpu.memref_squeeze %dma_start3A_107 : memref<1x128xi32, #tpu.memory_space<vmem>> -> memref<128xi32, #tpu.memory_space<vmem>>
      %dma_start3A_109 = arith.constant 0 : i32
      %dma_start3A_110 = arith.constant 0 : i32
      %dma_start3A_111 = tpu.memref_slice %arg6[%dma_start3A_109, %dma_start3A_110] : memref<401408x32xf32, #tpu.memory_space<hbm>> -> memref<401408x32xf32, #tpu.memory_space<hbm>>
      tpu.enqueue_indirect_dma source(%dma_start3A_111 : memref<401408x32xf32, #tpu.memory_space<hbm>>) target(%dma_start3A_106 : memref<128x32xf32, #tpu.memory_space<vmem>>) offsets(%dma_start3A_108 : memref<128xi32, #tpu.memory_space<vmem>>) semaphore(%arg15 : memref<!tpu.dma_semaphore, #tpu.memory_space<semaphore_mem>>)
      %dma_start3A_112 = arith.constant 11 : i32
      %dma_start3A_113 = arith.constant 1408 : i32
      %dma_start3A_114 = arith.constant 0 : i32
      %dma_start3A_115 = tpu.memref_slice %arg13[%dma_start3A_113, %dma_start3A_114] : memref<3328x32xf32, #tpu.memory_space<vmem>> -> memref<128x32xf32, #tpu.memory_space<vmem>>
      %dma_start3A_116 = tpu.memref_slice %arg12[%dma_start3A_112, %multiple_of3A] : memref<26x512xi32, #tpu.memory_space<vmem>> -> memref<1x128xi32, #tpu.memory_space<vmem>>
      %dma_start3A_117 = tpu.memref_squeeze %dma_start3A_116 : memref<1x128xi32, #tpu.memory_space<vmem>> -> memref<128xi32, #tpu.memory_space<vmem>>
      %dma_start3A_118 = arith.constant 0 : i32
      %dma_start3A_119 = arith.constant 0 : i32
      %dma_start3A_120 = tpu.memref_slice %arg6[%dma_start3A_118, %dma_start3A_119] : memref<401408x32xf32, #tpu.memory_space<hbm>> -> memref<401408x32xf32, #tpu.memory_space<hbm>>
      tpu.enqueue_indirect_dma source(%dma_start3A_120 : memref<401408x32xf32, #tpu.memory_space<hbm>>) target(%dma_start3A_115 : memref<128x32xf32, #tpu.memory_space<vmem>>) offsets(%dma_start3A_117 : memref<128xi32, #tpu.memory_space<vmem>>) semaphore(%arg15 : memref<!tpu.dma_semaphore, #tpu.memory_space<semaphore_mem>>)
      %dma_start3A_121 = arith.constant 12 : i32
      %dma_start3A_122 = arith.constant 1536 : i32
      %dma_start3A_123 = arith.constant 0 : i32
      %dma_start3A_124 = tpu.memref_slice %arg13[%dma_start3A_122, %dma_start3A_123] : memref<3328x32xf32, #tpu.memory_space<vmem>> -> memref<128x32xf32, #tpu.memory_space<vmem>>
      %dma_start3A_125 = tpu.memref_slice %arg12[%dma_start3A_121, %multiple_of3A] : memref<26x512xi32, #tpu.memory_space<vmem>> -> memref<1x128xi32, #tpu.memory_space<vmem>>
      %dma_start3A_126 = tpu.memref_squeeze %dma_start3A_125 : memref<1x128xi32, #tpu.memory_space<vmem>> -> memref<128xi32, #tpu.memory_space<vmem>>
      %dma_start3A_127 = arith.constant 0 : i32
      %dma_start3A_128 = arith.constant 0 : i32
      %dma_start3A_129 = tpu.memref_slice %arg7[%dma_start3A_127, %dma_start3A_128] : memref<401408x32xf32, #tpu.memory_space<hbm>> -> memref<401408x32xf32, #tpu.memory_space<hbm>>
      tpu.enqueue_indirect_dma source(%dma_start3A_129 : memref<401408x32xf32, #tpu.memory_space<hbm>>) target(%dma_start3A_124 : memref<128x32xf32, #tpu.memory_space<vmem>>) offsets(%dma_start3A_126 : memref<128xi32, #tpu.memory_space<vmem>>) semaphore(%arg15 : memref<!tpu.dma_semaphore, #tpu.memory_space<semaphore_mem>>)
      %dma_start3A_130 = arith.constant 13 : i32
      %dma_start3A_131 = arith.constant 1664 : i32
      %dma_start3A_132 = arith.constant 0 : i32
      %dma_start3A_133 = tpu.memref_slice %arg13[%dma_start3A_131, %dma_start3A_132] : memref<3328x32xf32, #tpu.memory_space<vmem>> -> memref<128x32xf32, #tpu.memory_space<vmem>>
      %dma_start3A_134 = tpu.memref_slice %arg12[%dma_start3A_130, %multiple_of3A] : memref<26x512xi32, #tpu.memory_space<vmem>> -> memref<1x128xi32, #tpu.memory_space<vmem>>
      %dma_start3A_135 = tpu.memref_squeeze %dma_start3A_134 : memref<1x128xi32, #tpu.memory_space<vmem>> -> memref<128xi32, #tpu.memory_space<vmem>>
      %dma_start3A_136 = arith.constant 0 : i32
      %dma_start3A_137 = arith.constant 0 : i32
      %dma_start3A_138 = tpu.memref_slice %arg7[%dma_start3A_136, %dma_start3A_137] : memref<401408x32xf32, #tpu.memory_space<hbm>> -> memref<401408x32xf32, #tpu.memory_space<hbm>>
      tpu.enqueue_indirect_dma source(%dma_start3A_138 : memref<401408x32xf32, #tpu.memory_space<hbm>>) target(%dma_start3A_133 : memref<128x32xf32, #tpu.memory_space<vmem>>) offsets(%dma_start3A_135 : memref<128xi32, #tpu.memory_space<vmem>>) semaphore(%arg15 : memref<!tpu.dma_semaphore, #tpu.memory_space<semaphore_mem>>)
      %dma_start3A_139 = arith.constant 14 : i32
      %dma_start3A_140 = arith.constant 1792 : i32
      %dma_start3A_141 = arith.constant 0 : i32
      %dma_start3A_142 = tpu.memref_slice %arg13[%dma_start3A_140, %dma_start3A_141] : memref<3328x32xf32, #tpu.memory_space<vmem>> -> memref<128x32xf32, #tpu.memory_space<vmem>>
      %dma_start3A_143 = tpu.memref_slice %arg12[%dma_start3A_139, %multiple_of3A] : memref<26x512xi32, #tpu.memory_space<vmem>> -> memref<1x128xi32, #tpu.memory_space<vmem>>
      %dma_start3A_144 = tpu.memref_squeeze %dma_start3A_143 : memref<1x128xi32, #tpu.memory_space<vmem>> -> memref<128xi32, #tpu.memory_space<vmem>>
      %dma_start3A_145 = arith.constant 0 : i32
      %dma_start3A_146 = arith.constant 0 : i32
      %dma_start3A_147 = tpu.memref_slice %arg7[%dma_start3A_145, %dma_start3A_146] : memref<401408x32xf32, #tpu.memory_space<hbm>> -> memref<401408x32xf32, #tpu.memory_space<hbm>>
      tpu.enqueue_indirect_dma source(%dma_start3A_147 : memref<401408x32xf32, #tpu.memory_space<hbm>>) target(%dma_start3A_142 : memref<128x32xf32, #tpu.memory_space<vmem>>) offsets(%dma_start3A_144 : memref<128xi32, #tpu.memory_space<vmem>>) semaphore(%arg15 : memref<!tpu.dma_semaphore, #tpu.memory_space<semaphore_mem>>)
      %dma_start3A_148 = arith.constant 15 : i32
      %dma_start3A_149 = arith.constant 1920 : i32
      %dma_start3A_150 = arith.constant 0 : i32
      %dma_start3A_151 = tpu.memref_slice %arg13[%dma_start3A_149, %dma_start3A_150] : memref<3328x32xf32, #tpu.memory_space<vmem>> -> memref<128x32xf32, #tpu.memory_space<vmem>>
      %dma_start3A_152 = tpu.memref_slice %arg12[%dma_start3A_148, %multiple_of3A] : memref<26x512xi32, #tpu.memory_space<vmem>> -> memref<1x128xi32, #tpu.memory_space<vmem>>
      %dma_start3A_153 = tpu.memref_squeeze %dma_start3A_152 : memref<1x128xi32, #tpu.memory_space<vmem>> -> memref<128xi32, #tpu.memory_space<vmem>>
      %dma_start3A_154 = arith.constant 0 : i32
      %dma_start3A_155 = arith.constant 0 : i32
      %dma_start3A_156 = tpu.memref_slice %arg7[%dma_start3A_154, %dma_start3A_155] : memref<401408x32xf32, #tpu.memory_space<hbm>> -> memref<401408x32xf32, #tpu.memory_space<hbm>>
      tpu.enqueue_indirect_dma source(%dma_start3A_156 : memref<401408x32xf32, #tpu.memory_space<hbm>>) target(%dma_start3A_151 : memref<128x32xf32, #tpu.memory_space<vmem>>) offsets(%dma_start3A_153 : memref<128xi32, #tpu.memory_space<vmem>>) semaphore(%arg15 : memref<!tpu.dma_semaphore, #tpu.memory_space<semaphore_mem>>)
      %dma_start3A_157 = arith.constant 16 : i32
      %dma_start3A_158 = arith.constant 2048 : i32
      %dma_start3A_159 = arith.constant 0 : i32
      %dma_start3A_160 = tpu.memref_slice %arg13[%dma_start3A_158, %dma_start3A_159] : memref<3328x32xf32, #tpu.memory_space<vmem>> -> memref<128x32xf32, #tpu.memory_space<vmem>>
      %dma_start3A_161 = tpu.memref_slice %arg12[%dma_start3A_157, %multiple_of3A] : memref<26x512xi32, #tpu.memory_space<vmem>> -> memref<1x128xi32, #tpu.memory_space<vmem>>
      %dma_start3A_162 = tpu.memref_squeeze %dma_start3A_161 : memref<1x128xi32, #tpu.memory_space<vmem>> -> memref<128xi32, #tpu.memory_space<vmem>>
      %dma_start3A_163 = arith.constant 0 : i32
      %dma_start3A_164 = arith.constant 0 : i32
      %dma_start3A_165 = tpu.memref_slice %arg8[%dma_start3A_163, %dma_start3A_164] : memref<401408x32xf32, #tpu.memory_space<hbm>> -> memref<401408x32xf32, #tpu.memory_space<hbm>>
      tpu.enqueue_indirect_dma source(%dma_start3A_165 : memref<401408x32xf32, #tpu.memory_space<hbm>>) target(%dma_start3A_160 : memref<128x32xf32, #tpu.memory_space<vmem>>) offsets(%dma_start3A_162 : memref<128xi32, #tpu.memory_space<vmem>>) semaphore(%arg15 : memref<!tpu.dma_semaphore, #tpu.memory_space<semaphore_mem>>)
      %dma_start3A_166 = arith.constant 17 : i32
      %dma_start3A_167 = arith.constant 2176 : i32
      %dma_start3A_168 = arith.constant 0 : i32
      %dma_start3A_169 = tpu.memref_slice %arg13[%dma_start3A_167, %dma_start3A_168] : memref<3328x32xf32, #tpu.memory_space<vmem>> -> memref<128x32xf32, #tpu.memory_space<vmem>>
      %dma_start3A_170 = tpu.memref_slice %arg12[%dma_start3A_166, %multiple_of3A] : memref<26x512xi32, #tpu.memory_space<vmem>> -> memref<1x128xi32, #tpu.memory_space<vmem>>
      %dma_start3A_171 = tpu.memref_squeeze %dma_start3A_170 : memref<1x128xi32, #tpu.memory_space<vmem>> -> memref<128xi32, #tpu.memory_space<vmem>>
      %dma_start3A_172 = arith.constant 0 : i32
      %dma_start3A_173 = arith.constant 0 : i32
      %dma_start3A_174 = tpu.memref_slice %arg8[%dma_start3A_172, %dma_start3A_173] : memref<401408x32xf32, #tpu.memory_space<hbm>> -> memref<401408x32xf32, #tpu.memory_space<hbm>>
      tpu.enqueue_indirect_dma source(%dma_start3A_174 : memref<401408x32xf32, #tpu.memory_space<hbm>>) target(%dma_start3A_169 : memref<128x32xf32, #tpu.memory_space<vmem>>) offsets(%dma_start3A_171 : memref<128xi32, #tpu.memory_space<vmem>>) semaphore(%arg15 : memref<!tpu.dma_semaphore, #tpu.memory_space<semaphore_mem>>)
      %dma_start3A_175 = arith.constant 18 : i32
      %dma_start3A_176 = arith.constant 2304 : i32
      %dma_start3A_177 = arith.constant 0 : i32
      %dma_start3A_178 = tpu.memref_slice %arg13[%dma_start3A_176, %dma_start3A_177] : memref<3328x32xf32, #tpu.memory_space<vmem>> -> memref<128x32xf32, #tpu.memory_space<vmem>>
      %dma_start3A_179 = tpu.memref_slice %arg12[%dma_start3A_175, %multiple_of3A] : memref<26x512xi32, #tpu.memory_space<vmem>> -> memref<1x128xi32, #tpu.memory_space<vmem>>
      %dma_start3A_180 = tpu.memref_squeeze %dma_start3A_179 : memref<1x128xi32, #tpu.memory_space<vmem>> -> memref<128xi32, #tpu.memory_space<vmem>>
      %dma_start3A_181 = arith.constant 0 : i32
      %dma_start3A_182 = arith.constant 0 : i32
      %dma_start3A_183 = tpu.memref_slice %arg8[%dma_start3A_181, %dma_start3A_182] : memref<401408x32xf32, #tpu.memory_space<hbm>> -> memref<401408x32xf32, #tpu.memory_space<hbm>>
      tpu.enqueue_indirect_dma source(%dma_start3A_183 : memref<401408x32xf32, #tpu.memory_space<hbm>>) target(%dma_start3A_178 : memref<128x32xf32, #tpu.memory_space<vmem>>) offsets(%dma_start3A_180 : memref<128xi32, #tpu.memory_space<vmem>>) semaphore(%arg15 : memref<!tpu.dma_semaphore, #tpu.memory_space<semaphore_mem>>)
      %dma_start3A_184 = arith.constant 19 : i32
      %dma_start3A_185 = arith.constant 2432 : i32
      %dma_start3A_186 = arith.constant 0 : i32
      %dma_start3A_187 = tpu.memref_slice %arg13[%dma_start3A_185, %dma_start3A_186] : memref<3328x32xf32, #tpu.memory_space<vmem>> -> memref<128x32xf32, #tpu.memory_space<vmem>>
      %dma_start3A_188 = tpu.memref_slice %arg12[%dma_start3A_184, %multiple_of3A] : memref<26x512xi32, #tpu.memory_space<vmem>> -> memref<1x128xi32, #tpu.memory_space<vmem>>
      %dma_start3A_189 = tpu.memref_squeeze %dma_start3A_188 : memref<1x128xi32, #tpu.memory_space<vmem>> -> memref<128xi32, #tpu.memory_space<vmem>>
      %dma_start3A_190 = arith.constant 0 : i32
      %dma_start3A_191 = arith.constant 0 : i32
      %dma_start3A_192 = tpu.memref_slice %arg8[%dma_start3A_190, %dma_start3A_191] : memref<401408x32xf32, #tpu.memory_space<hbm>> -> memref<401408x32xf32, #tpu.memory_space<hbm>>
      tpu.enqueue_indirect_dma source(%dma_start3A_192 : memref<401408x32xf32, #tpu.memory_space<hbm>>) target(%dma_start3A_187 : memref<128x32xf32, #tpu.memory_space<vmem>>) offsets(%dma_start3A_189 : memref<128xi32, #tpu.memory_space<vmem>>) semaphore(%arg15 : memref<!tpu.dma_semaphore, #tpu.memory_space<semaphore_mem>>)
      %dma_start3A_193 = arith.constant 20 : i32
      %dma_start3A_194 = arith.constant 2560 : i32
      %dma_start3A_195 = arith.constant 0 : i32
      %dma_start3A_196 = tpu.memref_slice %arg13[%dma_start3A_194, %dma_start3A_195] : memref<3328x32xf32, #tpu.memory_space<vmem>> -> memref<128x32xf32, #tpu.memory_space<vmem>>
      %dma_start3A_197 = tpu.memref_slice %arg12[%dma_start3A_193, %multiple_of3A] : memref<26x512xi32, #tpu.memory_space<vmem>> -> memref<1x128xi32, #tpu.memory_space<vmem>>
      %dma_start3A_198 = tpu.memref_squeeze %dma_start3A_197 : memref<1x128xi32, #tpu.memory_space<vmem>> -> memref<128xi32, #tpu.memory_space<vmem>>
      %dma_start3A_199 = arith.constant 0 : i32
      %dma_start3A_200 = arith.constant 0 : i32
      %dma_start3A_201 = tpu.memref_slice %arg9[%dma_start3A_199, %dma_start3A_200] : memref<401408x32xf32, #tpu.memory_space<hbm>> -> memref<401408x32xf32, #tpu.memory_space<hbm>>
      tpu.enqueue_indirect_dma source(%dma_start3A_201 : memref<401408x32xf32, #tpu.memory_space<hbm>>) target(%dma_start3A_196 : memref<128x32xf32, #tpu.memory_space<vmem>>) offsets(%dma_start3A_198 : memref<128xi32, #tpu.memory_space<vmem>>) semaphore(%arg15 : memref<!tpu.dma_semaphore, #tpu.memory_space<semaphore_mem>>)
      %dma_start3A_202 = arith.constant 21 : i32
      %dma_start3A_203 = arith.constant 2688 : i32
      %dma_start3A_204 = arith.constant 0 : i32
      %dma_start3A_205 = tpu.memref_slice %arg13[%dma_start3A_203, %dma_start3A_204] : memref<3328x32xf32, #tpu.memory_space<vmem>> -> memref<128x32xf32, #tpu.memory_space<vmem>>
      %dma_start3A_206 = tpu.memref_slice %arg12[%dma_start3A_202, %multiple_of3A] : memref<26x512xi32, #tpu.memory_space<vmem>> -> memref<1x128xi32, #tpu.memory_space<vmem>>
      %dma_start3A_207 = tpu.memref_squeeze %dma_start3A_206 : memref<1x128xi32, #tpu.memory_space<vmem>> -> memref<128xi32, #tpu.memory_space<vmem>>
      %dma_start3A_208 = arith.constant 0 : i32
      %dma_start3A_209 = arith.constant 0 : i32
      %dma_start3A_210 = tpu.memref_slice %arg9[%dma_start3A_208, %dma_start3A_209] : memref<401408x32xf32, #tpu.memory_space<hbm>> -> memref<401408x32xf32, #tpu.memory_space<hbm>>
      tpu.enqueue_indirect_dma source(%dma_start3A_210 : memref<401408x32xf32, #tpu.memory_space<hbm>>) target(%dma_start3A_205 : memref<128x32xf32, #tpu.memory_space<vmem>>) offsets(%dma_start3A_207 : memref<128xi32, #tpu.memory_space<vmem>>) semaphore(%arg15 : memref<!tpu.dma_semaphore, #tpu.memory_space<semaphore_mem>>)
      %dma_start3A_211 = arith.constant 22 : i32
      %dma_start3A_212 = arith.constant 2816 : i32
      %dma_start3A_213 = arith.constant 0 : i32
      %dma_start3A_214 = tpu.memref_slice %arg13[%dma_start3A_212, %dma_start3A_213] : memref<3328x32xf32, #tpu.memory_space<vmem>> -> memref<128x32xf32, #tpu.memory_space<vmem>>
      %dma_start3A_215 = tpu.memref_slice %arg12[%dma_start3A_211, %multiple_of3A] : memref<26x512xi32, #tpu.memory_space<vmem>> -> memref<1x128xi32, #tpu.memory_space<vmem>>
      %dma_start3A_216 = tpu.memref_squeeze %dma_start3A_215 : memref<1x128xi32, #tpu.memory_space<vmem>> -> memref<128xi32, #tpu.memory_space<vmem>>
      %dma_start3A_217 = arith.constant 0 : i32
      %dma_start3A_218 = arith.constant 0 : i32
      %dma_start3A_219 = tpu.memref_slice %arg9[%dma_start3A_217, %dma_start3A_218] : memref<401408x32xf32, #tpu.memory_space<hbm>> -> memref<401408x32xf32, #tpu.memory_space<hbm>>
      tpu.enqueue_indirect_dma source(%dma_start3A_219 : memref<401408x32xf32, #tpu.memory_space<hbm>>) target(%dma_start3A_214 : memref<128x32xf32, #tpu.memory_space<vmem>>) offsets(%dma_start3A_216 : memref<128xi32, #tpu.memory_space<vmem>>) semaphore(%arg15 : memref<!tpu.dma_semaphore, #tpu.memory_space<semaphore_mem>>)
      %dma_start3A_220 = arith.constant 23 : i32
      %dma_start3A_221 = arith.constant 2944 : i32
      %dma_start3A_222 = arith.constant 0 : i32
      %dma_start3A_223 = tpu.memref_slice %arg13[%dma_start3A_221, %dma_start3A_222] : memref<3328x32xf32, #tpu.memory_space<vmem>> -> memref<128x32xf32, #tpu.memory_space<vmem>>
      %dma_start3A_224 = tpu.memref_slice %arg12[%dma_start3A_220, %multiple_of3A] : memref<26x512xi32, #tpu.memory_space<vmem>> -> memref<1x128xi32, #tpu.memory_space<vmem>>
      %dma_start3A_225 = tpu.memref_squeeze %dma_start3A_224 : memref<1x128xi32, #tpu.memory_space<vmem>> -> memref<128xi32, #tpu.memory_space<vmem>>
      %dma_start3A_226 = arith.constant 0 : i32
      %dma_start3A_227 = arith.constant 0 : i32
      %dma_start3A_228 = tpu.memref_slice %arg9[%dma_start3A_226, %dma_start3A_227] : memref<401408x32xf32, #tpu.memory_space<hbm>> -> memref<401408x32xf32, #tpu.memory_space<hbm>>
      tpu.enqueue_indirect_dma source(%dma_start3A_228 : memref<401408x32xf32, #tpu.memory_space<hbm>>) target(%dma_start3A_223 : memref<128x32xf32, #tpu.memory_space<vmem>>) offsets(%dma_start3A_225 : memref<128xi32, #tpu.memory_space<vmem>>) semaphore(%arg15 : memref<!tpu.dma_semaphore, #tpu.memory_space<semaphore_mem>>)
      %dma_start3A_229 = arith.constant 24 : i32
      %dma_start3A_230 = arith.constant 3072 : i32
      %dma_start3A_231 = arith.constant 0 : i32
      %dma_start3A_232 = tpu.memref_slice %arg13[%dma_start3A_230, %dma_start3A_231] : memref<3328x32xf32, #tpu.memory_space<vmem>> -> memref<128x32xf32, #tpu.memory_space<vmem>>
      %dma_start3A_233 = tpu.memref_slice %arg12[%dma_start3A_229, %multiple_of3A] : memref<26x512xi32, #tpu.memory_space<vmem>> -> memref<1x128xi32, #tpu.memory_space<vmem>>
      %dma_start3A_234 = tpu.memref_squeeze %dma_start3A_233 : memref<1x128xi32, #tpu.memory_space<vmem>> -> memref<128xi32, #tpu.memory_space<vmem>>
      %dma_start3A_235 = arith.constant 0 : i32
      %dma_start3A_236 = arith.constant 0 : i32
      %dma_start3A_237 = tpu.memref_slice %arg10[%dma_start3A_235, %dma_start3A_236] : memref<401408x32xf32, #tpu.memory_space<hbm>> -> memref<401408x32xf32, #tpu.memory_space<hbm>>
      tpu.enqueue_indirect_dma source(%dma_start3A_237 : memref<401408x32xf32, #tpu.memory_space<hbm>>) target(%dma_start3A_232 : memref<128x32xf32, #tpu.memory_space<vmem>>) offsets(%dma_start3A_234 : memref<128xi32, #tpu.memory_space<vmem>>) semaphore(%arg15 : memref<!tpu.dma_semaphore, #tpu.memory_space<semaphore_mem>>)
      %dma_start3A_238 = arith.constant 25 : i32
      %dma_start3A_239 = arith.constant 3200 : i32
      %dma_start3A_240 = arith.constant 0 : i32
      %dma_start3A_241 = tpu.memref_slice %arg13[%dma_start3A_239, %dma_start3A_240] : memref<3328x32xf32, #tpu.memory_space<vmem>> -> memref<128x32xf32, #tpu.memory_space<vmem>>
      %dma_start3A_242 = tpu.memref_slice %arg12[%dma_start3A_238, %multiple_of3A] : memref<26x512xi32, #tpu.memory_space<vmem>> -> memref<1x128xi32, #tpu.memory_space<vmem>>
      %dma_start3A_243 = tpu.memref_squeeze %dma_start3A_242 : memref<1x128xi32, #tpu.memory_space<vmem>> -> memref<128xi32, #tpu.memory_space<vmem>>
      %dma_start3A_244 = arith.constant 0 : i32
      %dma_start3A_245 = arith.constant 0 : i32
      %dma_start3A_246 = tpu.memref_slice %arg10[%dma_start3A_244, %dma_start3A_245] : memref<401408x32xf32, #tpu.memory_space<hbm>> -> memref<401408x32xf32, #tpu.memory_space<hbm>>
      tpu.enqueue_indirect_dma source(%dma_start3A_246 : memref<401408x32xf32, #tpu.memory_space<hbm>>) target(%dma_start3A_241 : memref<128x32xf32, #tpu.memory_space<vmem>>) offsets(%dma_start3A_243 : memref<128xi32, #tpu.memory_space<vmem>>) semaphore(%arg15 : memref<!tpu.dma_semaphore, #tpu.memory_space<semaphore_mem>>)
      "tpu.region"() ({
        %run_scoped3A = tpu.sem_alloc : memref<!tpu.dma_semaphore, #tpu.memory_space<semaphore_mem>>
        %dma_start3A_1009 = arith.constant 0 : i32
        %dma_start3A_1010 = tpu.memref_slice %arg3[%add3A_13, %dma_start3A_1009] : memref<16384x1xf32, #tpu.memory_space<hbm>> -> memref<128x1xf32, #tpu.memory_space<hbm>>
        %dma_start3A_1011 = arith.constant 0 : i32
        %dma_start3A_1012 = tpu.memref_slice %arg3[%add3A_13, %dma_start3A_1011] : memref<16384x1xf32, #tpu.memory_space<hbm>> -> memref<128x1xf32, #tpu.memory_space<hbm>>
        tpu.enqueue_dma source(%dma_start3A_1012 : memref<128x1xf32, #tpu.memory_space<hbm>>) target(%arg14 : memref<128x1xf32, #tpu.memory_space<vmem>>) target_semaphore(%run_scoped3A : memref<!tpu.dma_semaphore, #tpu.memory_space<semaphore_mem>>)
        %dma_wait3A_1013 = arith.constant 0 : i32
        %dma_wait3A_1014 = tpu.memref_slice %arg3[%add3A_13, %dma_wait3A_1013] : memref<16384x1xf32, #tpu.memory_space<hbm>> -> memref<128x1xf32, #tpu.memory_space<hbm>>
        %dma_wait3A_1015 = arith.constant 0 : i32
        %dma_wait3A_1016 = tpu.memref_slice %arg3[%add3A_13, %dma_wait3A_1015] : memref<16384x1xf32, #tpu.memory_space<hbm>> -> memref<128x1xf32, #tpu.memory_space<hbm>>
        tpu.wait_dma2 semaphore(%run_scoped3A : memref<!tpu.dma_semaphore, #tpu.memory_space<semaphore_mem>>) src(%dma_wait3A_1016 : memref<128x1xf32, #tpu.memory_space<hbm>>) dst(%arg14 : memref<128x1xf32, #tpu.memory_space<vmem>>)
        tpu.yield
      }) : () -> ()
      %dma_wait3A = arith.constant 0 : i32
      %dma_wait3A_247 = arith.constant 0 : i32
      %dma_wait3A_248 = arith.constant 0 : i32
      %dma_wait3A_249 = tpu.memref_slice %arg13[%dma_wait3A_247, %dma_wait3A_248] : memref<3328x32xf32, #tpu.memory_space<vmem>> -> memref<128x32xf32, #tpu.memory_space<vmem>>
      %dma_wait3A_250 = tpu.memref_slice %arg12[%dma_wait3A, %multiple_of3A] : memref<26x512xi32, #tpu.memory_space<vmem>> -> memref<1x128xi32, #tpu.memory_space<vmem>>
      %dma_wait3A_251 = tpu.memref_squeeze %dma_wait3A_250 : memref<1x128xi32, #tpu.memory_space<vmem>> -> memref<128xi32, #tpu.memory_space<vmem>>
      %dma_wait3A_252 = arith.constant 0 : i32
      %dma_wait3A_253 = arith.constant 0 : i32
      %dma_wait3A_254 = tpu.memref_slice %arg4[%dma_wait3A_252, %dma_wait3A_253] : memref<401408x32xf32, #tpu.memory_space<hbm>> -> memref<401408x32xf32, #tpu.memory_space<hbm>>
      tpu.wait_indirect_dma semaphore(%arg15 : memref<!tpu.dma_semaphore, #tpu.memory_space<semaphore_mem>>) src(%dma_wait3A_254 : memref<401408x32xf32, #tpu.memory_space<hbm>>) dst(%dma_wait3A_249 : memref<128x32xf32, #tpu.memory_space<vmem>>)
      %dma_wait3A_255 = arith.constant 1 : i32
      %dma_wait3A_256 = arith.constant 128 : i32
      %dma_wait3A_257 = arith.constant 0 : i32
      %dma_wait3A_258 = tpu.memref_slice %arg13[%dma_wait3A_256, %dma_wait3A_257] : memref<3328x32xf32, #tpu.memory_space<vmem>> -> memref<128x32xf32, #tpu.memory_space<vmem>>
      %dma_wait3A_259 = tpu.memref_slice %arg12[%dma_wait3A_255, %multiple_of3A] : memref<26x512xi32, #tpu.memory_space<vmem>> -> memref<1x128xi32, #tpu.memory_space<vmem>>
      %dma_wait3A_260 = tpu.memref_squeeze %dma_wait3A_259 : memref<1x128xi32, #tpu.memory_space<vmem>> -> memref<128xi32, #tpu.memory_space<vmem>>
      %dma_wait3A_261 = arith.constant 0 : i32
      %dma_wait3A_262 = arith.constant 0 : i32
      %dma_wait3A_263 = tpu.memref_slice %arg4[%dma_wait3A_261, %dma_wait3A_262] : memref<401408x32xf32, #tpu.memory_space<hbm>> -> memref<401408x32xf32, #tpu.memory_space<hbm>>
      tpu.wait_indirect_dma semaphore(%arg15 : memref<!tpu.dma_semaphore, #tpu.memory_space<semaphore_mem>>) src(%dma_wait3A_263 : memref<401408x32xf32, #tpu.memory_space<hbm>>) dst(%dma_wait3A_258 : memref<128x32xf32, #tpu.memory_space<vmem>>)
      %dma_wait3A_264 = arith.constant 2 : i32
      %dma_wait3A_265 = arith.constant 256 : i32
      %dma_wait3A_266 = arith.constant 0 : i32
      %dma_wait3A_267 = tpu.memref_slice %arg13[%dma_wait3A_265, %dma_wait3A_266] : memref<3328x32xf32, #tpu.memory_space<vmem>> -> memref<128x32xf32, #tpu.memory_space<vmem>>
      %dma_wait3A_268 = tpu.memref_slice %arg12[%dma_wait3A_264, %multiple_of3A] : memref<26x512xi32, #tpu.memory_space<vmem>> -> memref<1x128xi32, #tpu.memory_space<vmem>>
      %dma_wait3A_269 = tpu.memref_squeeze %dma_wait3A_268 : memref<1x128xi32, #tpu.memory_space<vmem>> -> memref<128xi32, #tpu.memory_space<vmem>>
      %dma_wait3A_270 = arith.constant 0 : i32
      %dma_wait3A_271 = arith.constant 0 : i32
      %dma_wait3A_272 = tpu.memref_slice %arg4[%dma_wait3A_270, %dma_wait3A_271] : memref<401408x32xf32, #tpu.memory_space<hbm>> -> memref<401408x32xf32, #tpu.memory_space<hbm>>
      tpu.wait_indirect_dma semaphore(%arg15 : memref<!tpu.dma_semaphore, #tpu.memory_space<semaphore_mem>>) src(%dma_wait3A_272 : memref<401408x32xf32, #tpu.memory_space<hbm>>) dst(%dma_wait3A_267 : memref<128x32xf32, #tpu.memory_space<vmem>>)
      %dma_wait3A_273 = arith.constant 3 : i32
      %dma_wait3A_274 = arith.constant 384 : i32
      %dma_wait3A_275 = arith.constant 0 : i32
      %dma_wait3A_276 = tpu.memref_slice %arg13[%dma_wait3A_274, %dma_wait3A_275] : memref<3328x32xf32, #tpu.memory_space<vmem>> -> memref<128x32xf32, #tpu.memory_space<vmem>>
      %dma_wait3A_277 = tpu.memref_slice %arg12[%dma_wait3A_273, %multiple_of3A] : memref<26x512xi32, #tpu.memory_space<vmem>> -> memref<1x128xi32, #tpu.memory_space<vmem>>
      %dma_wait3A_278 = tpu.memref_squeeze %dma_wait3A_277 : memref<1x128xi32, #tpu.memory_space<vmem>> -> memref<128xi32, #tpu.memory_space<vmem>>
      %dma_wait3A_279 = arith.constant 0 : i32
      %dma_wait3A_280 = arith.constant 0 : i32
      %dma_wait3A_281 = tpu.memref_slice %arg4[%dma_wait3A_279, %dma_wait3A_280] : memref<401408x32xf32, #tpu.memory_space<hbm>> -> memref<401408x32xf32, #tpu.memory_space<hbm>>
      tpu.wait_indirect_dma semaphore(%arg15 : memref<!tpu.dma_semaphore, #tpu.memory_space<semaphore_mem>>) src(%dma_wait3A_281 : memref<401408x32xf32, #tpu.memory_space<hbm>>) dst(%dma_wait3A_276 : memref<128x32xf32, #tpu.memory_space<vmem>>)
      %dma_wait3A_282 = arith.constant 4 : i32
      %dma_wait3A_283 = arith.constant 512 : i32
      %dma_wait3A_284 = arith.constant 0 : i32
      %dma_wait3A_285 = tpu.memref_slice %arg13[%dma_wait3A_283, %dma_wait3A_284] : memref<3328x32xf32, #tpu.memory_space<vmem>> -> memref<128x32xf32, #tpu.memory_space<vmem>>
      %dma_wait3A_286 = tpu.memref_slice %arg12[%dma_wait3A_282, %multiple_of3A] : memref<26x512xi32, #tpu.memory_space<vmem>> -> memref<1x128xi32, #tpu.memory_space<vmem>>
      %dma_wait3A_287 = tpu.memref_squeeze %dma_wait3A_286 : memref<1x128xi32, #tpu.memory_space<vmem>> -> memref<128xi32, #tpu.memory_space<vmem>>
      %dma_wait3A_288 = arith.constant 0 : i32
      %dma_wait3A_289 = arith.constant 0 : i32
      %dma_wait3A_290 = tpu.memref_slice %arg5[%dma_wait3A_288, %dma_wait3A_289] : memref<401408x32xf32, #tpu.memory_space<hbm>> -> memref<401408x32xf32, #tpu.memory_space<hbm>>
      tpu.wait_indirect_dma semaphore(%arg15 : memref<!tpu.dma_semaphore, #tpu.memory_space<semaphore_mem>>) src(%dma_wait3A_290 : memref<401408x32xf32, #tpu.memory_space<hbm>>) dst(%dma_wait3A_285 : memref<128x32xf32, #tpu.memory_space<vmem>>)
      %dma_wait3A_291 = arith.constant 5 : i32
      %dma_wait3A_292 = arith.constant 640 : i32
      %dma_wait3A_293 = arith.constant 0 : i32
      %dma_wait3A_294 = tpu.memref_slice %arg13[%dma_wait3A_292, %dma_wait3A_293] : memref<3328x32xf32, #tpu.memory_space<vmem>> -> memref<128x32xf32, #tpu.memory_space<vmem>>
      %dma_wait3A_295 = tpu.memref_slice %arg12[%dma_wait3A_291, %multiple_of3A] : memref<26x512xi32, #tpu.memory_space<vmem>> -> memref<1x128xi32, #tpu.memory_space<vmem>>
      %dma_wait3A_296 = tpu.memref_squeeze %dma_wait3A_295 : memref<1x128xi32, #tpu.memory_space<vmem>> -> memref<128xi32, #tpu.memory_space<vmem>>
      %dma_wait3A_297 = arith.constant 0 : i32
      %dma_wait3A_298 = arith.constant 0 : i32
      %dma_wait3A_299 = tpu.memref_slice %arg5[%dma_wait3A_297, %dma_wait3A_298] : memref<401408x32xf32, #tpu.memory_space<hbm>> -> memref<401408x32xf32, #tpu.memory_space<hbm>>
      tpu.wait_indirect_dma semaphore(%arg15 : memref<!tpu.dma_semaphore, #tpu.memory_space<semaphore_mem>>) src(%dma_wait3A_299 : memref<401408x32xf32, #tpu.memory_space<hbm>>) dst(%dma_wait3A_294 : memref<128x32xf32, #tpu.memory_space<vmem>>)
      %dma_wait3A_300 = arith.constant 6 : i32
      %dma_wait3A_301 = arith.constant 768 : i32
      %dma_wait3A_302 = arith.constant 0 : i32
      %dma_wait3A_303 = tpu.memref_slice %arg13[%dma_wait3A_301, %dma_wait3A_302] : memref<3328x32xf32, #tpu.memory_space<vmem>> -> memref<128x32xf32, #tpu.memory_space<vmem>>
      %dma_wait3A_304 = tpu.memref_slice %arg12[%dma_wait3A_300, %multiple_of3A] : memref<26x512xi32, #tpu.memory_space<vmem>> -> memref<1x128xi32, #tpu.memory_space<vmem>>
      %dma_wait3A_305 = tpu.memref_squeeze %dma_wait3A_304 : memref<1x128xi32, #tpu.memory_space<vmem>> -> memref<128xi32, #tpu.memory_space<vmem>>
      %dma_wait3A_306 = arith.constant 0 : i32
      %dma_wait3A_307 = arith.constant 0 : i32
      %dma_wait3A_308 = tpu.memref_slice %arg5[%dma_wait3A_306, %dma_wait3A_307] : memref<401408x32xf32, #tpu.memory_space<hbm>> -> memref<401408x32xf32, #tpu.memory_space<hbm>>
      tpu.wait_indirect_dma semaphore(%arg15 : memref<!tpu.dma_semaphore, #tpu.memory_space<semaphore_mem>>) src(%dma_wait3A_308 : memref<401408x32xf32, #tpu.memory_space<hbm>>) dst(%dma_wait3A_303 : memref<128x32xf32, #tpu.memory_space<vmem>>)
      %dma_wait3A_309 = arith.constant 7 : i32
      %dma_wait3A_310 = arith.constant 896 : i32
      %dma_wait3A_311 = arith.constant 0 : i32
      %dma_wait3A_312 = tpu.memref_slice %arg13[%dma_wait3A_310, %dma_wait3A_311] : memref<3328x32xf32, #tpu.memory_space<vmem>> -> memref<128x32xf32, #tpu.memory_space<vmem>>
      %dma_wait3A_313 = tpu.memref_slice %arg12[%dma_wait3A_309, %multiple_of3A] : memref<26x512xi32, #tpu.memory_space<vmem>> -> memref<1x128xi32, #tpu.memory_space<vmem>>
      %dma_wait3A_314 = tpu.memref_squeeze %dma_wait3A_313 : memref<1x128xi32, #tpu.memory_space<vmem>> -> memref<128xi32, #tpu.memory_space<vmem>>
      %dma_wait3A_315 = arith.constant 0 : i32
      %dma_wait3A_316 = arith.constant 0 : i32
      %dma_wait3A_317 = tpu.memref_slice %arg5[%dma_wait3A_315, %dma_wait3A_316] : memref<401408x32xf32, #tpu.memory_space<hbm>> -> memref<401408x32xf32, #tpu.memory_space<hbm>>
      tpu.wait_indirect_dma semaphore(%arg15 : memref<!tpu.dma_semaphore, #tpu.memory_space<semaphore_mem>>) src(%dma_wait3A_317 : memref<401408x32xf32, #tpu.memory_space<hbm>>) dst(%dma_wait3A_312 : memref<128x32xf32, #tpu.memory_space<vmem>>)
      %dma_wait3A_318 = arith.constant 8 : i32
      %dma_wait3A_319 = arith.constant 1024 : i32
      %dma_wait3A_320 = arith.constant 0 : i32
      %dma_wait3A_321 = tpu.memref_slice %arg13[%dma_wait3A_319, %dma_wait3A_320] : memref<3328x32xf32, #tpu.memory_space<vmem>> -> memref<128x32xf32, #tpu.memory_space<vmem>>
      %dma_wait3A_322 = tpu.memref_slice %arg12[%dma_wait3A_318, %multiple_of3A] : memref<26x512xi32, #tpu.memory_space<vmem>> -> memref<1x128xi32, #tpu.memory_space<vmem>>
      %dma_wait3A_323 = tpu.memref_squeeze %dma_wait3A_322 : memref<1x128xi32, #tpu.memory_space<vmem>> -> memref<128xi32, #tpu.memory_space<vmem>>
      %dma_wait3A_324 = arith.constant 0 : i32
      %dma_wait3A_325 = arith.constant 0 : i32
      %dma_wait3A_326 = tpu.memref_slice %arg6[%dma_wait3A_324, %dma_wait3A_325] : memref<401408x32xf32, #tpu.memory_space<hbm>> -> memref<401408x32xf32, #tpu.memory_space<hbm>>
      tpu.wait_indirect_dma semaphore(%arg15 : memref<!tpu.dma_semaphore, #tpu.memory_space<semaphore_mem>>) src(%dma_wait3A_326 : memref<401408x32xf32, #tpu.memory_space<hbm>>) dst(%dma_wait3A_321 : memref<128x32xf32, #tpu.memory_space<vmem>>)
      %dma_wait3A_327 = arith.constant 9 : i32
      %dma_wait3A_328 = arith.constant 1152 : i32
      %dma_wait3A_329 = arith.constant 0 : i32
      %dma_wait3A_330 = tpu.memref_slice %arg13[%dma_wait3A_328, %dma_wait3A_329] : memref<3328x32xf32, #tpu.memory_space<vmem>> -> memref<128x32xf32, #tpu.memory_space<vmem>>
      %dma_wait3A_331 = tpu.memref_slice %arg12[%dma_wait3A_327, %multiple_of3A] : memref<26x512xi32, #tpu.memory_space<vmem>> -> memref<1x128xi32, #tpu.memory_space<vmem>>
      %dma_wait3A_332 = tpu.memref_squeeze %dma_wait3A_331 : memref<1x128xi32, #tpu.memory_space<vmem>> -> memref<128xi32, #tpu.memory_space<vmem>>
      %dma_wait3A_333 = arith.constant 0 : i32
      %dma_wait3A_334 = arith.constant 0 : i32
      %dma_wait3A_335 = tpu.memref_slice %arg6[%dma_wait3A_333, %dma_wait3A_334] : memref<401408x32xf32, #tpu.memory_space<hbm>> -> memref<401408x32xf32, #tpu.memory_space<hbm>>
      tpu.wait_indirect_dma semaphore(%arg15 : memref<!tpu.dma_semaphore, #tpu.memory_space<semaphore_mem>>) src(%dma_wait3A_335 : memref<401408x32xf32, #tpu.memory_space<hbm>>) dst(%dma_wait3A_330 : memref<128x32xf32, #tpu.memory_space<vmem>>)
      %dma_wait3A_336 = arith.constant 10 : i32
      %dma_wait3A_337 = arith.constant 1280 : i32
      %dma_wait3A_338 = arith.constant 0 : i32
      %dma_wait3A_339 = tpu.memref_slice %arg13[%dma_wait3A_337, %dma_wait3A_338] : memref<3328x32xf32, #tpu.memory_space<vmem>> -> memref<128x32xf32, #tpu.memory_space<vmem>>
      %dma_wait3A_340 = tpu.memref_slice %arg12[%dma_wait3A_336, %multiple_of3A] : memref<26x512xi32, #tpu.memory_space<vmem>> -> memref<1x128xi32, #tpu.memory_space<vmem>>
      %dma_wait3A_341 = tpu.memref_squeeze %dma_wait3A_340 : memref<1x128xi32, #tpu.memory_space<vmem>> -> memref<128xi32, #tpu.memory_space<vmem>>
      %dma_wait3A_342 = arith.constant 0 : i32
      %dma_wait3A_343 = arith.constant 0 : i32
      %dma_wait3A_344 = tpu.memref_slice %arg6[%dma_wait3A_342, %dma_wait3A_343] : memref<401408x32xf32, #tpu.memory_space<hbm>> -> memref<401408x32xf32, #tpu.memory_space<hbm>>
      tpu.wait_indirect_dma semaphore(%arg15 : memref<!tpu.dma_semaphore, #tpu.memory_space<semaphore_mem>>) src(%dma_wait3A_344 : memref<401408x32xf32, #tpu.memory_space<hbm>>) dst(%dma_wait3A_339 : memref<128x32xf32, #tpu.memory_space<vmem>>)
      %dma_wait3A_345 = arith.constant 11 : i32
      %dma_wait3A_346 = arith.constant 1408 : i32
      %dma_wait3A_347 = arith.constant 0 : i32
      %dma_wait3A_348 = tpu.memref_slice %arg13[%dma_wait3A_346, %dma_wait3A_347] : memref<3328x32xf32, #tpu.memory_space<vmem>> -> memref<128x32xf32, #tpu.memory_space<vmem>>
      %dma_wait3A_349 = tpu.memref_slice %arg12[%dma_wait3A_345, %multiple_of3A] : memref<26x512xi32, #tpu.memory_space<vmem>> -> memref<1x128xi32, #tpu.memory_space<vmem>>
      %dma_wait3A_350 = tpu.memref_squeeze %dma_wait3A_349 : memref<1x128xi32, #tpu.memory_space<vmem>> -> memref<128xi32, #tpu.memory_space<vmem>>
      %dma_wait3A_351 = arith.constant 0 : i32
      %dma_wait3A_352 = arith.constant 0 : i32
      %dma_wait3A_353 = tpu.memref_slice %arg6[%dma_wait3A_351, %dma_wait3A_352] : memref<401408x32xf32, #tpu.memory_space<hbm>> -> memref<401408x32xf32, #tpu.memory_space<hbm>>
      tpu.wait_indirect_dma semaphore(%arg15 : memref<!tpu.dma_semaphore, #tpu.memory_space<semaphore_mem>>) src(%dma_wait3A_353 : memref<401408x32xf32, #tpu.memory_space<hbm>>) dst(%dma_wait3A_348 : memref<128x32xf32, #tpu.memory_space<vmem>>)
      %dma_wait3A_354 = arith.constant 12 : i32
      %dma_wait3A_355 = arith.constant 1536 : i32
      %dma_wait3A_356 = arith.constant 0 : i32
      %dma_wait3A_357 = tpu.memref_slice %arg13[%dma_wait3A_355, %dma_wait3A_356] : memref<3328x32xf32, #tpu.memory_space<vmem>> -> memref<128x32xf32, #tpu.memory_space<vmem>>
      %dma_wait3A_358 = tpu.memref_slice %arg12[%dma_wait3A_354, %multiple_of3A] : memref<26x512xi32, #tpu.memory_space<vmem>> -> memref<1x128xi32, #tpu.memory_space<vmem>>
      %dma_wait3A_359 = tpu.memref_squeeze %dma_wait3A_358 : memref<1x128xi32, #tpu.memory_space<vmem>> -> memref<128xi32, #tpu.memory_space<vmem>>
      %dma_wait3A_360 = arith.constant 0 : i32
      %dma_wait3A_361 = arith.constant 0 : i32
      %dma_wait3A_362 = tpu.memref_slice %arg7[%dma_wait3A_360, %dma_wait3A_361] : memref<401408x32xf32, #tpu.memory_space<hbm>> -> memref<401408x32xf32, #tpu.memory_space<hbm>>
      tpu.wait_indirect_dma semaphore(%arg15 : memref<!tpu.dma_semaphore, #tpu.memory_space<semaphore_mem>>) src(%dma_wait3A_362 : memref<401408x32xf32, #tpu.memory_space<hbm>>) dst(%dma_wait3A_357 : memref<128x32xf32, #tpu.memory_space<vmem>>)
      %dma_wait3A_363 = arith.constant 13 : i32
      %dma_wait3A_364 = arith.constant 1664 : i32
      %dma_wait3A_365 = arith.constant 0 : i32
      %dma_wait3A_366 = tpu.memref_slice %arg13[%dma_wait3A_364, %dma_wait3A_365] : memref<3328x32xf32, #tpu.memory_space<vmem>> -> memref<128x32xf32, #tpu.memory_space<vmem>>
      %dma_wait3A_367 = tpu.memref_slice %arg12[%dma_wait3A_363, %multiple_of3A] : memref<26x512xi32, #tpu.memory_space<vmem>> -> memref<1x128xi32, #tpu.memory_space<vmem>>
      %dma_wait3A_368 = tpu.memref_squeeze %dma_wait3A_367 : memref<1x128xi32, #tpu.memory_space<vmem>> -> memref<128xi32, #tpu.memory_space<vmem>>
      %dma_wait3A_369 = arith.constant 0 : i32
      %dma_wait3A_370 = arith.constant 0 : i32
      %dma_wait3A_371 = tpu.memref_slice %arg7[%dma_wait3A_369, %dma_wait3A_370] : memref<401408x32xf32, #tpu.memory_space<hbm>> -> memref<401408x32xf32, #tpu.memory_space<hbm>>
      tpu.wait_indirect_dma semaphore(%arg15 : memref<!tpu.dma_semaphore, #tpu.memory_space<semaphore_mem>>) src(%dma_wait3A_371 : memref<401408x32xf32, #tpu.memory_space<hbm>>) dst(%dma_wait3A_366 : memref<128x32xf32, #tpu.memory_space<vmem>>)
      %dma_wait3A_372 = arith.constant 14 : i32
      %dma_wait3A_373 = arith.constant 1792 : i32
      %dma_wait3A_374 = arith.constant 0 : i32
      %dma_wait3A_375 = tpu.memref_slice %arg13[%dma_wait3A_373, %dma_wait3A_374] : memref<3328x32xf32, #tpu.memory_space<vmem>> -> memref<128x32xf32, #tpu.memory_space<vmem>>
      %dma_wait3A_376 = tpu.memref_slice %arg12[%dma_wait3A_372, %multiple_of3A] : memref<26x512xi32, #tpu.memory_space<vmem>> -> memref<1x128xi32, #tpu.memory_space<vmem>>
      %dma_wait3A_377 = tpu.memref_squeeze %dma_wait3A_376 : memref<1x128xi32, #tpu.memory_space<vmem>> -> memref<128xi32, #tpu.memory_space<vmem>>
      %dma_wait3A_378 = arith.constant 0 : i32
      %dma_wait3A_379 = arith.constant 0 : i32
      %dma_wait3A_380 = tpu.memref_slice %arg7[%dma_wait3A_378, %dma_wait3A_379] : memref<401408x32xf32, #tpu.memory_space<hbm>> -> memref<401408x32xf32, #tpu.memory_space<hbm>>
      tpu.wait_indirect_dma semaphore(%arg15 : memref<!tpu.dma_semaphore, #tpu.memory_space<semaphore_mem>>) src(%dma_wait3A_380 : memref<401408x32xf32, #tpu.memory_space<hbm>>) dst(%dma_wait3A_375 : memref<128x32xf32, #tpu.memory_space<vmem>>)
      %dma_wait3A_381 = arith.constant 15 : i32
      %dma_wait3A_382 = arith.constant 1920 : i32
      %dma_wait3A_383 = arith.constant 0 : i32
      %dma_wait3A_384 = tpu.memref_slice %arg13[%dma_wait3A_382, %dma_wait3A_383] : memref<3328x32xf32, #tpu.memory_space<vmem>> -> memref<128x32xf32, #tpu.memory_space<vmem>>
      %dma_wait3A_385 = tpu.memref_slice %arg12[%dma_wait3A_381, %multiple_of3A] : memref<26x512xi32, #tpu.memory_space<vmem>> -> memref<1x128xi32, #tpu.memory_space<vmem>>
      %dma_wait3A_386 = tpu.memref_squeeze %dma_wait3A_385 : memref<1x128xi32, #tpu.memory_space<vmem>> -> memref<128xi32, #tpu.memory_space<vmem>>
      %dma_wait3A_387 = arith.constant 0 : i32
      %dma_wait3A_388 = arith.constant 0 : i32
      %dma_wait3A_389 = tpu.memref_slice %arg7[%dma_wait3A_387, %dma_wait3A_388] : memref<401408x32xf32, #tpu.memory_space<hbm>> -> memref<401408x32xf32, #tpu.memory_space<hbm>>
      tpu.wait_indirect_dma semaphore(%arg15 : memref<!tpu.dma_semaphore, #tpu.memory_space<semaphore_mem>>) src(%dma_wait3A_389 : memref<401408x32xf32, #tpu.memory_space<hbm>>) dst(%dma_wait3A_384 : memref<128x32xf32, #tpu.memory_space<vmem>>)
      %dma_wait3A_390 = arith.constant 16 : i32
      %dma_wait3A_391 = arith.constant 2048 : i32
      %dma_wait3A_392 = arith.constant 0 : i32
      %dma_wait3A_393 = tpu.memref_slice %arg13[%dma_wait3A_391, %dma_wait3A_392] : memref<3328x32xf32, #tpu.memory_space<vmem>> -> memref<128x32xf32, #tpu.memory_space<vmem>>
      %dma_wait3A_394 = tpu.memref_slice %arg12[%dma_wait3A_390, %multiple_of3A] : memref<26x512xi32, #tpu.memory_space<vmem>> -> memref<1x128xi32, #tpu.memory_space<vmem>>
      %dma_wait3A_395 = tpu.memref_squeeze %dma_wait3A_394 : memref<1x128xi32, #tpu.memory_space<vmem>> -> memref<128xi32, #tpu.memory_space<vmem>>
      %dma_wait3A_396 = arith.constant 0 : i32
      %dma_wait3A_397 = arith.constant 0 : i32
      %dma_wait3A_398 = tpu.memref_slice %arg8[%dma_wait3A_396, %dma_wait3A_397] : memref<401408x32xf32, #tpu.memory_space<hbm>> -> memref<401408x32xf32, #tpu.memory_space<hbm>>
      tpu.wait_indirect_dma semaphore(%arg15 : memref<!tpu.dma_semaphore, #tpu.memory_space<semaphore_mem>>) src(%dma_wait3A_398 : memref<401408x32xf32, #tpu.memory_space<hbm>>) dst(%dma_wait3A_393 : memref<128x32xf32, #tpu.memory_space<vmem>>)
      %dma_wait3A_399 = arith.constant 17 : i32
      %dma_wait3A_400 = arith.constant 2176 : i32
      %dma_wait3A_401 = arith.constant 0 : i32
      %dma_wait3A_402 = tpu.memref_slice %arg13[%dma_wait3A_400, %dma_wait3A_401] : memref<3328x32xf32, #tpu.memory_space<vmem>> -> memref<128x32xf32, #tpu.memory_space<vmem>>
      %dma_wait3A_403 = tpu.memref_slice %arg12[%dma_wait3A_399, %multiple_of3A] : memref<26x512xi32, #tpu.memory_space<vmem>> -> memref<1x128xi32, #tpu.memory_space<vmem>>
      %dma_wait3A_404 = tpu.memref_squeeze %dma_wait3A_403 : memref<1x128xi32, #tpu.memory_space<vmem>> -> memref<128xi32, #tpu.memory_space<vmem>>
      %dma_wait3A_405 = arith.constant 0 : i32
      %dma_wait3A_406 = arith.constant 0 : i32
      %dma_wait3A_407 = tpu.memref_slice %arg8[%dma_wait3A_405, %dma_wait3A_406] : memref<401408x32xf32, #tpu.memory_space<hbm>> -> memref<401408x32xf32, #tpu.memory_space<hbm>>
      tpu.wait_indirect_dma semaphore(%arg15 : memref<!tpu.dma_semaphore, #tpu.memory_space<semaphore_mem>>) src(%dma_wait3A_407 : memref<401408x32xf32, #tpu.memory_space<hbm>>) dst(%dma_wait3A_402 : memref<128x32xf32, #tpu.memory_space<vmem>>)
      %dma_wait3A_408 = arith.constant 18 : i32
      %dma_wait3A_409 = arith.constant 2304 : i32
      %dma_wait3A_410 = arith.constant 0 : i32
      %dma_wait3A_411 = tpu.memref_slice %arg13[%dma_wait3A_409, %dma_wait3A_410] : memref<3328x32xf32, #tpu.memory_space<vmem>> -> memref<128x32xf32, #tpu.memory_space<vmem>>
      %dma_wait3A_412 = tpu.memref_slice %arg12[%dma_wait3A_408, %multiple_of3A] : memref<26x512xi32, #tpu.memory_space<vmem>> -> memref<1x128xi32, #tpu.memory_space<vmem>>
      %dma_wait3A_413 = tpu.memref_squeeze %dma_wait3A_412 : memref<1x128xi32, #tpu.memory_space<vmem>> -> memref<128xi32, #tpu.memory_space<vmem>>
      %dma_wait3A_414 = arith.constant 0 : i32
      %dma_wait3A_415 = arith.constant 0 : i32
      %dma_wait3A_416 = tpu.memref_slice %arg8[%dma_wait3A_414, %dma_wait3A_415] : memref<401408x32xf32, #tpu.memory_space<hbm>> -> memref<401408x32xf32, #tpu.memory_space<hbm>>
      tpu.wait_indirect_dma semaphore(%arg15 : memref<!tpu.dma_semaphore, #tpu.memory_space<semaphore_mem>>) src(%dma_wait3A_416 : memref<401408x32xf32, #tpu.memory_space<hbm>>) dst(%dma_wait3A_411 : memref<128x32xf32, #tpu.memory_space<vmem>>)
      %dma_wait3A_417 = arith.constant 19 : i32
      %dma_wait3A_418 = arith.constant 2432 : i32
      %dma_wait3A_419 = arith.constant 0 : i32
      %dma_wait3A_420 = tpu.memref_slice %arg13[%dma_wait3A_418, %dma_wait3A_419] : memref<3328x32xf32, #tpu.memory_space<vmem>> -> memref<128x32xf32, #tpu.memory_space<vmem>>
      %dma_wait3A_421 = tpu.memref_slice %arg12[%dma_wait3A_417, %multiple_of3A] : memref<26x512xi32, #tpu.memory_space<vmem>> -> memref<1x128xi32, #tpu.memory_space<vmem>>
      %dma_wait3A_422 = tpu.memref_squeeze %dma_wait3A_421 : memref<1x128xi32, #tpu.memory_space<vmem>> -> memref<128xi32, #tpu.memory_space<vmem>>
      %dma_wait3A_423 = arith.constant 0 : i32
      %dma_wait3A_424 = arith.constant 0 : i32
      %dma_wait3A_425 = tpu.memref_slice %arg8[%dma_wait3A_423, %dma_wait3A_424] : memref<401408x32xf32, #tpu.memory_space<hbm>> -> memref<401408x32xf32, #tpu.memory_space<hbm>>
      tpu.wait_indirect_dma semaphore(%arg15 : memref<!tpu.dma_semaphore, #tpu.memory_space<semaphore_mem>>) src(%dma_wait3A_425 : memref<401408x32xf32, #tpu.memory_space<hbm>>) dst(%dma_wait3A_420 : memref<128x32xf32, #tpu.memory_space<vmem>>)
      %dma_wait3A_426 = arith.constant 20 : i32
      %dma_wait3A_427 = arith.constant 2560 : i32
      %dma_wait3A_428 = arith.constant 0 : i32
      %dma_wait3A_429 = tpu.memref_slice %arg13[%dma_wait3A_427, %dma_wait3A_428] : memref<3328x32xf32, #tpu.memory_space<vmem>> -> memref<128x32xf32, #tpu.memory_space<vmem>>
      %dma_wait3A_430 = tpu.memref_slice %arg12[%dma_wait3A_426, %multiple_of3A] : memref<26x512xi32, #tpu.memory_space<vmem>> -> memref<1x128xi32, #tpu.memory_space<vmem>>
      %dma_wait3A_431 = tpu.memref_squeeze %dma_wait3A_430 : memref<1x128xi32, #tpu.memory_space<vmem>> -> memref<128xi32, #tpu.memory_space<vmem>>
      %dma_wait3A_432 = arith.constant 0 : i32
      %dma_wait3A_433 = arith.constant 0 : i32
      %dma_wait3A_434 = tpu.memref_slice %arg9[%dma_wait3A_432, %dma_wait3A_433] : memref<401408x32xf32, #tpu.memory_space<hbm>> -> memref<401408x32xf32, #tpu.memory_space<hbm>>
      tpu.wait_indirect_dma semaphore(%arg15 : memref<!tpu.dma_semaphore, #tpu.memory_space<semaphore_mem>>) src(%dma_wait3A_434 : memref<401408x32xf32, #tpu.memory_space<hbm>>) dst(%dma_wait3A_429 : memref<128x32xf32, #tpu.memory_space<vmem>>)
      %dma_wait3A_435 = arith.constant 21 : i32
      %dma_wait3A_436 = arith.constant 2688 : i32
      %dma_wait3A_437 = arith.constant 0 : i32
      %dma_wait3A_438 = tpu.memref_slice %arg13[%dma_wait3A_436, %dma_wait3A_437] : memref<3328x32xf32, #tpu.memory_space<vmem>> -> memref<128x32xf32, #tpu.memory_space<vmem>>
      %dma_wait3A_439 = tpu.memref_slice %arg12[%dma_wait3A_435, %multiple_of3A] : memref<26x512xi32, #tpu.memory_space<vmem>> -> memref<1x128xi32, #tpu.memory_space<vmem>>
      %dma_wait3A_440 = tpu.memref_squeeze %dma_wait3A_439 : memref<1x128xi32, #tpu.memory_space<vmem>> -> memref<128xi32, #tpu.memory_space<vmem>>
      %dma_wait3A_441 = arith.constant 0 : i32
      %dma_wait3A_442 = arith.constant 0 : i32
      %dma_wait3A_443 = tpu.memref_slice %arg9[%dma_wait3A_441, %dma_wait3A_442] : memref<401408x32xf32, #tpu.memory_space<hbm>> -> memref<401408x32xf32, #tpu.memory_space<hbm>>
      tpu.wait_indirect_dma semaphore(%arg15 : memref<!tpu.dma_semaphore, #tpu.memory_space<semaphore_mem>>) src(%dma_wait3A_443 : memref<401408x32xf32, #tpu.memory_space<hbm>>) dst(%dma_wait3A_438 : memref<128x32xf32, #tpu.memory_space<vmem>>)
      %dma_wait3A_444 = arith.constant 22 : i32
      %dma_wait3A_445 = arith.constant 2816 : i32
      %dma_wait3A_446 = arith.constant 0 : i32
      %dma_wait3A_447 = tpu.memref_slice %arg13[%dma_wait3A_445, %dma_wait3A_446] : memref<3328x32xf32, #tpu.memory_space<vmem>> -> memref<128x32xf32, #tpu.memory_space<vmem>>
      %dma_wait3A_448 = tpu.memref_slice %arg12[%dma_wait3A_444, %multiple_of3A] : memref<26x512xi32, #tpu.memory_space<vmem>> -> memref<1x128xi32, #tpu.memory_space<vmem>>
      %dma_wait3A_449 = tpu.memref_squeeze %dma_wait3A_448 : memref<1x128xi32, #tpu.memory_space<vmem>> -> memref<128xi32, #tpu.memory_space<vmem>>
      %dma_wait3A_450 = arith.constant 0 : i32
      %dma_wait3A_451 = arith.constant 0 : i32
      %dma_wait3A_452 = tpu.memref_slice %arg9[%dma_wait3A_450, %dma_wait3A_451] : memref<401408x32xf32, #tpu.memory_space<hbm>> -> memref<401408x32xf32, #tpu.memory_space<hbm>>
      tpu.wait_indirect_dma semaphore(%arg15 : memref<!tpu.dma_semaphore, #tpu.memory_space<semaphore_mem>>) src(%dma_wait3A_452 : memref<401408x32xf32, #tpu.memory_space<hbm>>) dst(%dma_wait3A_447 : memref<128x32xf32, #tpu.memory_space<vmem>>)
      %dma_wait3A_453 = arith.constant 23 : i32
      %dma_wait3A_454 = arith.constant 2944 : i32
      %dma_wait3A_455 = arith.constant 0 : i32
      %dma_wait3A_456 = tpu.memref_slice %arg13[%dma_wait3A_454, %dma_wait3A_455] : memref<3328x32xf32, #tpu.memory_space<vmem>> -> memref<128x32xf32, #tpu.memory_space<vmem>>
      %dma_wait3A_457 = tpu.memref_slice %arg12[%dma_wait3A_453, %multiple_of3A] : memref<26x512xi32, #tpu.memory_space<vmem>> -> memref<1x128xi32, #tpu.memory_space<vmem>>
      %dma_wait3A_458 = tpu.memref_squeeze %dma_wait3A_457 : memref<1x128xi32, #tpu.memory_space<vmem>> -> memref<128xi32, #tpu.memory_space<vmem>>
      %dma_wait3A_459 = arith.constant 0 : i32
      %dma_wait3A_460 = arith.constant 0 : i32
      %dma_wait3A_461 = tpu.memref_slice %arg9[%dma_wait3A_459, %dma_wait3A_460] : memref<401408x32xf32, #tpu.memory_space<hbm>> -> memref<401408x32xf32, #tpu.memory_space<hbm>>
      tpu.wait_indirect_dma semaphore(%arg15 : memref<!tpu.dma_semaphore, #tpu.memory_space<semaphore_mem>>) src(%dma_wait3A_461 : memref<401408x32xf32, #tpu.memory_space<hbm>>) dst(%dma_wait3A_456 : memref<128x32xf32, #tpu.memory_space<vmem>>)
      %dma_wait3A_462 = arith.constant 24 : i32
      %dma_wait3A_463 = arith.constant 3072 : i32
      %dma_wait3A_464 = arith.constant 0 : i32
      %dma_wait3A_465 = tpu.memref_slice %arg13[%dma_wait3A_463, %dma_wait3A_464] : memref<3328x32xf32, #tpu.memory_space<vmem>> -> memref<128x32xf32, #tpu.memory_space<vmem>>
      %dma_wait3A_466 = tpu.memref_slice %arg12[%dma_wait3A_462, %multiple_of3A] : memref<26x512xi32, #tpu.memory_space<vmem>> -> memref<1x128xi32, #tpu.memory_space<vmem>>
      %dma_wait3A_467 = tpu.memref_squeeze %dma_wait3A_466 : memref<1x128xi32, #tpu.memory_space<vmem>> -> memref<128xi32, #tpu.memory_space<vmem>>
      %dma_wait3A_468 = arith.constant 0 : i32
      %dma_wait3A_469 = arith.constant 0 : i32
      %dma_wait3A_470 = tpu.memref_slice %arg10[%dma_wait3A_468, %dma_wait3A_469] : memref<401408x32xf32, #tpu.memory_space<hbm>> -> memref<401408x32xf32, #tpu.memory_space<hbm>>
      tpu.wait_indirect_dma semaphore(%arg15 : memref<!tpu.dma_semaphore, #tpu.memory_space<semaphore_mem>>) src(%dma_wait3A_470 : memref<401408x32xf32, #tpu.memory_space<hbm>>) dst(%dma_wait3A_465 : memref<128x32xf32, #tpu.memory_space<vmem>>)
      %dma_wait3A_471 = arith.constant 25 : i32
      %dma_wait3A_472 = arith.constant 3200 : i32
      %dma_wait3A_473 = arith.constant 0 : i32
      %dma_wait3A_474 = tpu.memref_slice %arg13[%dma_wait3A_472, %dma_wait3A_473] : memref<3328x32xf32, #tpu.memory_space<vmem>> -> memref<128x32xf32, #tpu.memory_space<vmem>>
      %dma_wait3A_475 = tpu.memref_slice %arg12[%dma_wait3A_471, %multiple_of3A] : memref<26x512xi32, #tpu.memory_space<vmem>> -> memref<1x128xi32, #tpu.memory_space<vmem>>
      %dma_wait3A_476 = tpu.memref_squeeze %dma_wait3A_475 : memref<1x128xi32, #tpu.memory_space<vmem>> -> memref<128xi32, #tpu.memory_space<vmem>>
      %dma_wait3A_477 = arith.constant 0 : i32
      %dma_wait3A_478 = arith.constant 0 : i32
      %dma_wait3A_479 = tpu.memref_slice %arg10[%dma_wait3A_477, %dma_wait3A_478] : memref<401408x32xf32, #tpu.memory_space<hbm>> -> memref<401408x32xf32, #tpu.memory_space<hbm>>
      tpu.wait_indirect_dma semaphore(%arg15 : memref<!tpu.dma_semaphore, #tpu.memory_space<semaphore_mem>>) src(%dma_wait3A_479 : memref<401408x32xf32, #tpu.memory_space<hbm>>) dst(%dma_wait3A_474 : memref<128x32xf32, #tpu.memory_space<vmem>>)
      %dma_start3A_480 = arith.constant 0 : i32
      %dma_start3A_481 = arith.constant 0 : i32
      %dma_start3A_482 = tpu.memref_slice %arg13[%dma_start3A_480, %dma_start3A_481] : memref<3328x32xf32, #tpu.memory_space<vmem>> -> memref<128x32xf32, #tpu.memory_space<vmem>>
      %dma_start3A_483 = arith.constant 0 : i32
      %dma_start3A_484 = tpu.memref_slice %arg11[%add3A_13, %dma_start3A_483] : memref<16384x833xf32, #tpu.memory_space<hbm>> -> memref<128x32xf32, #tpu.memory_space<hbm>>
      %dma_start3A_485 = arith.constant 0 : i32
      %dma_start3A_486 = tpu.memref_slice %arg11[%add3A_13, %dma_start3A_485] : memref<16384x833xf32, #tpu.memory_space<hbm>> -> memref<128x32xf32, #tpu.memory_space<hbm>>
      %dma_start3A_487 = arith.constant 0 : i32
      %dma_start3A_488 = arith.constant 0 : i32
      %dma_start3A_489 = tpu.memref_slice %arg13[%dma_start3A_487, %dma_start3A_488] : memref<3328x32xf32, #tpu.memory_space<vmem>> -> memref<128x32xf32, #tpu.memory_space<vmem>>
      tpu.enqueue_dma source(%dma_start3A_489 : memref<128x32xf32, #tpu.memory_space<vmem>>) target(%dma_start3A_486 : memref<128x32xf32, #tpu.memory_space<hbm>>) target_semaphore(%arg16 : memref<!tpu.dma_semaphore, #tpu.memory_space<semaphore_mem>>)
      %dma_start3A_490 = arith.constant 128 : i32
      %dma_start3A_491 = arith.constant 0 : i32
      %dma_start3A_492 = tpu.memref_slice %arg13[%dma_start3A_490, %dma_start3A_491] : memref<3328x32xf32, #tpu.memory_space<vmem>> -> memref<128x32xf32, #tpu.memory_space<vmem>>
      %dma_start3A_493 = arith.constant 32 : i32
      %dma_start3A_494 = tpu.memref_slice %arg11[%add3A_13, %dma_start3A_493] : memref<16384x833xf32, #tpu.memory_space<hbm>> -> memref<128x32xf32, #tpu.memory_space<hbm>>
      %dma_start3A_495 = arith.constant 32 : i32
      %dma_start3A_496 = tpu.memref_slice %arg11[%add3A_13, %dma_start3A_495] : memref<16384x833xf32, #tpu.memory_space<hbm>> -> memref<128x32xf32, #tpu.memory_space<hbm>>
      %dma_start3A_497 = arith.constant 128 : i32
      %dma_start3A_498 = arith.constant 0 : i32
      %dma_start3A_499 = tpu.memref_slice %arg13[%dma_start3A_497, %dma_start3A_498] : memref<3328x32xf32, #tpu.memory_space<vmem>> -> memref<128x32xf32, #tpu.memory_space<vmem>>
      tpu.enqueue_dma source(%dma_start3A_499 : memref<128x32xf32, #tpu.memory_space<vmem>>) target(%dma_start3A_496 : memref<128x32xf32, #tpu.memory_space<hbm>>) target_semaphore(%arg16 : memref<!tpu.dma_semaphore, #tpu.memory_space<semaphore_mem>>)
      %dma_start3A_500 = arith.constant 256 : i32
      %dma_start3A_501 = arith.constant 0 : i32
      %dma_start3A_502 = tpu.memref_slice %arg13[%dma_start3A_500, %dma_start3A_501] : memref<3328x32xf32, #tpu.memory_space<vmem>> -> memref<128x32xf32, #tpu.memory_space<vmem>>
      %dma_start3A_503 = arith.constant 64 : i32
      %dma_start3A_504 = tpu.memref_slice %arg11[%add3A_13, %dma_start3A_503] : memref<16384x833xf32, #tpu.memory_space<hbm>> -> memref<128x32xf32, #tpu.memory_space<hbm>>
      %dma_start3A_505 = arith.constant 64 : i32
      %dma_start3A_506 = tpu.memref_slice %arg11[%add3A_13, %dma_start3A_505] : memref<16384x833xf32, #tpu.memory_space<hbm>> -> memref<128x32xf32, #tpu.memory_space<hbm>>
      %dma_start3A_507 = arith.constant 256 : i32
      %dma_start3A_508 = arith.constant 0 : i32
      %dma_start3A_509 = tpu.memref_slice %arg13[%dma_start3A_507, %dma_start3A_508] : memref<3328x32xf32, #tpu.memory_space<vmem>> -> memref<128x32xf32, #tpu.memory_space<vmem>>
      tpu.enqueue_dma source(%dma_start3A_509 : memref<128x32xf32, #tpu.memory_space<vmem>>) target(%dma_start3A_506 : memref<128x32xf32, #tpu.memory_space<hbm>>) target_semaphore(%arg16 : memref<!tpu.dma_semaphore, #tpu.memory_space<semaphore_mem>>)
      %dma_start3A_510 = arith.constant 384 : i32
      %dma_start3A_511 = arith.constant 0 : i32
      %dma_start3A_512 = tpu.memref_slice %arg13[%dma_start3A_510, %dma_start3A_511] : memref<3328x32xf32, #tpu.memory_space<vmem>> -> memref<128x32xf32, #tpu.memory_space<vmem>>
      %dma_start3A_513 = arith.constant 96 : i32
      %dma_start3A_514 = tpu.memref_slice %arg11[%add3A_13, %dma_start3A_513] : memref<16384x833xf32, #tpu.memory_space<hbm>> -> memref<128x32xf32, #tpu.memory_space<hbm>>
      %dma_start3A_515 = arith.constant 96 : i32
      %dma_start3A_516 = tpu.memref_slice %arg11[%add3A_13, %dma_start3A_515] : memref<16384x833xf32, #tpu.memory_space<hbm>> -> memref<128x32xf32, #tpu.memory_space<hbm>>
      %dma_start3A_517 = arith.constant 384 : i32
      %dma_start3A_518 = arith.constant 0 : i32
      %dma_start3A_519 = tpu.memref_slice %arg13[%dma_start3A_517, %dma_start3A_518] : memref<3328x32xf32, #tpu.memory_space<vmem>> -> memref<128x32xf32, #tpu.memory_space<vmem>>
      tpu.enqueue_dma source(%dma_start3A_519 : memref<128x32xf32, #tpu.memory_space<vmem>>) target(%dma_start3A_516 : memref<128x32xf32, #tpu.memory_space<hbm>>) target_semaphore(%arg16 : memref<!tpu.dma_semaphore, #tpu.memory_space<semaphore_mem>>)
      %dma_start3A_520 = arith.constant 512 : i32
      %dma_start3A_521 = arith.constant 0 : i32
      %dma_start3A_522 = tpu.memref_slice %arg13[%dma_start3A_520, %dma_start3A_521] : memref<3328x32xf32, #tpu.memory_space<vmem>> -> memref<128x32xf32, #tpu.memory_space<vmem>>
      %dma_start3A_523 = arith.constant 128 : i32
      %dma_start3A_524 = tpu.memref_slice %arg11[%add3A_13, %dma_start3A_523] : memref<16384x833xf32, #tpu.memory_space<hbm>> -> memref<128x32xf32, #tpu.memory_space<hbm>>
      %dma_start3A_525 = arith.constant 128 : i32
      %dma_start3A_526 = tpu.memref_slice %arg11[%add3A_13, %dma_start3A_525] : memref<16384x833xf32, #tpu.memory_space<hbm>> -> memref<128x32xf32, #tpu.memory_space<hbm>>
      %dma_start3A_527 = arith.constant 512 : i32
      %dma_start3A_528 = arith.constant 0 : i32
      %dma_start3A_529 = tpu.memref_slice %arg13[%dma_start3A_527, %dma_start3A_528] : memref<3328x32xf32, #tpu.memory_space<vmem>> -> memref<128x32xf32, #tpu.memory_space<vmem>>
      tpu.enqueue_dma source(%dma_start3A_529 : memref<128x32xf32, #tpu.memory_space<vmem>>) target(%dma_start3A_526 : memref<128x32xf32, #tpu.memory_space<hbm>>) target_semaphore(%arg16 : memref<!tpu.dma_semaphore, #tpu.memory_space<semaphore_mem>>)
      %dma_start3A_530 = arith.constant 640 : i32
      %dma_start3A_531 = arith.constant 0 : i32
      %dma_start3A_532 = tpu.memref_slice %arg13[%dma_start3A_530, %dma_start3A_531] : memref<3328x32xf32, #tpu.memory_space<vmem>> -> memref<128x32xf32, #tpu.memory_space<vmem>>
      %dma_start3A_533 = arith.constant 160 : i32
      %dma_start3A_534 = tpu.memref_slice %arg11[%add3A_13, %dma_start3A_533] : memref<16384x833xf32, #tpu.memory_space<hbm>> -> memref<128x32xf32, #tpu.memory_space<hbm>>
      %dma_start3A_535 = arith.constant 160 : i32
      %dma_start3A_536 = tpu.memref_slice %arg11[%add3A_13, %dma_start3A_535] : memref<16384x833xf32, #tpu.memory_space<hbm>> -> memref<128x32xf32, #tpu.memory_space<hbm>>
      %dma_start3A_537 = arith.constant 640 : i32
      %dma_start3A_538 = arith.constant 0 : i32
      %dma_start3A_539 = tpu.memref_slice %arg13[%dma_start3A_537, %dma_start3A_538] : memref<3328x32xf32, #tpu.memory_space<vmem>> -> memref<128x32xf32, #tpu.memory_space<vmem>>
      tpu.enqueue_dma source(%dma_start3A_539 : memref<128x32xf32, #tpu.memory_space<vmem>>) target(%dma_start3A_536 : memref<128x32xf32, #tpu.memory_space<hbm>>) target_semaphore(%arg16 : memref<!tpu.dma_semaphore, #tpu.memory_space<semaphore_mem>>)
      %dma_start3A_540 = arith.constant 768 : i32
      %dma_start3A_541 = arith.constant 0 : i32
      %dma_start3A_542 = tpu.memref_slice %arg13[%dma_start3A_540, %dma_start3A_541] : memref<3328x32xf32, #tpu.memory_space<vmem>> -> memref<128x32xf32, #tpu.memory_space<vmem>>
      %dma_start3A_543 = arith.constant 192 : i32
      %dma_start3A_544 = tpu.memref_slice %arg11[%add3A_13, %dma_start3A_543] : memref<16384x833xf32, #tpu.memory_space<hbm>> -> memref<128x32xf32, #tpu.memory_space<hbm>>
      %dma_start3A_545 = arith.constant 192 : i32
      %dma_start3A_546 = tpu.memref_slice %arg11[%add3A_13, %dma_start3A_545] : memref<16384x833xf32, #tpu.memory_space<hbm>> -> memref<128x32xf32, #tpu.memory_space<hbm>>
      %dma_start3A_547 = arith.constant 768 : i32
      %dma_start3A_548 = arith.constant 0 : i32
      %dma_start3A_549 = tpu.memref_slice %arg13[%dma_start3A_547, %dma_start3A_548] : memref<3328x32xf32, #tpu.memory_space<vmem>> -> memref<128x32xf32, #tpu.memory_space<vmem>>
      tpu.enqueue_dma source(%dma_start3A_549 : memref<128x32xf32, #tpu.memory_space<vmem>>) target(%dma_start3A_546 : memref<128x32xf32, #tpu.memory_space<hbm>>) target_semaphore(%arg16 : memref<!tpu.dma_semaphore, #tpu.memory_space<semaphore_mem>>)
      %dma_start3A_550 = arith.constant 896 : i32
      %dma_start3A_551 = arith.constant 0 : i32
      %dma_start3A_552 = tpu.memref_slice %arg13[%dma_start3A_550, %dma_start3A_551] : memref<3328x32xf32, #tpu.memory_space<vmem>> -> memref<128x32xf32, #tpu.memory_space<vmem>>
      %dma_start3A_553 = arith.constant 224 : i32
      %dma_start3A_554 = tpu.memref_slice %arg11[%add3A_13, %dma_start3A_553] : memref<16384x833xf32, #tpu.memory_space<hbm>> -> memref<128x32xf32, #tpu.memory_space<hbm>>
      %dma_start3A_555 = arith.constant 224 : i32
      %dma_start3A_556 = tpu.memref_slice %arg11[%add3A_13, %dma_start3A_555] : memref<16384x833xf32, #tpu.memory_space<hbm>> -> memref<128x32xf32, #tpu.memory_space<hbm>>
      %dma_start3A_557 = arith.constant 896 : i32
      %dma_start3A_558 = arith.constant 0 : i32
      %dma_start3A_559 = tpu.memref_slice %arg13[%dma_start3A_557, %dma_start3A_558] : memref<3328x32xf32, #tpu.memory_space<vmem>> -> memref<128x32xf32, #tpu.memory_space<vmem>>
      tpu.enqueue_dma source(%dma_start3A_559 : memref<128x32xf32, #tpu.memory_space<vmem>>) target(%dma_start3A_556 : memref<128x32xf32, #tpu.memory_space<hbm>>) target_semaphore(%arg16 : memref<!tpu.dma_semaphore, #tpu.memory_space<semaphore_mem>>)
      %dma_start3A_560 = arith.constant 1024 : i32
      %dma_start3A_561 = arith.constant 0 : i32
      %dma_start3A_562 = tpu.memref_slice %arg13[%dma_start3A_560, %dma_start3A_561] : memref<3328x32xf32, #tpu.memory_space<vmem>> -> memref<128x32xf32, #tpu.memory_space<vmem>>
      %dma_start3A_563 = arith.constant 256 : i32
      %dma_start3A_564 = tpu.memref_slice %arg11[%add3A_13, %dma_start3A_563] : memref<16384x833xf32, #tpu.memory_space<hbm>> -> memref<128x32xf32, #tpu.memory_space<hbm>>
      %dma_start3A_565 = arith.constant 256 : i32
      %dma_start3A_566 = tpu.memref_slice %arg11[%add3A_13, %dma_start3A_565] : memref<16384x833xf32, #tpu.memory_space<hbm>> -> memref<128x32xf32, #tpu.memory_space<hbm>>
      %dma_start3A_567 = arith.constant 1024 : i32
      %dma_start3A_568 = arith.constant 0 : i32
      %dma_start3A_569 = tpu.memref_slice %arg13[%dma_start3A_567, %dma_start3A_568] : memref<3328x32xf32, #tpu.memory_space<vmem>> -> memref<128x32xf32, #tpu.memory_space<vmem>>
      tpu.enqueue_dma source(%dma_start3A_569 : memref<128x32xf32, #tpu.memory_space<vmem>>) target(%dma_start3A_566 : memref<128x32xf32, #tpu.memory_space<hbm>>) target_semaphore(%arg16 : memref<!tpu.dma_semaphore, #tpu.memory_space<semaphore_mem>>)
      %dma_start3A_570 = arith.constant 1152 : i32
      %dma_start3A_571 = arith.constant 0 : i32
      %dma_start3A_572 = tpu.memref_slice %arg13[%dma_start3A_570, %dma_start3A_571] : memref<3328x32xf32, #tpu.memory_space<vmem>> -> memref<128x32xf32, #tpu.memory_space<vmem>>
      %dma_start3A_573 = arith.constant 288 : i32
      %dma_start3A_574 = tpu.memref_slice %arg11[%add3A_13, %dma_start3A_573] : memref<16384x833xf32, #tpu.memory_space<hbm>> -> memref<128x32xf32, #tpu.memory_space<hbm>>
      %dma_start3A_575 = arith.constant 288 : i32
      %dma_start3A_576 = tpu.memref_slice %arg11[%add3A_13, %dma_start3A_575] : memref<16384x833xf32, #tpu.memory_space<hbm>> -> memref<128x32xf32, #tpu.memory_space<hbm>>
      %dma_start3A_577 = arith.constant 1152 : i32
      %dma_start3A_578 = arith.constant 0 : i32
      %dma_start3A_579 = tpu.memref_slice %arg13[%dma_start3A_577, %dma_start3A_578] : memref<3328x32xf32, #tpu.memory_space<vmem>> -> memref<128x32xf32, #tpu.memory_space<vmem>>
      tpu.enqueue_dma source(%dma_start3A_579 : memref<128x32xf32, #tpu.memory_space<vmem>>) target(%dma_start3A_576 : memref<128x32xf32, #tpu.memory_space<hbm>>) target_semaphore(%arg16 : memref<!tpu.dma_semaphore, #tpu.memory_space<semaphore_mem>>)
      %dma_start3A_580 = arith.constant 1280 : i32
      %dma_start3A_581 = arith.constant 0 : i32
      %dma_start3A_582 = tpu.memref_slice %arg13[%dma_start3A_580, %dma_start3A_581] : memref<3328x32xf32, #tpu.memory_space<vmem>> -> memref<128x32xf32, #tpu.memory_space<vmem>>
      %dma_start3A_583 = arith.constant 320 : i32
      %dma_start3A_584 = tpu.memref_slice %arg11[%add3A_13, %dma_start3A_583] : memref<16384x833xf32, #tpu.memory_space<hbm>> -> memref<128x32xf32, #tpu.memory_space<hbm>>
      %dma_start3A_585 = arith.constant 320 : i32
      %dma_start3A_586 = tpu.memref_slice %arg11[%add3A_13, %dma_start3A_585] : memref<16384x833xf32, #tpu.memory_space<hbm>> -> memref<128x32xf32, #tpu.memory_space<hbm>>
      %dma_start3A_587 = arith.constant 1280 : i32
      %dma_start3A_588 = arith.constant 0 : i32
      %dma_start3A_589 = tpu.memref_slice %arg13[%dma_start3A_587, %dma_start3A_588] : memref<3328x32xf32, #tpu.memory_space<vmem>> -> memref<128x32xf32, #tpu.memory_space<vmem>>
      tpu.enqueue_dma source(%dma_start3A_589 : memref<128x32xf32, #tpu.memory_space<vmem>>) target(%dma_start3A_586 : memref<128x32xf32, #tpu.memory_space<hbm>>) target_semaphore(%arg16 : memref<!tpu.dma_semaphore, #tpu.memory_space<semaphore_mem>>)
      %dma_start3A_590 = arith.constant 1408 : i32
      %dma_start3A_591 = arith.constant 0 : i32
      %dma_start3A_592 = tpu.memref_slice %arg13[%dma_start3A_590, %dma_start3A_591] : memref<3328x32xf32, #tpu.memory_space<vmem>> -> memref<128x32xf32, #tpu.memory_space<vmem>>
      %dma_start3A_593 = arith.constant 352 : i32
      %dma_start3A_594 = tpu.memref_slice %arg11[%add3A_13, %dma_start3A_593] : memref<16384x833xf32, #tpu.memory_space<hbm>> -> memref<128x32xf32, #tpu.memory_space<hbm>>
      %dma_start3A_595 = arith.constant 352 : i32
      %dma_start3A_596 = tpu.memref_slice %arg11[%add3A_13, %dma_start3A_595] : memref<16384x833xf32, #tpu.memory_space<hbm>> -> memref<128x32xf32, #tpu.memory_space<hbm>>
      %dma_start3A_597 = arith.constant 1408 : i32
      %dma_start3A_598 = arith.constant 0 : i32
      %dma_start3A_599 = tpu.memref_slice %arg13[%dma_start3A_597, %dma_start3A_598] : memref<3328x32xf32, #tpu.memory_space<vmem>> -> memref<128x32xf32, #tpu.memory_space<vmem>>
      tpu.enqueue_dma source(%dma_start3A_599 : memref<128x32xf32, #tpu.memory_space<vmem>>) target(%dma_start3A_596 : memref<128x32xf32, #tpu.memory_space<hbm>>) target_semaphore(%arg16 : memref<!tpu.dma_semaphore, #tpu.memory_space<semaphore_mem>>)
      %dma_start3A_600 = arith.constant 1536 : i32
      %dma_start3A_601 = arith.constant 0 : i32
      %dma_start3A_602 = tpu.memref_slice %arg13[%dma_start3A_600, %dma_start3A_601] : memref<3328x32xf32, #tpu.memory_space<vmem>> -> memref<128x32xf32, #tpu.memory_space<vmem>>
      %dma_start3A_603 = arith.constant 384 : i32
      %dma_start3A_604 = tpu.memref_slice %arg11[%add3A_13, %dma_start3A_603] : memref<16384x833xf32, #tpu.memory_space<hbm>> -> memref<128x32xf32, #tpu.memory_space<hbm>>
      %dma_start3A_605 = arith.constant 384 : i32
      %dma_start3A_606 = tpu.memref_slice %arg11[%add3A_13, %dma_start3A_605] : memref<16384x833xf32, #tpu.memory_space<hbm>> -> memref<128x32xf32, #tpu.memory_space<hbm>>
      %dma_start3A_607 = arith.constant 1536 : i32
      %dma_start3A_608 = arith.constant 0 : i32
      %dma_start3A_609 = tpu.memref_slice %arg13[%dma_start3A_607, %dma_start3A_608] : memref<3328x32xf32, #tpu.memory_space<vmem>> -> memref<128x32xf32, #tpu.memory_space<vmem>>
      tpu.enqueue_dma source(%dma_start3A_609 : memref<128x32xf32, #tpu.memory_space<vmem>>) target(%dma_start3A_606 : memref<128x32xf32, #tpu.memory_space<hbm>>) target_semaphore(%arg16 : memref<!tpu.dma_semaphore, #tpu.memory_space<semaphore_mem>>)
      %dma_start3A_610 = arith.constant 1664 : i32
      %dma_start3A_611 = arith.constant 0 : i32
      %dma_start3A_612 = tpu.memref_slice %arg13[%dma_start3A_610, %dma_start3A_611] : memref<3328x32xf32, #tpu.memory_space<vmem>> -> memref<128x32xf32, #tpu.memory_space<vmem>>
      %dma_start3A_613 = arith.constant 416 : i32
      %dma_start3A_614 = tpu.memref_slice %arg11[%add3A_13, %dma_start3A_613] : memref<16384x833xf32, #tpu.memory_space<hbm>> -> memref<128x32xf32, #tpu.memory_space<hbm>>
      %dma_start3A_615 = arith.constant 416 : i32
      %dma_start3A_616 = tpu.memref_slice %arg11[%add3A_13, %dma_start3A_615] : memref<16384x833xf32, #tpu.memory_space<hbm>> -> memref<128x32xf32, #tpu.memory_space<hbm>>
      %dma_start3A_617 = arith.constant 1664 : i32
      %dma_start3A_618 = arith.constant 0 : i32
      %dma_start3A_619 = tpu.memref_slice %arg13[%dma_start3A_617, %dma_start3A_618] : memref<3328x32xf32, #tpu.memory_space<vmem>> -> memref<128x32xf32, #tpu.memory_space<vmem>>
      tpu.enqueue_dma source(%dma_start3A_619 : memref<128x32xf32, #tpu.memory_space<vmem>>) target(%dma_start3A_616 : memref<128x32xf32, #tpu.memory_space<hbm>>) target_semaphore(%arg16 : memref<!tpu.dma_semaphore, #tpu.memory_space<semaphore_mem>>)
      %dma_start3A_620 = arith.constant 1792 : i32
      %dma_start3A_621 = arith.constant 0 : i32
      %dma_start3A_622 = tpu.memref_slice %arg13[%dma_start3A_620, %dma_start3A_621] : memref<3328x32xf32, #tpu.memory_space<vmem>> -> memref<128x32xf32, #tpu.memory_space<vmem>>
      %dma_start3A_623 = arith.constant 448 : i32
      %dma_start3A_624 = tpu.memref_slice %arg11[%add3A_13, %dma_start3A_623] : memref<16384x833xf32, #tpu.memory_space<hbm>> -> memref<128x32xf32, #tpu.memory_space<hbm>>
      %dma_start3A_625 = arith.constant 448 : i32
      %dma_start3A_626 = tpu.memref_slice %arg11[%add3A_13, %dma_start3A_625] : memref<16384x833xf32, #tpu.memory_space<hbm>> -> memref<128x32xf32, #tpu.memory_space<hbm>>
      %dma_start3A_627 = arith.constant 1792 : i32
      %dma_start3A_628 = arith.constant 0 : i32
      %dma_start3A_629 = tpu.memref_slice %arg13[%dma_start3A_627, %dma_start3A_628] : memref<3328x32xf32, #tpu.memory_space<vmem>> -> memref<128x32xf32, #tpu.memory_space<vmem>>
      tpu.enqueue_dma source(%dma_start3A_629 : memref<128x32xf32, #tpu.memory_space<vmem>>) target(%dma_start3A_626 : memref<128x32xf32, #tpu.memory_space<hbm>>) target_semaphore(%arg16 : memref<!tpu.dma_semaphore, #tpu.memory_space<semaphore_mem>>)
      %dma_start3A_630 = arith.constant 1920 : i32
      %dma_start3A_631 = arith.constant 0 : i32
      %dma_start3A_632 = tpu.memref_slice %arg13[%dma_start3A_630, %dma_start3A_631] : memref<3328x32xf32, #tpu.memory_space<vmem>> -> memref<128x32xf32, #tpu.memory_space<vmem>>
      %dma_start3A_633 = arith.constant 480 : i32
      %dma_start3A_634 = tpu.memref_slice %arg11[%add3A_13, %dma_start3A_633] : memref<16384x833xf32, #tpu.memory_space<hbm>> -> memref<128x32xf32, #tpu.memory_space<hbm>>
      %dma_start3A_635 = arith.constant 480 : i32
      %dma_start3A_636 = tpu.memref_slice %arg11[%add3A_13, %dma_start3A_635] : memref<16384x833xf32, #tpu.memory_space<hbm>> -> memref<128x32xf32, #tpu.memory_space<hbm>>
      %dma_start3A_637 = arith.constant 1920 : i32
      %dma_start3A_638 = arith.constant 0 : i32
      %dma_start3A_639 = tpu.memref_slice %arg13[%dma_start3A_637, %dma_start3A_638] : memref<3328x32xf32, #tpu.memory_space<vmem>> -> memref<128x32xf32, #tpu.memory_space<vmem>>
      tpu.enqueue_dma source(%dma_start3A_639 : memref<128x32xf32, #tpu.memory_space<vmem>>) target(%dma_start3A_636 : memref<128x32xf32, #tpu.memory_space<hbm>>) target_semaphore(%arg16 : memref<!tpu.dma_semaphore, #tpu.memory_space<semaphore_mem>>)
      %dma_start3A_640 = arith.constant 2048 : i32
      %dma_start3A_641 = arith.constant 0 : i32
      %dma_start3A_642 = tpu.memref_slice %arg13[%dma_start3A_640, %dma_start3A_641] : memref<3328x32xf32, #tpu.memory_space<vmem>> -> memref<128x32xf32, #tpu.memory_space<vmem>>
      %dma_start3A_643 = arith.constant 512 : i32
      %dma_start3A_644 = tpu.memref_slice %arg11[%add3A_13, %dma_start3A_643] : memref<16384x833xf32, #tpu.memory_space<hbm>> -> memref<128x32xf32, #tpu.memory_space<hbm>>
      %dma_start3A_645 = arith.constant 512 : i32
      %dma_start3A_646 = tpu.memref_slice %arg11[%add3A_13, %dma_start3A_645] : memref<16384x833xf32, #tpu.memory_space<hbm>> -> memref<128x32xf32, #tpu.memory_space<hbm>>
      %dma_start3A_647 = arith.constant 2048 : i32
      %dma_start3A_648 = arith.constant 0 : i32
      %dma_start3A_649 = tpu.memref_slice %arg13[%dma_start3A_647, %dma_start3A_648] : memref<3328x32xf32, #tpu.memory_space<vmem>> -> memref<128x32xf32, #tpu.memory_space<vmem>>
      tpu.enqueue_dma source(%dma_start3A_649 : memref<128x32xf32, #tpu.memory_space<vmem>>) target(%dma_start3A_646 : memref<128x32xf32, #tpu.memory_space<hbm>>) target_semaphore(%arg16 : memref<!tpu.dma_semaphore, #tpu.memory_space<semaphore_mem>>)
      %dma_start3A_650 = arith.constant 2176 : i32
      %dma_start3A_651 = arith.constant 0 : i32
      %dma_start3A_652 = tpu.memref_slice %arg13[%dma_start3A_650, %dma_start3A_651] : memref<3328x32xf32, #tpu.memory_space<vmem>> -> memref<128x32xf32, #tpu.memory_space<vmem>>
      %dma_start3A_653 = arith.constant 544 : i32
      %dma_start3A_654 = tpu.memref_slice %arg11[%add3A_13, %dma_start3A_653] : memref<16384x833xf32, #tpu.memory_space<hbm>> -> memref<128x32xf32, #tpu.memory_space<hbm>>
      %dma_start3A_655 = arith.constant 544 : i32
      %dma_start3A_656 = tpu.memref_slice %arg11[%add3A_13, %dma_start3A_655] : memref<16384x833xf32, #tpu.memory_space<hbm>> -> memref<128x32xf32, #tpu.memory_space<hbm>>
      %dma_start3A_657 = arith.constant 2176 : i32
      %dma_start3A_658 = arith.constant 0 : i32
      %dma_start3A_659 = tpu.memref_slice %arg13[%dma_start3A_657, %dma_start3A_658] : memref<3328x32xf32, #tpu.memory_space<vmem>> -> memref<128x32xf32, #tpu.memory_space<vmem>>
      tpu.enqueue_dma source(%dma_start3A_659 : memref<128x32xf32, #tpu.memory_space<vmem>>) target(%dma_start3A_656 : memref<128x32xf32, #tpu.memory_space<hbm>>) target_semaphore(%arg16 : memref<!tpu.dma_semaphore, #tpu.memory_space<semaphore_mem>>)
      %dma_start3A_660 = arith.constant 2304 : i32
      %dma_start3A_661 = arith.constant 0 : i32
      %dma_start3A_662 = tpu.memref_slice %arg13[%dma_start3A_660, %dma_start3A_661] : memref<3328x32xf32, #tpu.memory_space<vmem>> -> memref<128x32xf32, #tpu.memory_space<vmem>>
      %dma_start3A_663 = arith.constant 576 : i32
      %dma_start3A_664 = tpu.memref_slice %arg11[%add3A_13, %dma_start3A_663] : memref<16384x833xf32, #tpu.memory_space<hbm>> -> memref<128x32xf32, #tpu.memory_space<hbm>>
      %dma_start3A_665 = arith.constant 576 : i32
      %dma_start3A_666 = tpu.memref_slice %arg11[%add3A_13, %dma_start3A_665] : memref<16384x833xf32, #tpu.memory_space<hbm>> -> memref<128x32xf32, #tpu.memory_space<hbm>>
      %dma_start3A_667 = arith.constant 2304 : i32
      %dma_start3A_668 = arith.constant 0 : i32
      %dma_start3A_669 = tpu.memref_slice %arg13[%dma_start3A_667, %dma_start3A_668] : memref<3328x32xf32, #tpu.memory_space<vmem>> -> memref<128x32xf32, #tpu.memory_space<vmem>>
      tpu.enqueue_dma source(%dma_start3A_669 : memref<128x32xf32, #tpu.memory_space<vmem>>) target(%dma_start3A_666 : memref<128x32xf32, #tpu.memory_space<hbm>>) target_semaphore(%arg16 : memref<!tpu.dma_semaphore, #tpu.memory_space<semaphore_mem>>)
      %dma_start3A_670 = arith.constant 2432 : i32
      %dma_start3A_671 = arith.constant 0 : i32
      %dma_start3A_672 = tpu.memref_slice %arg13[%dma_start3A_670, %dma_start3A_671] : memref<3328x32xf32, #tpu.memory_space<vmem>> -> memref<128x32xf32, #tpu.memory_space<vmem>>
      %dma_start3A_673 = arith.constant 608 : i32
      %dma_start3A_674 = tpu.memref_slice %arg11[%add3A_13, %dma_start3A_673] : memref<16384x833xf32, #tpu.memory_space<hbm>> -> memref<128x32xf32, #tpu.memory_space<hbm>>
      %dma_start3A_675 = arith.constant 608 : i32
      %dma_start3A_676 = tpu.memref_slice %arg11[%add3A_13, %dma_start3A_675] : memref<16384x833xf32, #tpu.memory_space<hbm>> -> memref<128x32xf32, #tpu.memory_space<hbm>>
      %dma_start3A_677 = arith.constant 2432 : i32
      %dma_start3A_678 = arith.constant 0 : i32
      %dma_start3A_679 = tpu.memref_slice %arg13[%dma_start3A_677, %dma_start3A_678] : memref<3328x32xf32, #tpu.memory_space<vmem>> -> memref<128x32xf32, #tpu.memory_space<vmem>>
      tpu.enqueue_dma source(%dma_start3A_679 : memref<128x32xf32, #tpu.memory_space<vmem>>) target(%dma_start3A_676 : memref<128x32xf32, #tpu.memory_space<hbm>>) target_semaphore(%arg16 : memref<!tpu.dma_semaphore, #tpu.memory_space<semaphore_mem>>)
      %dma_start3A_680 = arith.constant 2560 : i32
      %dma_start3A_681 = arith.constant 0 : i32
      %dma_start3A_682 = tpu.memref_slice %arg13[%dma_start3A_680, %dma_start3A_681] : memref<3328x32xf32, #tpu.memory_space<vmem>> -> memref<128x32xf32, #tpu.memory_space<vmem>>
      %dma_start3A_683 = arith.constant 640 : i32
      %dma_start3A_684 = tpu.memref_slice %arg11[%add3A_13, %dma_start3A_683] : memref<16384x833xf32, #tpu.memory_space<hbm>> -> memref<128x32xf32, #tpu.memory_space<hbm>>
      %dma_start3A_685 = arith.constant 640 : i32
      %dma_start3A_686 = tpu.memref_slice %arg11[%add3A_13, %dma_start3A_685] : memref<16384x833xf32, #tpu.memory_space<hbm>> -> memref<128x32xf32, #tpu.memory_space<hbm>>
      %dma_start3A_687 = arith.constant 2560 : i32
      %dma_start3A_688 = arith.constant 0 : i32
      %dma_start3A_689 = tpu.memref_slice %arg13[%dma_start3A_687, %dma_start3A_688] : memref<3328x32xf32, #tpu.memory_space<vmem>> -> memref<128x32xf32, #tpu.memory_space<vmem>>
      tpu.enqueue_dma source(%dma_start3A_689 : memref<128x32xf32, #tpu.memory_space<vmem>>) target(%dma_start3A_686 : memref<128x32xf32, #tpu.memory_space<hbm>>) target_semaphore(%arg16 : memref<!tpu.dma_semaphore, #tpu.memory_space<semaphore_mem>>)
      %dma_start3A_690 = arith.constant 2688 : i32
      %dma_start3A_691 = arith.constant 0 : i32
      %dma_start3A_692 = tpu.memref_slice %arg13[%dma_start3A_690, %dma_start3A_691] : memref<3328x32xf32, #tpu.memory_space<vmem>> -> memref<128x32xf32, #tpu.memory_space<vmem>>
      %dma_start3A_693 = arith.constant 672 : i32
      %dma_start3A_694 = tpu.memref_slice %arg11[%add3A_13, %dma_start3A_693] : memref<16384x833xf32, #tpu.memory_space<hbm>> -> memref<128x32xf32, #tpu.memory_space<hbm>>
      %dma_start3A_695 = arith.constant 672 : i32
      %dma_start3A_696 = tpu.memref_slice %arg11[%add3A_13, %dma_start3A_695] : memref<16384x833xf32, #tpu.memory_space<hbm>> -> memref<128x32xf32, #tpu.memory_space<hbm>>
      %dma_start3A_697 = arith.constant 2688 : i32
      %dma_start3A_698 = arith.constant 0 : i32
      %dma_start3A_699 = tpu.memref_slice %arg13[%dma_start3A_697, %dma_start3A_698] : memref<3328x32xf32, #tpu.memory_space<vmem>> -> memref<128x32xf32, #tpu.memory_space<vmem>>
      tpu.enqueue_dma source(%dma_start3A_699 : memref<128x32xf32, #tpu.memory_space<vmem>>) target(%dma_start3A_696 : memref<128x32xf32, #tpu.memory_space<hbm>>) target_semaphore(%arg16 : memref<!tpu.dma_semaphore, #tpu.memory_space<semaphore_mem>>)
      %dma_start3A_700 = arith.constant 2816 : i32
      %dma_start3A_701 = arith.constant 0 : i32
      %dma_start3A_702 = tpu.memref_slice %arg13[%dma_start3A_700, %dma_start3A_701] : memref<3328x32xf32, #tpu.memory_space<vmem>> -> memref<128x32xf32, #tpu.memory_space<vmem>>
      %dma_start3A_703 = arith.constant 704 : i32
      %dma_start3A_704 = tpu.memref_slice %arg11[%add3A_13, %dma_start3A_703] : memref<16384x833xf32, #tpu.memory_space<hbm>> -> memref<128x32xf32, #tpu.memory_space<hbm>>
      %dma_start3A_705 = arith.constant 704 : i32
      %dma_start3A_706 = tpu.memref_slice %arg11[%add3A_13, %dma_start3A_705] : memref<16384x833xf32, #tpu.memory_space<hbm>> -> memref<128x32xf32, #tpu.memory_space<hbm>>
      %dma_start3A_707 = arith.constant 2816 : i32
      %dma_start3A_708 = arith.constant 0 : i32
      %dma_start3A_709 = tpu.memref_slice %arg13[%dma_start3A_707, %dma_start3A_708] : memref<3328x32xf32, #tpu.memory_space<vmem>> -> memref<128x32xf32, #tpu.memory_space<vmem>>
      tpu.enqueue_dma source(%dma_start3A_709 : memref<128x32xf32, #tpu.memory_space<vmem>>) target(%dma_start3A_706 : memref<128x32xf32, #tpu.memory_space<hbm>>) target_semaphore(%arg16 : memref<!tpu.dma_semaphore, #tpu.memory_space<semaphore_mem>>)
      %dma_start3A_710 = arith.constant 2944 : i32
      %dma_start3A_711 = arith.constant 0 : i32
      %dma_start3A_712 = tpu.memref_slice %arg13[%dma_start3A_710, %dma_start3A_711] : memref<3328x32xf32, #tpu.memory_space<vmem>> -> memref<128x32xf32, #tpu.memory_space<vmem>>
      %dma_start3A_713 = arith.constant 736 : i32
      %dma_start3A_714 = tpu.memref_slice %arg11[%add3A_13, %dma_start3A_713] : memref<16384x833xf32, #tpu.memory_space<hbm>> -> memref<128x32xf32, #tpu.memory_space<hbm>>
      %dma_start3A_715 = arith.constant 736 : i32
      %dma_start3A_716 = tpu.memref_slice %arg11[%add3A_13, %dma_start3A_715] : memref<16384x833xf32, #tpu.memory_space<hbm>> -> memref<128x32xf32, #tpu.memory_space<hbm>>
      %dma_start3A_717 = arith.constant 2944 : i32
      %dma_start3A_718 = arith.constant 0 : i32
      %dma_start3A_719 = tpu.memref_slice %arg13[%dma_start3A_717, %dma_start3A_718] : memref<3328x32xf32, #tpu.memory_space<vmem>> -> memref<128x32xf32, #tpu.memory_space<vmem>>
      tpu.enqueue_dma source(%dma_start3A_719 : memref<128x32xf32, #tpu.memory_space<vmem>>) target(%dma_start3A_716 : memref<128x32xf32, #tpu.memory_space<hbm>>) target_semaphore(%arg16 : memref<!tpu.dma_semaphore, #tpu.memory_space<semaphore_mem>>)
      %dma_start3A_720 = arith.constant 3072 : i32
      %dma_start3A_721 = arith.constant 0 : i32
      %dma_start3A_722 = tpu.memref_slice %arg13[%dma_start3A_720, %dma_start3A_721] : memref<3328x32xf32, #tpu.memory_space<vmem>> -> memref<128x32xf32, #tpu.memory_space<vmem>>
      %dma_start3A_723 = arith.constant 768 : i32
      %dma_start3A_724 = tpu.memref_slice %arg11[%add3A_13, %dma_start3A_723] : memref<16384x833xf32, #tpu.memory_space<hbm>> -> memref<128x32xf32, #tpu.memory_space<hbm>>
      %dma_start3A_725 = arith.constant 768 : i32
      %dma_start3A_726 = tpu.memref_slice %arg11[%add3A_13, %dma_start3A_725] : memref<16384x833xf32, #tpu.memory_space<hbm>> -> memref<128x32xf32, #tpu.memory_space<hbm>>
      %dma_start3A_727 = arith.constant 3072 : i32
      %dma_start3A_728 = arith.constant 0 : i32
      %dma_start3A_729 = tpu.memref_slice %arg13[%dma_start3A_727, %dma_start3A_728] : memref<3328x32xf32, #tpu.memory_space<vmem>> -> memref<128x32xf32, #tpu.memory_space<vmem>>
      tpu.enqueue_dma source(%dma_start3A_729 : memref<128x32xf32, #tpu.memory_space<vmem>>) target(%dma_start3A_726 : memref<128x32xf32, #tpu.memory_space<hbm>>) target_semaphore(%arg16 : memref<!tpu.dma_semaphore, #tpu.memory_space<semaphore_mem>>)
      %dma_start3A_730 = arith.constant 3200 : i32
      %dma_start3A_731 = arith.constant 0 : i32
      %dma_start3A_732 = tpu.memref_slice %arg13[%dma_start3A_730, %dma_start3A_731] : memref<3328x32xf32, #tpu.memory_space<vmem>> -> memref<128x32xf32, #tpu.memory_space<vmem>>
      %dma_start3A_733 = arith.constant 800 : i32
      %dma_start3A_734 = tpu.memref_slice %arg11[%add3A_13, %dma_start3A_733] : memref<16384x833xf32, #tpu.memory_space<hbm>> -> memref<128x32xf32, #tpu.memory_space<hbm>>
      %dma_start3A_735 = arith.constant 800 : i32
      %dma_start3A_736 = tpu.memref_slice %arg11[%add3A_13, %dma_start3A_735] : memref<16384x833xf32, #tpu.memory_space<hbm>> -> memref<128x32xf32, #tpu.memory_space<hbm>>
      %dma_start3A_737 = arith.constant 3200 : i32
      %dma_start3A_738 = arith.constant 0 : i32
      %dma_start3A_739 = tpu.memref_slice %arg13[%dma_start3A_737, %dma_start3A_738] : memref<3328x32xf32, #tpu.memory_space<vmem>> -> memref<128x32xf32, #tpu.memory_space<vmem>>
      tpu.enqueue_dma source(%dma_start3A_739 : memref<128x32xf32, #tpu.memory_space<vmem>>) target(%dma_start3A_736 : memref<128x32xf32, #tpu.memory_space<hbm>>) target_semaphore(%arg16 : memref<!tpu.dma_semaphore, #tpu.memory_space<semaphore_mem>>)
      %dma_start3A_740 = arith.constant 832 : i32
      %dma_start3A_741 = tpu.memref_slice %arg11[%add3A_13, %dma_start3A_740] : memref<16384x833xf32, #tpu.memory_space<hbm>> -> memref<128x1xf32, #tpu.memory_space<hbm>>
      %dma_start3A_742 = arith.constant 832 : i32
      %dma_start3A_743 = tpu.memref_slice %arg11[%add3A_13, %dma_start3A_742] : memref<16384x833xf32, #tpu.memory_space<hbm>> -> memref<128x1xf32, #tpu.memory_space<hbm>>
      tpu.enqueue_dma source(%arg14 : memref<128x1xf32, #tpu.memory_space<vmem>>) target(%dma_start3A_743 : memref<128x1xf32, #tpu.memory_space<hbm>>) target_semaphore(%arg16 : memref<!tpu.dma_semaphore, #tpu.memory_space<semaphore_mem>>)
      %dma_wait3A_744 = arith.constant 0 : i32
      %dma_wait3A_745 = arith.constant 0 : i32
      %dma_wait3A_746 = tpu.memref_slice %arg13[%dma_wait3A_744, %dma_wait3A_745] : memref<3328x32xf32, #tpu.memory_space<vmem>> -> memref<128x32xf32, #tpu.memory_space<vmem>>
      %dma_wait3A_747 = arith.constant 0 : i32
      %dma_wait3A_748 = tpu.memref_slice %arg11[%add3A_13, %dma_wait3A_747] : memref<16384x833xf32, #tpu.memory_space<hbm>> -> memref<128x32xf32, #tpu.memory_space<hbm>>
      %dma_wait3A_749 = arith.constant 0 : i32
      %dma_wait3A_750 = tpu.memref_slice %arg11[%add3A_13, %dma_wait3A_749] : memref<16384x833xf32, #tpu.memory_space<hbm>> -> memref<128x32xf32, #tpu.memory_space<hbm>>
      %dma_wait3A_751 = arith.constant 0 : i32
      %dma_wait3A_752 = arith.constant 0 : i32
      %dma_wait3A_753 = tpu.memref_slice %arg13[%dma_wait3A_751, %dma_wait3A_752] : memref<3328x32xf32, #tpu.memory_space<vmem>> -> memref<128x32xf32, #tpu.memory_space<vmem>>
      tpu.wait_dma2 semaphore(%arg16 : memref<!tpu.dma_semaphore, #tpu.memory_space<semaphore_mem>>) src(%dma_wait3A_753 : memref<128x32xf32, #tpu.memory_space<vmem>>) dst(%dma_wait3A_750 : memref<128x32xf32, #tpu.memory_space<hbm>>)
      %dma_wait3A_754 = arith.constant 128 : i32
      %dma_wait3A_755 = arith.constant 0 : i32
      %dma_wait3A_756 = tpu.memref_slice %arg13[%dma_wait3A_754, %dma_wait3A_755] : memref<3328x32xf32, #tpu.memory_space<vmem>> -> memref<128x32xf32, #tpu.memory_space<vmem>>
      %dma_wait3A_757 = arith.constant 32 : i32
      %dma_wait3A_758 = tpu.memref_slice %arg11[%add3A_13, %dma_wait3A_757] : memref<16384x833xf32, #tpu.memory_space<hbm>> -> memref<128x32xf32, #tpu.memory_space<hbm>>
      %dma_wait3A_759 = arith.constant 32 : i32
      %dma_wait3A_760 = tpu.memref_slice %arg11[%add3A_13, %dma_wait3A_759] : memref<16384x833xf32, #tpu.memory_space<hbm>> -> memref<128x32xf32, #tpu.memory_space<hbm>>
      %dma_wait3A_761 = arith.constant 128 : i32
      %dma_wait3A_762 = arith.constant 0 : i32
      %dma_wait3A_763 = tpu.memref_slice %arg13[%dma_wait3A_761, %dma_wait3A_762] : memref<3328x32xf32, #tpu.memory_space<vmem>> -> memref<128x32xf32, #tpu.memory_space<vmem>>
      tpu.wait_dma2 semaphore(%arg16 : memref<!tpu.dma_semaphore, #tpu.memory_space<semaphore_mem>>) src(%dma_wait3A_763 : memref<128x32xf32, #tpu.memory_space<vmem>>) dst(%dma_wait3A_760 : memref<128x32xf32, #tpu.memory_space<hbm>>)
      %dma_wait3A_764 = arith.constant 256 : i32
      %dma_wait3A_765 = arith.constant 0 : i32
      %dma_wait3A_766 = tpu.memref_slice %arg13[%dma_wait3A_764, %dma_wait3A_765] : memref<3328x32xf32, #tpu.memory_space<vmem>> -> memref<128x32xf32, #tpu.memory_space<vmem>>
      %dma_wait3A_767 = arith.constant 64 : i32
      %dma_wait3A_768 = tpu.memref_slice %arg11[%add3A_13, %dma_wait3A_767] : memref<16384x833xf32, #tpu.memory_space<hbm>> -> memref<128x32xf32, #tpu.memory_space<hbm>>
      %dma_wait3A_769 = arith.constant 64 : i32
      %dma_wait3A_770 = tpu.memref_slice %arg11[%add3A_13, %dma_wait3A_769] : memref<16384x833xf32, #tpu.memory_space<hbm>> -> memref<128x32xf32, #tpu.memory_space<hbm>>
      %dma_wait3A_771 = arith.constant 256 : i32
      %dma_wait3A_772 = arith.constant 0 : i32
      %dma_wait3A_773 = tpu.memref_slice %arg13[%dma_wait3A_771, %dma_wait3A_772] : memref<3328x32xf32, #tpu.memory_space<vmem>> -> memref<128x32xf32, #tpu.memory_space<vmem>>
      tpu.wait_dma2 semaphore(%arg16 : memref<!tpu.dma_semaphore, #tpu.memory_space<semaphore_mem>>) src(%dma_wait3A_773 : memref<128x32xf32, #tpu.memory_space<vmem>>) dst(%dma_wait3A_770 : memref<128x32xf32, #tpu.memory_space<hbm>>)
      %dma_wait3A_774 = arith.constant 384 : i32
      %dma_wait3A_775 = arith.constant 0 : i32
      %dma_wait3A_776 = tpu.memref_slice %arg13[%dma_wait3A_774, %dma_wait3A_775] : memref<3328x32xf32, #tpu.memory_space<vmem>> -> memref<128x32xf32, #tpu.memory_space<vmem>>
      %dma_wait3A_777 = arith.constant 96 : i32
      %dma_wait3A_778 = tpu.memref_slice %arg11[%add3A_13, %dma_wait3A_777] : memref<16384x833xf32, #tpu.memory_space<hbm>> -> memref<128x32xf32, #tpu.memory_space<hbm>>
      %dma_wait3A_779 = arith.constant 96 : i32
      %dma_wait3A_780 = tpu.memref_slice %arg11[%add3A_13, %dma_wait3A_779] : memref<16384x833xf32, #tpu.memory_space<hbm>> -> memref<128x32xf32, #tpu.memory_space<hbm>>
      %dma_wait3A_781 = arith.constant 384 : i32
      %dma_wait3A_782 = arith.constant 0 : i32
      %dma_wait3A_783 = tpu.memref_slice %arg13[%dma_wait3A_781, %dma_wait3A_782] : memref<3328x32xf32, #tpu.memory_space<vmem>> -> memref<128x32xf32, #tpu.memory_space<vmem>>
      tpu.wait_dma2 semaphore(%arg16 : memref<!tpu.dma_semaphore, #tpu.memory_space<semaphore_mem>>) src(%dma_wait3A_783 : memref<128x32xf32, #tpu.memory_space<vmem>>) dst(%dma_wait3A_780 : memref<128x32xf32, #tpu.memory_space<hbm>>)
      %dma_wait3A_784 = arith.constant 512 : i32
      %dma_wait3A_785 = arith.constant 0 : i32
      %dma_wait3A_786 = tpu.memref_slice %arg13[%dma_wait3A_784, %dma_wait3A_785] : memref<3328x32xf32, #tpu.memory_space<vmem>> -> memref<128x32xf32, #tpu.memory_space<vmem>>
      %dma_wait3A_787 = arith.constant 128 : i32
      %dma_wait3A_788 = tpu.memref_slice %arg11[%add3A_13, %dma_wait3A_787] : memref<16384x833xf32, #tpu.memory_space<hbm>> -> memref<128x32xf32, #tpu.memory_space<hbm>>
      %dma_wait3A_789 = arith.constant 128 : i32
      %dma_wait3A_790 = tpu.memref_slice %arg11[%add3A_13, %dma_wait3A_789] : memref<16384x833xf32, #tpu.memory_space<hbm>> -> memref<128x32xf32, #tpu.memory_space<hbm>>
      %dma_wait3A_791 = arith.constant 512 : i32
      %dma_wait3A_792 = arith.constant 0 : i32
      %dma_wait3A_793 = tpu.memref_slice %arg13[%dma_wait3A_791, %dma_wait3A_792] : memref<3328x32xf32, #tpu.memory_space<vmem>> -> memref<128x32xf32, #tpu.memory_space<vmem>>
      tpu.wait_dma2 semaphore(%arg16 : memref<!tpu.dma_semaphore, #tpu.memory_space<semaphore_mem>>) src(%dma_wait3A_793 : memref<128x32xf32, #tpu.memory_space<vmem>>) dst(%dma_wait3A_790 : memref<128x32xf32, #tpu.memory_space<hbm>>)
      %dma_wait3A_794 = arith.constant 640 : i32
      %dma_wait3A_795 = arith.constant 0 : i32
      %dma_wait3A_796 = tpu.memref_slice %arg13[%dma_wait3A_794, %dma_wait3A_795] : memref<3328x32xf32, #tpu.memory_space<vmem>> -> memref<128x32xf32, #tpu.memory_space<vmem>>
      %dma_wait3A_797 = arith.constant 160 : i32
      %dma_wait3A_798 = tpu.memref_slice %arg11[%add3A_13, %dma_wait3A_797] : memref<16384x833xf32, #tpu.memory_space<hbm>> -> memref<128x32xf32, #tpu.memory_space<hbm>>
      %dma_wait3A_799 = arith.constant 160 : i32
      %dma_wait3A_800 = tpu.memref_slice %arg11[%add3A_13, %dma_wait3A_799] : memref<16384x833xf32, #tpu.memory_space<hbm>> -> memref<128x32xf32, #tpu.memory_space<hbm>>
      %dma_wait3A_801 = arith.constant 640 : i32
      %dma_wait3A_802 = arith.constant 0 : i32
      %dma_wait3A_803 = tpu.memref_slice %arg13[%dma_wait3A_801, %dma_wait3A_802] : memref<3328x32xf32, #tpu.memory_space<vmem>> -> memref<128x32xf32, #tpu.memory_space<vmem>>
      tpu.wait_dma2 semaphore(%arg16 : memref<!tpu.dma_semaphore, #tpu.memory_space<semaphore_mem>>) src(%dma_wait3A_803 : memref<128x32xf32, #tpu.memory_space<vmem>>) dst(%dma_wait3A_800 : memref<128x32xf32, #tpu.memory_space<hbm>>)
      %dma_wait3A_804 = arith.constant 768 : i32
      %dma_wait3A_805 = arith.constant 0 : i32
      %dma_wait3A_806 = tpu.memref_slice %arg13[%dma_wait3A_804, %dma_wait3A_805] : memref<3328x32xf32, #tpu.memory_space<vmem>> -> memref<128x32xf32, #tpu.memory_space<vmem>>
      %dma_wait3A_807 = arith.constant 192 : i32
      %dma_wait3A_808 = tpu.memref_slice %arg11[%add3A_13, %dma_wait3A_807] : memref<16384x833xf32, #tpu.memory_space<hbm>> -> memref<128x32xf32, #tpu.memory_space<hbm>>
      %dma_wait3A_809 = arith.constant 192 : i32
      %dma_wait3A_810 = tpu.memref_slice %arg11[%add3A_13, %dma_wait3A_809] : memref<16384x833xf32, #tpu.memory_space<hbm>> -> memref<128x32xf32, #tpu.memory_space<hbm>>
      %dma_wait3A_811 = arith.constant 768 : i32
      %dma_wait3A_812 = arith.constant 0 : i32
      %dma_wait3A_813 = tpu.memref_slice %arg13[%dma_wait3A_811, %dma_wait3A_812] : memref<3328x32xf32, #tpu.memory_space<vmem>> -> memref<128x32xf32, #tpu.memory_space<vmem>>
      tpu.wait_dma2 semaphore(%arg16 : memref<!tpu.dma_semaphore, #tpu.memory_space<semaphore_mem>>) src(%dma_wait3A_813 : memref<128x32xf32, #tpu.memory_space<vmem>>) dst(%dma_wait3A_810 : memref<128x32xf32, #tpu.memory_space<hbm>>)
      %dma_wait3A_814 = arith.constant 896 : i32
      %dma_wait3A_815 = arith.constant 0 : i32
      %dma_wait3A_816 = tpu.memref_slice %arg13[%dma_wait3A_814, %dma_wait3A_815] : memref<3328x32xf32, #tpu.memory_space<vmem>> -> memref<128x32xf32, #tpu.memory_space<vmem>>
      %dma_wait3A_817 = arith.constant 224 : i32
      %dma_wait3A_818 = tpu.memref_slice %arg11[%add3A_13, %dma_wait3A_817] : memref<16384x833xf32, #tpu.memory_space<hbm>> -> memref<128x32xf32, #tpu.memory_space<hbm>>
      %dma_wait3A_819 = arith.constant 224 : i32
      %dma_wait3A_820 = tpu.memref_slice %arg11[%add3A_13, %dma_wait3A_819] : memref<16384x833xf32, #tpu.memory_space<hbm>> -> memref<128x32xf32, #tpu.memory_space<hbm>>
      %dma_wait3A_821 = arith.constant 896 : i32
      %dma_wait3A_822 = arith.constant 0 : i32
      %dma_wait3A_823 = tpu.memref_slice %arg13[%dma_wait3A_821, %dma_wait3A_822] : memref<3328x32xf32, #tpu.memory_space<vmem>> -> memref<128x32xf32, #tpu.memory_space<vmem>>
      tpu.wait_dma2 semaphore(%arg16 : memref<!tpu.dma_semaphore, #tpu.memory_space<semaphore_mem>>) src(%dma_wait3A_823 : memref<128x32xf32, #tpu.memory_space<vmem>>) dst(%dma_wait3A_820 : memref<128x32xf32, #tpu.memory_space<hbm>>)
      %dma_wait3A_824 = arith.constant 1024 : i32
      %dma_wait3A_825 = arith.constant 0 : i32
      %dma_wait3A_826 = tpu.memref_slice %arg13[%dma_wait3A_824, %dma_wait3A_825] : memref<3328x32xf32, #tpu.memory_space<vmem>> -> memref<128x32xf32, #tpu.memory_space<vmem>>
      %dma_wait3A_827 = arith.constant 256 : i32
      %dma_wait3A_828 = tpu.memref_slice %arg11[%add3A_13, %dma_wait3A_827] : memref<16384x833xf32, #tpu.memory_space<hbm>> -> memref<128x32xf32, #tpu.memory_space<hbm>>
      %dma_wait3A_829 = arith.constant 256 : i32
      %dma_wait3A_830 = tpu.memref_slice %arg11[%add3A_13, %dma_wait3A_829] : memref<16384x833xf32, #tpu.memory_space<hbm>> -> memref<128x32xf32, #tpu.memory_space<hbm>>
      %dma_wait3A_831 = arith.constant 1024 : i32
      %dma_wait3A_832 = arith.constant 0 : i32
      %dma_wait3A_833 = tpu.memref_slice %arg13[%dma_wait3A_831, %dma_wait3A_832] : memref<3328x32xf32, #tpu.memory_space<vmem>> -> memref<128x32xf32, #tpu.memory_space<vmem>>
      tpu.wait_dma2 semaphore(%arg16 : memref<!tpu.dma_semaphore, #tpu.memory_space<semaphore_mem>>) src(%dma_wait3A_833 : memref<128x32xf32, #tpu.memory_space<vmem>>) dst(%dma_wait3A_830 : memref<128x32xf32, #tpu.memory_space<hbm>>)
      %dma_wait3A_834 = arith.constant 1152 : i32
      %dma_wait3A_835 = arith.constant 0 : i32
      %dma_wait3A_836 = tpu.memref_slice %arg13[%dma_wait3A_834, %dma_wait3A_835] : memref<3328x32xf32, #tpu.memory_space<vmem>> -> memref<128x32xf32, #tpu.memory_space<vmem>>
      %dma_wait3A_837 = arith.constant 288 : i32
      %dma_wait3A_838 = tpu.memref_slice %arg11[%add3A_13, %dma_wait3A_837] : memref<16384x833xf32, #tpu.memory_space<hbm>> -> memref<128x32xf32, #tpu.memory_space<hbm>>
      %dma_wait3A_839 = arith.constant 288 : i32
      %dma_wait3A_840 = tpu.memref_slice %arg11[%add3A_13, %dma_wait3A_839] : memref<16384x833xf32, #tpu.memory_space<hbm>> -> memref<128x32xf32, #tpu.memory_space<hbm>>
      %dma_wait3A_841 = arith.constant 1152 : i32
      %dma_wait3A_842 = arith.constant 0 : i32
      %dma_wait3A_843 = tpu.memref_slice %arg13[%dma_wait3A_841, %dma_wait3A_842] : memref<3328x32xf32, #tpu.memory_space<vmem>> -> memref<128x32xf32, #tpu.memory_space<vmem>>
      tpu.wait_dma2 semaphore(%arg16 : memref<!tpu.dma_semaphore, #tpu.memory_space<semaphore_mem>>) src(%dma_wait3A_843 : memref<128x32xf32, #tpu.memory_space<vmem>>) dst(%dma_wait3A_840 : memref<128x32xf32, #tpu.memory_space<hbm>>)
      %dma_wait3A_844 = arith.constant 1280 : i32
      %dma_wait3A_845 = arith.constant 0 : i32
      %dma_wait3A_846 = tpu.memref_slice %arg13[%dma_wait3A_844, %dma_wait3A_845] : memref<3328x32xf32, #tpu.memory_space<vmem>> -> memref<128x32xf32, #tpu.memory_space<vmem>>
      %dma_wait3A_847 = arith.constant 320 : i32
      %dma_wait3A_848 = tpu.memref_slice %arg11[%add3A_13, %dma_wait3A_847] : memref<16384x833xf32, #tpu.memory_space<hbm>> -> memref<128x32xf32, #tpu.memory_space<hbm>>
      %dma_wait3A_849 = arith.constant 320 : i32
      %dma_wait3A_850 = tpu.memref_slice %arg11[%add3A_13, %dma_wait3A_849] : memref<16384x833xf32, #tpu.memory_space<hbm>> -> memref<128x32xf32, #tpu.memory_space<hbm>>
      %dma_wait3A_851 = arith.constant 1280 : i32
      %dma_wait3A_852 = arith.constant 0 : i32
      %dma_wait3A_853 = tpu.memref_slice %arg13[%dma_wait3A_851, %dma_wait3A_852] : memref<3328x32xf32, #tpu.memory_space<vmem>> -> memref<128x32xf32, #tpu.memory_space<vmem>>
      tpu.wait_dma2 semaphore(%arg16 : memref<!tpu.dma_semaphore, #tpu.memory_space<semaphore_mem>>) src(%dma_wait3A_853 : memref<128x32xf32, #tpu.memory_space<vmem>>) dst(%dma_wait3A_850 : memref<128x32xf32, #tpu.memory_space<hbm>>)
      %dma_wait3A_854 = arith.constant 1408 : i32
      %dma_wait3A_855 = arith.constant 0 : i32
      %dma_wait3A_856 = tpu.memref_slice %arg13[%dma_wait3A_854, %dma_wait3A_855] : memref<3328x32xf32, #tpu.memory_space<vmem>> -> memref<128x32xf32, #tpu.memory_space<vmem>>
      %dma_wait3A_857 = arith.constant 352 : i32
      %dma_wait3A_858 = tpu.memref_slice %arg11[%add3A_13, %dma_wait3A_857] : memref<16384x833xf32, #tpu.memory_space<hbm>> -> memref<128x32xf32, #tpu.memory_space<hbm>>
      %dma_wait3A_859 = arith.constant 352 : i32
      %dma_wait3A_860 = tpu.memref_slice %arg11[%add3A_13, %dma_wait3A_859] : memref<16384x833xf32, #tpu.memory_space<hbm>> -> memref<128x32xf32, #tpu.memory_space<hbm>>
      %dma_wait3A_861 = arith.constant 1408 : i32
      %dma_wait3A_862 = arith.constant 0 : i32
      %dma_wait3A_863 = tpu.memref_slice %arg13[%dma_wait3A_861, %dma_wait3A_862] : memref<3328x32xf32, #tpu.memory_space<vmem>> -> memref<128x32xf32, #tpu.memory_space<vmem>>
      tpu.wait_dma2 semaphore(%arg16 : memref<!tpu.dma_semaphore, #tpu.memory_space<semaphore_mem>>) src(%dma_wait3A_863 : memref<128x32xf32, #tpu.memory_space<vmem>>) dst(%dma_wait3A_860 : memref<128x32xf32, #tpu.memory_space<hbm>>)
      %dma_wait3A_864 = arith.constant 1536 : i32
      %dma_wait3A_865 = arith.constant 0 : i32
      %dma_wait3A_866 = tpu.memref_slice %arg13[%dma_wait3A_864, %dma_wait3A_865] : memref<3328x32xf32, #tpu.memory_space<vmem>> -> memref<128x32xf32, #tpu.memory_space<vmem>>
      %dma_wait3A_867 = arith.constant 384 : i32
      %dma_wait3A_868 = tpu.memref_slice %arg11[%add3A_13, %dma_wait3A_867] : memref<16384x833xf32, #tpu.memory_space<hbm>> -> memref<128x32xf32, #tpu.memory_space<hbm>>
      %dma_wait3A_869 = arith.constant 384 : i32
      %dma_wait3A_870 = tpu.memref_slice %arg11[%add3A_13, %dma_wait3A_869] : memref<16384x833xf32, #tpu.memory_space<hbm>> -> memref<128x32xf32, #tpu.memory_space<hbm>>
      %dma_wait3A_871 = arith.constant 1536 : i32
      %dma_wait3A_872 = arith.constant 0 : i32
      %dma_wait3A_873 = tpu.memref_slice %arg13[%dma_wait3A_871, %dma_wait3A_872] : memref<3328x32xf32, #tpu.memory_space<vmem>> -> memref<128x32xf32, #tpu.memory_space<vmem>>
      tpu.wait_dma2 semaphore(%arg16 : memref<!tpu.dma_semaphore, #tpu.memory_space<semaphore_mem>>) src(%dma_wait3A_873 : memref<128x32xf32, #tpu.memory_space<vmem>>) dst(%dma_wait3A_870 : memref<128x32xf32, #tpu.memory_space<hbm>>)
      %dma_wait3A_874 = arith.constant 1664 : i32
      %dma_wait3A_875 = arith.constant 0 : i32
      %dma_wait3A_876 = tpu.memref_slice %arg13[%dma_wait3A_874, %dma_wait3A_875] : memref<3328x32xf32, #tpu.memory_space<vmem>> -> memref<128x32xf32, #tpu.memory_space<vmem>>
      %dma_wait3A_877 = arith.constant 416 : i32
      %dma_wait3A_878 = tpu.memref_slice %arg11[%add3A_13, %dma_wait3A_877] : memref<16384x833xf32, #tpu.memory_space<hbm>> -> memref<128x32xf32, #tpu.memory_space<hbm>>
      %dma_wait3A_879 = arith.constant 416 : i32
      %dma_wait3A_880 = tpu.memref_slice %arg11[%add3A_13, %dma_wait3A_879] : memref<16384x833xf32, #tpu.memory_space<hbm>> -> memref<128x32xf32, #tpu.memory_space<hbm>>
      %dma_wait3A_881 = arith.constant 1664 : i32
      %dma_wait3A_882 = arith.constant 0 : i32
      %dma_wait3A_883 = tpu.memref_slice %arg13[%dma_wait3A_881, %dma_wait3A_882] : memref<3328x32xf32, #tpu.memory_space<vmem>> -> memref<128x32xf32, #tpu.memory_space<vmem>>
      tpu.wait_dma2 semaphore(%arg16 : memref<!tpu.dma_semaphore, #tpu.memory_space<semaphore_mem>>) src(%dma_wait3A_883 : memref<128x32xf32, #tpu.memory_space<vmem>>) dst(%dma_wait3A_880 : memref<128x32xf32, #tpu.memory_space<hbm>>)
      %dma_wait3A_884 = arith.constant 1792 : i32
      %dma_wait3A_885 = arith.constant 0 : i32
      %dma_wait3A_886 = tpu.memref_slice %arg13[%dma_wait3A_884, %dma_wait3A_885] : memref<3328x32xf32, #tpu.memory_space<vmem>> -> memref<128x32xf32, #tpu.memory_space<vmem>>
      %dma_wait3A_887 = arith.constant 448 : i32
      %dma_wait3A_888 = tpu.memref_slice %arg11[%add3A_13, %dma_wait3A_887] : memref<16384x833xf32, #tpu.memory_space<hbm>> -> memref<128x32xf32, #tpu.memory_space<hbm>>
      %dma_wait3A_889 = arith.constant 448 : i32
      %dma_wait3A_890 = tpu.memref_slice %arg11[%add3A_13, %dma_wait3A_889] : memref<16384x833xf32, #tpu.memory_space<hbm>> -> memref<128x32xf32, #tpu.memory_space<hbm>>
      %dma_wait3A_891 = arith.constant 1792 : i32
      %dma_wait3A_892 = arith.constant 0 : i32
      %dma_wait3A_893 = tpu.memref_slice %arg13[%dma_wait3A_891, %dma_wait3A_892] : memref<3328x32xf32, #tpu.memory_space<vmem>> -> memref<128x32xf32, #tpu.memory_space<vmem>>
      tpu.wait_dma2 semaphore(%arg16 : memref<!tpu.dma_semaphore, #tpu.memory_space<semaphore_mem>>) src(%dma_wait3A_893 : memref<128x32xf32, #tpu.memory_space<vmem>>) dst(%dma_wait3A_890 : memref<128x32xf32, #tpu.memory_space<hbm>>)
      %dma_wait3A_894 = arith.constant 1920 : i32
      %dma_wait3A_895 = arith.constant 0 : i32
      %dma_wait3A_896 = tpu.memref_slice %arg13[%dma_wait3A_894, %dma_wait3A_895] : memref<3328x32xf32, #tpu.memory_space<vmem>> -> memref<128x32xf32, #tpu.memory_space<vmem>>
      %dma_wait3A_897 = arith.constant 480 : i32
      %dma_wait3A_898 = tpu.memref_slice %arg11[%add3A_13, %dma_wait3A_897] : memref<16384x833xf32, #tpu.memory_space<hbm>> -> memref<128x32xf32, #tpu.memory_space<hbm>>
      %dma_wait3A_899 = arith.constant 480 : i32
      %dma_wait3A_900 = tpu.memref_slice %arg11[%add3A_13, %dma_wait3A_899] : memref<16384x833xf32, #tpu.memory_space<hbm>> -> memref<128x32xf32, #tpu.memory_space<hbm>>
      %dma_wait3A_901 = arith.constant 1920 : i32
      %dma_wait3A_902 = arith.constant 0 : i32
      %dma_wait3A_903 = tpu.memref_slice %arg13[%dma_wait3A_901, %dma_wait3A_902] : memref<3328x32xf32, #tpu.memory_space<vmem>> -> memref<128x32xf32, #tpu.memory_space<vmem>>
      tpu.wait_dma2 semaphore(%arg16 : memref<!tpu.dma_semaphore, #tpu.memory_space<semaphore_mem>>) src(%dma_wait3A_903 : memref<128x32xf32, #tpu.memory_space<vmem>>) dst(%dma_wait3A_900 : memref<128x32xf32, #tpu.memory_space<hbm>>)
      %dma_wait3A_904 = arith.constant 2048 : i32
      %dma_wait3A_905 = arith.constant 0 : i32
      %dma_wait3A_906 = tpu.memref_slice %arg13[%dma_wait3A_904, %dma_wait3A_905] : memref<3328x32xf32, #tpu.memory_space<vmem>> -> memref<128x32xf32, #tpu.memory_space<vmem>>
      %dma_wait3A_907 = arith.constant 512 : i32
      %dma_wait3A_908 = tpu.memref_slice %arg11[%add3A_13, %dma_wait3A_907] : memref<16384x833xf32, #tpu.memory_space<hbm>> -> memref<128x32xf32, #tpu.memory_space<hbm>>
      %dma_wait3A_909 = arith.constant 512 : i32
      %dma_wait3A_910 = tpu.memref_slice %arg11[%add3A_13, %dma_wait3A_909] : memref<16384x833xf32, #tpu.memory_space<hbm>> -> memref<128x32xf32, #tpu.memory_space<hbm>>
      %dma_wait3A_911 = arith.constant 2048 : i32
      %dma_wait3A_912 = arith.constant 0 : i32
      %dma_wait3A_913 = tpu.memref_slice %arg13[%dma_wait3A_911, %dma_wait3A_912] : memref<3328x32xf32, #tpu.memory_space<vmem>> -> memref<128x32xf32, #tpu.memory_space<vmem>>
      tpu.wait_dma2 semaphore(%arg16 : memref<!tpu.dma_semaphore, #tpu.memory_space<semaphore_mem>>) src(%dma_wait3A_913 : memref<128x32xf32, #tpu.memory_space<vmem>>) dst(%dma_wait3A_910 : memref<128x32xf32, #tpu.memory_space<hbm>>)
      %dma_wait3A_914 = arith.constant 2176 : i32
      %dma_wait3A_915 = arith.constant 0 : i32
      %dma_wait3A_916 = tpu.memref_slice %arg13[%dma_wait3A_914, %dma_wait3A_915] : memref<3328x32xf32, #tpu.memory_space<vmem>> -> memref<128x32xf32, #tpu.memory_space<vmem>>
      %dma_wait3A_917 = arith.constant 544 : i32
      %dma_wait3A_918 = tpu.memref_slice %arg11[%add3A_13, %dma_wait3A_917] : memref<16384x833xf32, #tpu.memory_space<hbm>> -> memref<128x32xf32, #tpu.memory_space<hbm>>
      %dma_wait3A_919 = arith.constant 544 : i32
      %dma_wait3A_920 = tpu.memref_slice %arg11[%add3A_13, %dma_wait3A_919] : memref<16384x833xf32, #tpu.memory_space<hbm>> -> memref<128x32xf32, #tpu.memory_space<hbm>>
      %dma_wait3A_921 = arith.constant 2176 : i32
      %dma_wait3A_922 = arith.constant 0 : i32
      %dma_wait3A_923 = tpu.memref_slice %arg13[%dma_wait3A_921, %dma_wait3A_922] : memref<3328x32xf32, #tpu.memory_space<vmem>> -> memref<128x32xf32, #tpu.memory_space<vmem>>
      tpu.wait_dma2 semaphore(%arg16 : memref<!tpu.dma_semaphore, #tpu.memory_space<semaphore_mem>>) src(%dma_wait3A_923 : memref<128x32xf32, #tpu.memory_space<vmem>>) dst(%dma_wait3A_920 : memref<128x32xf32, #tpu.memory_space<hbm>>)
      %dma_wait3A_924 = arith.constant 2304 : i32
      %dma_wait3A_925 = arith.constant 0 : i32
      %dma_wait3A_926 = tpu.memref_slice %arg13[%dma_wait3A_924, %dma_wait3A_925] : memref<3328x32xf32, #tpu.memory_space<vmem>> -> memref<128x32xf32, #tpu.memory_space<vmem>>
      %dma_wait3A_927 = arith.constant 576 : i32
      %dma_wait3A_928 = tpu.memref_slice %arg11[%add3A_13, %dma_wait3A_927] : memref<16384x833xf32, #tpu.memory_space<hbm>> -> memref<128x32xf32, #tpu.memory_space<hbm>>
      %dma_wait3A_929 = arith.constant 576 : i32
      %dma_wait3A_930 = tpu.memref_slice %arg11[%add3A_13, %dma_wait3A_929] : memref<16384x833xf32, #tpu.memory_space<hbm>> -> memref<128x32xf32, #tpu.memory_space<hbm>>
      %dma_wait3A_931 = arith.constant 2304 : i32
      %dma_wait3A_932 = arith.constant 0 : i32
      %dma_wait3A_933 = tpu.memref_slice %arg13[%dma_wait3A_931, %dma_wait3A_932] : memref<3328x32xf32, #tpu.memory_space<vmem>> -> memref<128x32xf32, #tpu.memory_space<vmem>>
      tpu.wait_dma2 semaphore(%arg16 : memref<!tpu.dma_semaphore, #tpu.memory_space<semaphore_mem>>) src(%dma_wait3A_933 : memref<128x32xf32, #tpu.memory_space<vmem>>) dst(%dma_wait3A_930 : memref<128x32xf32, #tpu.memory_space<hbm>>)
      %dma_wait3A_934 = arith.constant 2432 : i32
      %dma_wait3A_935 = arith.constant 0 : i32
      %dma_wait3A_936 = tpu.memref_slice %arg13[%dma_wait3A_934, %dma_wait3A_935] : memref<3328x32xf32, #tpu.memory_space<vmem>> -> memref<128x32xf32, #tpu.memory_space<vmem>>
      %dma_wait3A_937 = arith.constant 608 : i32
      %dma_wait3A_938 = tpu.memref_slice %arg11[%add3A_13, %dma_wait3A_937] : memref<16384x833xf32, #tpu.memory_space<hbm>> -> memref<128x32xf32, #tpu.memory_space<hbm>>
      %dma_wait3A_939 = arith.constant 608 : i32
      %dma_wait3A_940 = tpu.memref_slice %arg11[%add3A_13, %dma_wait3A_939] : memref<16384x833xf32, #tpu.memory_space<hbm>> -> memref<128x32xf32, #tpu.memory_space<hbm>>
      %dma_wait3A_941 = arith.constant 2432 : i32
      %dma_wait3A_942 = arith.constant 0 : i32
      %dma_wait3A_943 = tpu.memref_slice %arg13[%dma_wait3A_941, %dma_wait3A_942] : memref<3328x32xf32, #tpu.memory_space<vmem>> -> memref<128x32xf32, #tpu.memory_space<vmem>>
      tpu.wait_dma2 semaphore(%arg16 : memref<!tpu.dma_semaphore, #tpu.memory_space<semaphore_mem>>) src(%dma_wait3A_943 : memref<128x32xf32, #tpu.memory_space<vmem>>) dst(%dma_wait3A_940 : memref<128x32xf32, #tpu.memory_space<hbm>>)
      %dma_wait3A_944 = arith.constant 2560 : i32
      %dma_wait3A_945 = arith.constant 0 : i32
      %dma_wait3A_946 = tpu.memref_slice %arg13[%dma_wait3A_944, %dma_wait3A_945] : memref<3328x32xf32, #tpu.memory_space<vmem>> -> memref<128x32xf32, #tpu.memory_space<vmem>>
      %dma_wait3A_947 = arith.constant 640 : i32
      %dma_wait3A_948 = tpu.memref_slice %arg11[%add3A_13, %dma_wait3A_947] : memref<16384x833xf32, #tpu.memory_space<hbm>> -> memref<128x32xf32, #tpu.memory_space<hbm>>
      %dma_wait3A_949 = arith.constant 640 : i32
      %dma_wait3A_950 = tpu.memref_slice %arg11[%add3A_13, %dma_wait3A_949] : memref<16384x833xf32, #tpu.memory_space<hbm>> -> memref<128x32xf32, #tpu.memory_space<hbm>>
      %dma_wait3A_951 = arith.constant 2560 : i32
      %dma_wait3A_952 = arith.constant 0 : i32
      %dma_wait3A_953 = tpu.memref_slice %arg13[%dma_wait3A_951, %dma_wait3A_952] : memref<3328x32xf32, #tpu.memory_space<vmem>> -> memref<128x32xf32, #tpu.memory_space<vmem>>
      tpu.wait_dma2 semaphore(%arg16 : memref<!tpu.dma_semaphore, #tpu.memory_space<semaphore_mem>>) src(%dma_wait3A_953 : memref<128x32xf32, #tpu.memory_space<vmem>>) dst(%dma_wait3A_950 : memref<128x32xf32, #tpu.memory_space<hbm>>)
      %dma_wait3A_954 = arith.constant 2688 : i32
      %dma_wait3A_955 = arith.constant 0 : i32
      %dma_wait3A_956 = tpu.memref_slice %arg13[%dma_wait3A_954, %dma_wait3A_955] : memref<3328x32xf32, #tpu.memory_space<vmem>> -> memref<128x32xf32, #tpu.memory_space<vmem>>
      %dma_wait3A_957 = arith.constant 672 : i32
      %dma_wait3A_958 = tpu.memref_slice %arg11[%add3A_13, %dma_wait3A_957] : memref<16384x833xf32, #tpu.memory_space<hbm>> -> memref<128x32xf32, #tpu.memory_space<hbm>>
      %dma_wait3A_959 = arith.constant 672 : i32
      %dma_wait3A_960 = tpu.memref_slice %arg11[%add3A_13, %dma_wait3A_959] : memref<16384x833xf32, #tpu.memory_space<hbm>> -> memref<128x32xf32, #tpu.memory_space<hbm>>
      %dma_wait3A_961 = arith.constant 2688 : i32
      %dma_wait3A_962 = arith.constant 0 : i32
      %dma_wait3A_963 = tpu.memref_slice %arg13[%dma_wait3A_961, %dma_wait3A_962] : memref<3328x32xf32, #tpu.memory_space<vmem>> -> memref<128x32xf32, #tpu.memory_space<vmem>>
      tpu.wait_dma2 semaphore(%arg16 : memref<!tpu.dma_semaphore, #tpu.memory_space<semaphore_mem>>) src(%dma_wait3A_963 : memref<128x32xf32, #tpu.memory_space<vmem>>) dst(%dma_wait3A_960 : memref<128x32xf32, #tpu.memory_space<hbm>>)
      %dma_wait3A_964 = arith.constant 2816 : i32
      %dma_wait3A_965 = arith.constant 0 : i32
      %dma_wait3A_966 = tpu.memref_slice %arg13[%dma_wait3A_964, %dma_wait3A_965] : memref<3328x32xf32, #tpu.memory_space<vmem>> -> memref<128x32xf32, #tpu.memory_space<vmem>>
      %dma_wait3A_967 = arith.constant 704 : i32
      %dma_wait3A_968 = tpu.memref_slice %arg11[%add3A_13, %dma_wait3A_967] : memref<16384x833xf32, #tpu.memory_space<hbm>> -> memref<128x32xf32, #tpu.memory_space<hbm>>
      %dma_wait3A_969 = arith.constant 704 : i32
      %dma_wait3A_970 = tpu.memref_slice %arg11[%add3A_13, %dma_wait3A_969] : memref<16384x833xf32, #tpu.memory_space<hbm>> -> memref<128x32xf32, #tpu.memory_space<hbm>>
      %dma_wait3A_971 = arith.constant 2816 : i32
      %dma_wait3A_972 = arith.constant 0 : i32
      %dma_wait3A_973 = tpu.memref_slice %arg13[%dma_wait3A_971, %dma_wait3A_972] : memref<3328x32xf32, #tpu.memory_space<vmem>> -> memref<128x32xf32, #tpu.memory_space<vmem>>
      tpu.wait_dma2 semaphore(%arg16 : memref<!tpu.dma_semaphore, #tpu.memory_space<semaphore_mem>>) src(%dma_wait3A_973 : memref<128x32xf32, #tpu.memory_space<vmem>>) dst(%dma_wait3A_970 : memref<128x32xf32, #tpu.memory_space<hbm>>)
      %dma_wait3A_974 = arith.constant 2944 : i32
      %dma_wait3A_975 = arith.constant 0 : i32
      %dma_wait3A_976 = tpu.memref_slice %arg13[%dma_wait3A_974, %dma_wait3A_975] : memref<3328x32xf32, #tpu.memory_space<vmem>> -> memref<128x32xf32, #tpu.memory_space<vmem>>
      %dma_wait3A_977 = arith.constant 736 : i32
      %dma_wait3A_978 = tpu.memref_slice %arg11[%add3A_13, %dma_wait3A_977] : memref<16384x833xf32, #tpu.memory_space<hbm>> -> memref<128x32xf32, #tpu.memory_space<hbm>>
      %dma_wait3A_979 = arith.constant 736 : i32
      %dma_wait3A_980 = tpu.memref_slice %arg11[%add3A_13, %dma_wait3A_979] : memref<16384x833xf32, #tpu.memory_space<hbm>> -> memref<128x32xf32, #tpu.memory_space<hbm>>
      %dma_wait3A_981 = arith.constant 2944 : i32
      %dma_wait3A_982 = arith.constant 0 : i32
      %dma_wait3A_983 = tpu.memref_slice %arg13[%dma_wait3A_981, %dma_wait3A_982] : memref<3328x32xf32, #tpu.memory_space<vmem>> -> memref<128x32xf32, #tpu.memory_space<vmem>>
      tpu.wait_dma2 semaphore(%arg16 : memref<!tpu.dma_semaphore, #tpu.memory_space<semaphore_mem>>) src(%dma_wait3A_983 : memref<128x32xf32, #tpu.memory_space<vmem>>) dst(%dma_wait3A_980 : memref<128x32xf32, #tpu.memory_space<hbm>>)
      %dma_wait3A_984 = arith.constant 3072 : i32
      %dma_wait3A_985 = arith.constant 0 : i32
      %dma_wait3A_986 = tpu.memref_slice %arg13[%dma_wait3A_984, %dma_wait3A_985] : memref<3328x32xf32, #tpu.memory_space<vmem>> -> memref<128x32xf32, #tpu.memory_space<vmem>>
      %dma_wait3A_987 = arith.constant 768 : i32
      %dma_wait3A_988 = tpu.memref_slice %arg11[%add3A_13, %dma_wait3A_987] : memref<16384x833xf32, #tpu.memory_space<hbm>> -> memref<128x32xf32, #tpu.memory_space<hbm>>
      %dma_wait3A_989 = arith.constant 768 : i32
      %dma_wait3A_990 = tpu.memref_slice %arg11[%add3A_13, %dma_wait3A_989] : memref<16384x833xf32, #tpu.memory_space<hbm>> -> memref<128x32xf32, #tpu.memory_space<hbm>>
      %dma_wait3A_991 = arith.constant 3072 : i32
      %dma_wait3A_992 = arith.constant 0 : i32
      %dma_wait3A_993 = tpu.memref_slice %arg13[%dma_wait3A_991, %dma_wait3A_992] : memref<3328x32xf32, #tpu.memory_space<vmem>> -> memref<128x32xf32, #tpu.memory_space<vmem>>
      tpu.wait_dma2 semaphore(%arg16 : memref<!tpu.dma_semaphore, #tpu.memory_space<semaphore_mem>>) src(%dma_wait3A_993 : memref<128x32xf32, #tpu.memory_space<vmem>>) dst(%dma_wait3A_990 : memref<128x32xf32, #tpu.memory_space<hbm>>)
      %dma_wait3A_994 = arith.constant 3200 : i32
      %dma_wait3A_995 = arith.constant 0 : i32
      %dma_wait3A_996 = tpu.memref_slice %arg13[%dma_wait3A_994, %dma_wait3A_995] : memref<3328x32xf32, #tpu.memory_space<vmem>> -> memref<128x32xf32, #tpu.memory_space<vmem>>
      %dma_wait3A_997 = arith.constant 800 : i32
      %dma_wait3A_998 = tpu.memref_slice %arg11[%add3A_13, %dma_wait3A_997] : memref<16384x833xf32, #tpu.memory_space<hbm>> -> memref<128x32xf32, #tpu.memory_space<hbm>>
      %dma_wait3A_999 = arith.constant 800 : i32
      %dma_wait3A_1000 = tpu.memref_slice %arg11[%add3A_13, %dma_wait3A_999] : memref<16384x833xf32, #tpu.memory_space<hbm>> -> memref<128x32xf32, #tpu.memory_space<hbm>>
      %dma_wait3A_1001 = arith.constant 3200 : i32
      %dma_wait3A_1002 = arith.constant 0 : i32
      %dma_wait3A_1003 = tpu.memref_slice %arg13[%dma_wait3A_1001, %dma_wait3A_1002] : memref<3328x32xf32, #tpu.memory_space<vmem>> -> memref<128x32xf32, #tpu.memory_space<vmem>>
      tpu.wait_dma2 semaphore(%arg16 : memref<!tpu.dma_semaphore, #tpu.memory_space<semaphore_mem>>) src(%dma_wait3A_1003 : memref<128x32xf32, #tpu.memory_space<vmem>>) dst(%dma_wait3A_1000 : memref<128x32xf32, #tpu.memory_space<hbm>>)
      %dma_wait3A_1004 = arith.constant 832 : i32
      %dma_wait3A_1005 = tpu.memref_slice %arg11[%add3A_13, %dma_wait3A_1004] : memref<16384x833xf32, #tpu.memory_space<hbm>> -> memref<128x1xf32, #tpu.memory_space<hbm>>
      %dma_wait3A_1006 = arith.constant 832 : i32
      %dma_wait3A_1007 = tpu.memref_slice %arg11[%add3A_13, %dma_wait3A_1006] : memref<16384x833xf32, #tpu.memory_space<hbm>> -> memref<128x1xf32, #tpu.memory_space<hbm>>
      tpu.wait_dma2 semaphore(%arg16 : memref<!tpu.dma_semaphore, #tpu.memory_space<semaphore_mem>>) src(%arg14 : memref<128x1xf32, #tpu.memory_space<vmem>>) dst(%dma_wait3A_1007 : memref<128x1xf32, #tpu.memory_space<hbm>>)
      %scan3A_1008 = arith.constant 0 : i32
      scf.yield %scan3A_1008 : i32
    }
    %scan3A_8 = arith.constant 4 : i32
    return
  }
}

</mosaic_0001>

<sc_bundles>
// kernel: sparse-core-data-format-call.cloned.1.call-start
scs
called_computation_lowered:
.L_overlay_start_0:
0x0: {  	s2 =	sld [smem:$0x3FD9]  }
0x1: {  	s3 =	sld [smem:$0x3FFE];
	_ =	sdelay $0x1  }
0x2: {  	s1 =	srdreg.scid  }
0x3: {  	s0 =	sand.u32 $0x1, s1  }
0x4: {  	s18 =	sshll.u32 s0, $0xA;
	s2 =	sadd.s32 s3, s2  }
0x5: {  	s2 =	sadd.s32 s2, s18  }
0x6: {  	[smem:$0x3FBF] =	sst s2  }
0x7: {  	_ = 	snop  }
0x8: {  	s2 =	sld [smem:$0x3FD0];
	(tm) =	ssettm $0x1  }
0x9: {  	s19 =	sld [smem:$0x3FFB];
	_ =	sdelay $0x3  }
0xa: {  	_ =	strace s19  }
0xb: {  	s3 =	sld [smem:$0x3FFC];
	_ =	sdelay $0x3  }
0xc: {  	_ =	strace s3  }
0xd: {  	s3 =	sld [smem:$0x3FFD];
	_ =	sdelay $0x3  }
0xe: {  	_ =	strace s3  }
0xf: {  	_ =	strace $0x8FFFFFFF  }
0x10: {  	s20 =	sld [smem:$0x3FDB];
	_ =	sdelay $0x1  }
0x11: {  	s4 =	simm.s32 $_scs_section_size  }
0x12: {  	s5 =	simm.s32 $_size__tile_overlayer_lowered;
	s6 =	simm.s32 $_tile_overlayer_lowered  }
0x13: {  	s23 =	simm.s32 $0x1BFF;
	s22 =	sshll.u32 s6, $0x1;
	s3 =	sadd.s32 s4, s20  }
0x14: {  	s7 =	simm.s32 $0x0;
	s21 =	sshll.u32 s5, $0x1;
	s5 =	sadd.s32 s22, s3  }
0x15: {  	[timem:s7], [sflag:s23] =	dma.local [hbm:s5], s21  }
0x16: {  	_ =	swait.ge [sflag:s23], s21  }
0x17: {  	s4 =	ssub.s32 $0x0, s21;
	[sflag:s23] =	ssyncset.done $0x0  }
0x18: {  	[sflag:s23] =	ssyncadd.s32 s4;
	_ =	sdelay $0x1  }
0x19: {  	s24 =	simm.s32 $0x1B8B  }
0x1a: {  	_ =	swait.ge [sflag:s24], $0x1  }
0x1b: {  	[sflag:s24] =	ssyncset.done $0x0  }
0x1c: {  	s26 =	simm.s32 $0x1B8E;
	s25 =	sld [smem:$0x3FFE];
	[sflag:s24] =	ssyncadd.s32 $0xFFFFFFFF  }
0x1d: {  	s27 =	simm.s32 $execute0_lowered;
	[smem:$0x3FD2] =	sst s26  }
0x1e: {  	s5 =	sshll.u32 s27, $0x1;
	_ =	strace $0x80000049;
	[dreg:$0x1] =	wrdreg $0xFFFFFFFF  }
0x1f: {  	s28 =	simm.s32 $_size_execute0_lowered;
	s3 =	sadd.s32 s3, s5;
	[dreg:$0x0] =	wrdreg $0x0  }
0x20: {  	s5 =	sshll.u32 s28, $0x1;
	[dreg:$0x2] =	wrdreg s3  }
0x21: {  	[dreg:$0x3] =	wrdreg s5  }
0x22: {  	[dreg:$0x4] =	wrdreg $0xC0  }
0x23: {  	_ =	task [dreg:s7], $0x5FFFF  }
0x24: {  	[dreg:$0x1] =	wrdreg $0xFFFFFFFF  }
0x25: {  	[dreg:$0x0] =	wrdreg $0x60  }
0x26: {  	[dreg:$0x2] =	wrdreg s25  }
0x27: {  	[dreg:$0x3] =	wrdreg s2  }
0x28: {  	[dreg:$0x4] =	wrdreg $0x9  }
0x29: {  	_ =	task.clear_ibuf [dreg:s7], $0x5FFFF;
	_ =	strace $0x90000049  }
0x2a: {  	s29 =	simm.s32 $0x9;
	_ =	strace $0x8000004B  }
0x2b: {  	_ =	swait.ge [sflag:s29], $0x1  }
0x2c: {  	[sflag:s29] =	ssyncadd.s32 $0xFFFFFFFF  }
0x2d: {  	_ =	strace $0x9000004B  }
0x2e: {  	_ =	sfence  }
0x2f: {  	s30 =	sld [smem:$0x0];
	_ =	sdelay $0x2  }
0x30: {  	s31 =	sshll.u32 s1, $0xD;
	s1 =	sshrl.u32 s1, $0x2  }
0x31: {  	s3 =	sand.u32 $0x4000, s31;
	s1 =	sadd.s32 s1, s30  }
0x32: {  	s0 =	sor.u32 s3, s0;
	s1 =	sshll.u32 s1, $0x11  }
0x33: {  	s0 =	sor.u32 s1, s0  }
0x34: {  	s0 =	sadd.s32 $0x8F2B, s0  }
0x35: {  	[sflag:s0] =	ssyncadd.remote.s32 $0x1  }
0x36: {  	_ =	sfence.sel $0xFFFF  }
0x37: {  	[dreg:$0x0] =	wrdreg $0xFFFFFFFF;
	(pc) =	sbr.abs _section_cstart, $3  }
0x38: {  	[dreg:$0x1] =	wrdreg $0xFFFFFFFF  }
0x39: {  	_ =	task.clear_ibuf [dreg:s7], $0x2FFFF;
	_ =	strace $0x9FFFFFFF  }
0x3a: {  	(tm) =	ssettm $0x7FFFFFFF  }
0x3b: {  	_ =	shalt  }
tec
execute0_lowered:
.L_overlay_start_1:
0x0: {  	(tag) =	ssettag $0x1  }
0x1: {  	s0 =	srdreg.scid  }
0x2: {  	s1 =	sshll.u32 s0, $0x4  }
0x3: {  	s6 =	rddreg [dreg:$0x0];
	s0 =	stileid.u32;
	s1 =	sand.u32 $0x10, s1  }
0x4: {  	s3 =	rddreg [dreg:$0x1];
	s1 =	sor.u32 s0, s1  }
0x5: {  	s5 =	simm.s32 $0x1;
	s31 =	simm.s32 $0x2;
	s2 =	sshll.u32 s1, $0x7  }
0x6: {  	s15 =	simm.s32 $0x0;
	s8 =	simm.s32 $0x20000;
	s4 =	ssub.s32 $0x4000, s2  }
0x7: {  	s14 =	simm.s32 $0x0;
	s9 =	simm.s32 $0x0;
	s30 =	sand.u32 $0xF80, s4  }
0x8: {  	s10 =	simm.s32 $0x0;
	s11 =	simm.s32 $0x0;
	p0 =	sne.s32 s30, $0x0  }
.Ltmp0:
0x9: {  	s7 =	sshrl.u32 s4, $0xC;
	s5 =	simm.s32 @!p0 $0x0;
	(pc) =	sbr.rel .LBB1_1-.Ltmp0, $4  }
0xa: {  	s13 =	simm.s32 $0x0;
	s1 =	rddreg [dreg:$0x2];
	s5 =	sadd.s32 s5, s7  }
0xb: {  	_ =	strace $0x8000004A;
	s4 =	simm.s32 $0x1;
	s5 =	smul.u32 $0x7, s5  }
0xc: {  	s6 =	sadd.s32 $0xC00, s6;
	s12 =	smov.u32 s2;
	[sflag:s4] =	ssyncpa.u1 $0x0  }
0xd: {  	[sflag:s31] =	ssyncpa.u1 $0x0;
	p0 =	por $0x0, $0x0;
	s7 =	sadd.s32 $0x1, s5  }
.LBB1_4:
0xe: {  	s20 =	sshra.s32 s20, $0x2  }
0xf: {  	s28 =	sand.u32 $0x78, s10;
	s21 =	sshll.u32 s9, $0xE;
	s22 =	sshll.u32 s10, $0x3  }
0x10: {  	s24 =	sshll.u32 s9, $0x7;
	p1 =	sgt.s32 s9, $0x2C8;
	s30 =	sshra.s32 s9, $0x1F  }
0x11: {  	s26 =	sshra.s32 s10, $0x1F;
	s19 =	sadd.s32 s20, s19;
	s21 =	sand.u32 $0xFFFE0000, s21  }
0x12: {  	v5 =	vld [tilespmem:s17+$0xFFFFFFD0];
	[tilespmem:s18+$0x2040 ss:$0x81] =	vst.msk $0xffff, v4;
	s23 =	sand.u32 $0xFFFFFC00, s22;
	s29 =	sand.u32 $0x380, s24;
	s22 =	sand.u32 $0x3C00, s22  }
0x13: {  	v58 =	vld [tilespmem:s17+$0xFFFFFFE0];
	[tilespmem:s18+$0x2850 ss:$0x81] =	vst.msk $0xffff, v3;
	s21 =	sadd.s32 s23, s21;
	s20 =	sor.u32 s28, s22;
	s22 =	smov.u32 s9  }
0x14: {  	v59 =	vld [tilespmem:s17+$0xFFFFFFF0];
	[tilespmem:s18+$0x3060 ss:$0x81] =	vst.msk $0xffff, v2;
	s24 =	sand.u32 s30, s9;
	s21 =	sshrl.u32 s21, $0xE;
	s22 =	simm.s32 @!p1 $0x2C8  }
0x15: {  	v60 =	vld [tilespmem:s17+$0x0];
	[tilespmem:s18+$0x0 ss:$0x81] =	vst.msk $0xffff, v1;
	p1 =	sgt.s32 s10, $0x3F80;
	s31 =	ssub.s32 s22, s24;
	s22 =	smov.u32 s10  }
0x16: {  	v61 =	vld [tilespmem:s17+$0x10];
	[tilespmem:s19+$0x3870 ss:$0x81] =	vst.msk $0xffff, v0;
	s25 =	smulhi.u32 $0x4E04E1, s21;
	s24 =	sand.u32 s26, s10;
	s22 =	simm.s32 @!p1 $0x3F80  }
0x17: {  	v62 =	vld [tilespmem:s17+$0x20];
	s20 =	sor.u32 s29, s20;
	[tilespmem:s19+$0x810 ss:$0x81] =	vst.msk $0xffff, v5;
	s27 =	sadd.s32 $0xFFFFFD38, s31;
	s22 =	ssub.s32 s22, s24  }
0x18: {  	v63 =	vld [tilespmem:s17+$0xFFFFFFC0];
	[tilespmem:s19+$0x1020 ss:$0x81] =	vst.msk $0xffff, v58;
	s18 =	ssub.s32 $0x348, s31;
	s28 =	smul.u32 $0x348, s25;
	s29 =	sadd.s32 $0xFFFFC080, s22  }
0x19: {  	[tilespmem:s19+$0x1830 ss:$0x81] =	vst.msk $0xffff, v59;
	p1 =	sgt.s32 s27, $0x7F;
	s22 =	ssub.s32 $0x4000, s22;
	p2 =	sgt.s32 s29, $0x7F  }
0x1a: {  	s30 =	sand.u32 $0x7, s10;
	[tilespmem:s19+$0x2040 ss:$0x81] =	vst.msk $0xffff, v60;
	s18 =	simm.s32 @p1 $0x0;
	s22 =	simm.s32 @p2 $0x0  }
0x1b: {  	s20 =	sshrl.u32 s20, $0x3;
	[tilespmem:s19+$0x2850 ss:$0x81] =	vst.msk $0xffff, v61;
	s17 =	ssub.s32 s21, s28;
	s18 =	smul.u32 s22, s18  }
0x1c: {  	[tilespmem:s19+$0x3060 ss:$0x81] =	vst.msk $0xffff, v62;
	s20 =	sadd.s32 s3, s20;
	s21 =	sshll.u32 s30, $0x12;
	s17 =	sshll.u32 s17, $0xB  }
0x1d: {  	[tilespmem:s19+$0x0 ss:$0x81] =	vst.msk $0xffff, v63;
	s31 =	sor.u32 $0x400, s21;
	s17 =	sadd.s32 s17, s20;
	s18 =	sand.u32 $0x3FFFFFFF, s18  }
0x1e: {  	[hbm4b:s17+s31] =	stream.strided.scatter [tilespmem:s16], [sflag:$0x2], s18, s8, s31, $0x20;
	[tilespmem:$0x10100] =	vst v63  }
.LBB1_5:
0x1f: {  	p1 =	slt.u32 s13, $0x2  }
0x20: {  	s17 =	smov.u32 s15;
	p2 =	sgt.s32 @!p1 s15, $0x2C8;
	s16 =	sshra.s32 @!p1 s15, $0x1F  }
0x21: {  	p3 =	sgt.s32 @!p1 s14, $0x3F80;
	s18 =	sshra.s32 @!p1 s14, $0x1F;
	p2 =	por !p2, p1  }
0x22: {  	s15 =	sand.u32 @!p1 s16, s15;
	p3 =	por !p3, p1;
	s16 =	smov.u32 s14  }
0x23: {  	s14 =	sand.u32 @!p1 s18, s14;
	s17 =	simm.s32 @p2 $0x2C8;
	s16 =	simm.s32 @p3 $0x3F80  }
0x24: {  	s15 =	ssub.s32 @!p1 s17, s15;
	s14 =	ssub.s32 @!p1 s16, s14  }
0x25: {  	s18 =	smov.u32 s12;
	s16 =	sadd.s32 @!p1 $0xFFFFFD38, s15;
	s17 =	sadd.s32 @!p1 $0xFFFFC080, s14  }
0x26: {  	s15 =	ssub.s32 @!p1 $0x348, s15;
	p2 =	sgt.s32 @!p1 s16, $0x7F;
	p3 =	sgt.s32 @!p1 s17, $0x7F  }
0x27: {  	s14 =	ssub.s32 @!p1 $0x4000, s14;
	p2 =	por !p2, p1;
	p3 =	por !p3, p1  }
0x28: {  	s16 =	sadd.s32 $0x80, s11;
	s15 =	simm.s32 @!p2 $0x0;
	s14 =	simm.s32 @!p3 $0x0  }
0x29: {  	p2 =	sgt.s32 s16, $0x340;
	s14 =	smul.u32 @!p1 s14, s15;
	s15 =	sadd.s32 $0x1000, s12  }
0x2a: {  	s18 =	smov.u32 @p2 s15  }
0x2b: {  	s16 =	simm.s32 @p2 $0x0;
	p2 =	sgt.s32 s18, $0x3FFF  }
0x2c: {  	s18 =	smov.u32 @p2 s2;
	p2 =	sne.s32 s13, s7  }
.Ltmp1:
0x2d: {  	p0 =	por !p0, !p0;
	s17 =	simm.s32 @!p1 $0x2;
	(pc) =	sbr.rel @!p2 .LBB1_6-.Ltmp1, $4  }
0x2e: {  	s15 =	smov.u32 s9;
	s9 =	smov.u32 s11;
	s14 =	sand.u32 @!p1 $0x3FFFFFFF, s14  }
0x2f: {  	s11 =	smov.u32 s16;
	_ =	swait.ge @!p1 [sflag:s17], s14;
	s19 =	ssub.s32 @!p1 $0x0, s14  }
0x30: {  	s14 =	smov.u32 s10;
	s13 =	sadd.s32 $0x1, s13;
	[sflag:s17] =	ssyncset.done @!p1 $0x0  }
0x31: {  	s10 =	smov.u32 s12;
	s12 =	smov.u32 s18;
	[sflag:s17] =	ssyncadd.s32 @!p1 s19  }
.LBB1_1:
0x32: {  	p1 =	sge.u32 s13, s5  }
0x33: {  	s16 =	sshrl.u32 @!p1 s12, $0x3  }
0x34: {  	s17 =	sshll.u32 @!p1 s11, $0x3;
	s16 =	smul.u32 @!p1 $0x1C00, s16  }
0x35: {  	s18 =	sshll.u32 @!p1 s12, $0x7;
	s17 =	sand.u32 @!p1 $0xFFFFFC00, s17  }
0x36: {  	s16 =	sadd.s32 @!p1 s16, s17;
	s17 =	sand.u32 @!p1 $0x380, s18  }
0x37: {  	s16 =	sor.u32 @!p1 s17, s16  }
0x38: {  	s17 =	sshrl.u32 @!p1 s16, $0x7  }
0x39: {  	s17 =	smulhi.u32 @!p1 $0x24924925, s17;
	_ =	sdelay $0x1  }
0x3a: {  	s18 =	sand.u32 @!p1 $0x7F, s11;
	s19 =	smul.u32 @!p1 $0x380, s17  }
0x3b: {  	s31 =	sadd.s32 $0xFFFFFFFF, s13;
	s16 =	sor.u32 @!p1 s18, s16;
	s18 =	sxor.u32 @!p1 $0xFFFFFFFF, s13  }
0x3c: {  	s18 =	sshll.u32 @!p1 s18, $0xE;
	s17 =	sand.u32 @!p1 $0x3FFF, s17;
	s16 =	ssub.s32 @!p1 s16, s19  }
0x3d: {  	s17 =	smul.u32 @!p1 $0x70, s17;
	s19 =	sshrl.u32 @!p1 s16, $0x3;
	s16 =	sand.u32 @!p1 $0x7, s16  }
0x3e: {  	s18 =	sand.u32 @!p1 $0x4000, s18;
	s19 =	sadd.s32 @!p1 s6, s19;
	s16 =	sshll.u32 @!p1 s16, $0x12  }
0x3f: {  	s17 =	sadd.s32 @!p1 s17, s19;
	s16 =	sor.u32 @!p1 $0x400, s16;
	s19 =	simm.s32 @!p1 $0x1C00  }
0x40: {  	[tilespmem:s18], [sflag:$0x1] =	stream.strided.gather @!p1 [hbm4b:s17+s16], $0x4000, s19, s16, $0x38;
	[tilespmem:$0x10100] =	vst v63  }
0x41: {  	p1 =	sge.u32 s31, s5  }
.Ltmp2:
0x42: {  	_ = 	snop;
	(pc) =	sbr.rel @p1 .LBB1_5-.Ltmp2, $1  }
0x43: {  	_ =	sdelay $0x3  }
0x44: {  	s16 =	simm.s32 $0x1  }
0x45: {  	_ =	swait.ge [sflag:s4], $0x4000;
	s16 =	simm.s32 @!p0 $0x0  }
0x46: {  	[sflag:s4] =	ssyncset.done $0x0;
	s17 =	sshll.u32 s16, $0xE  }
0x47: {  	[sflag:s4] =	ssyncadd.s32 $0xFFFFC000;
	s17 =	sor.u32 $0x40, s17  }
0x48: {  	s16 =	smul.u32 $0x10200, s16;
	v0 =	vld [tilespmem:s17+$0x30]  }
0x49: {  	v1 =	vld [tilespmem:s17+$0xFFFFFFD0]  }
0x4a: {  	s16 =	sshrl.u32 s16, $0x2;
	v5 =	vld [tilespmem:s17+$0xFFFFFFE0]  }
0x4b: {  	v6 =	vld [tilespmem:s17+$0xFFFFFFF0];
	s19 =	sor.u32 $0x8000, s16  }
0x4c: {  	s31 =	sand.u32 $0x1, s13;
	v4 =	vld [tilespmem:s17+$0x0];
	s18 =	sadd.s32 $0x0, s19  }
0x4d: {  	v3 =	vld [tilespmem:s17+$0x10];
	s16 =	smul.u32 $0x10200, s31;
	[tilespmem:s18+$0x3870 ss:$0x81] =	vst.msk $0xffff, v0  }
0x4e: {  	v2 =	vld [tilespmem:s17+$0x20];
	[tilespmem:s18+$0x810 ss:$0x81] =	vst.msk $0xffff, v1  }
0x4f: {  	s16 =	sshrl.u32 s16, $0x2;
	v1 =	vld [tilespmem:s17+$0xFFFFFFC0];
	[tilespmem:s18+$0x1020 ss:$0x81] =	vst.msk $0xffff, v5;
	s17 =	sadd.s32 $0x80, s17  }
0x50: {  	s20 =	simm.s32 $0x4;
	s21 =	simm.s32 $0x8;
	s16 =	sor.u32 $0x8000, s16;
	[tilespmem:s18+$0x1830 ss:$0x81] =	vst.msk $0xffff, v6;
	v0 =	vld [tilespmem:s17+$0x30]  }
.LBB1_3:
0x51: {  	p1 =	sne.s32 s21, $0x1FC;
	v5 =	vld [tilespmem:s17+$0xFFFFFFD0];
	[tilespmem:s18+$0x2040 ss:$0x81] =	vst.msk $0xffff, v4  }
0x52: {  	v6 =	vld [tilespmem:s17+$0xFFFFFFE0];
	[tilespmem:s18+$0x2850 ss:$0x81] =	vst.msk $0xffff, v3  }
0x53: {  	s22 =	sshra.s32 s20, $0x2;
	s20 =	smov.u32 s21;
	v7 =	vld [tilespmem:s17+$0xFFFFFFF0];
	[tilespmem:s18+$0x3060 ss:$0x81] =	vst.msk $0xffff, v2  }
.Ltmp3:
0x54: {  	v4 =	vld [tilespmem:s17+$0x0];
	[tilespmem:s18+$0x0 ss:$0x81] =	vst.msk $0xffff, v1;
	s18 =	sadd.s32 s22, s19;
	(pc) =	sbr.rel @p1 .LBB1_3-.Ltmp3, $4  }
0x55: {  	v3 =	vld [tilespmem:s17+$0x10];
	[tilespmem:s18+$0x3870 ss:$0x81] =	vst.msk $0xffff, v0  }
0x56: {  	[tilespmem:s18+$0x810 ss:$0x81] =	vst.msk $0xffff, v5;
	v2 =	vld [tilespmem:s17+$0x20]  }
0x57: {  	v1 =	vld [tilespmem:s17+$0xFFFFFFC0];
	[tilespmem:s18+$0x1020 ss:$0x81] =	vst.msk $0xffff, v6;
	s17 =	sadd.s32 $0x80, s17  }
0x58: {  	s21 =	sadd.s32 $0x4, s21;
	v0 =	vld [tilespmem:s17+$0x30];
	[tilespmem:s18+$0x1830 ss:$0x81] =	vst.msk $0xffff, v7  }
.Ltmp4:
0x59: {  	_ = 	snop;
	(pc) =	sbr.rel .LBB1_4-.Ltmp4, $1  }
0x5a: {  	_ =	sdelay $0x3  }
.LBB1_6:
0x5b: {  	_ =	sfence.sel $0x180000  }
0x5c: {  	s2 =	simm.s32 $0x1;
	[bflag:$0x0] =	sbarrier.arrive $0xFFFF  }
0x5d: {  	s31 =	simm.s32 $0x2;
	[sflag:s2] =	ssyncpa.u1 $0x1  }
0x5e: {  	[sflag:s31] =	ssyncpa.u1 $0x1  }
0x5f: {  	p0 =	sne.s32 s0, $0x0;
	_ =	strace $0x9000004A  }
0x60: {  	s0 =	sadd.s32 @!p0 $0x100000, s1;
	[bflag:$0x2] =	sbarrier.arrive $0xFFFF  }
0x61: {  	[sflag:s0] =	ssyncadd.tile.s32 @!p0 $0x1;
	_ =	shalt  }
.Lfunc_end1:
_tile_overlayer_lowered:
.L_overlay_start_2:
0x62: {  	(tag) =	ssettag $0x2  }
0x63: {  	s0 =	rddreg [dreg:$0x0];
	s2 =	stileid.u32  }
0x64: {  	s1 =	rddreg [dreg:$0x1];
	p0 =	sne.s32 s2, $0x0  }
0x65: {  	s3 =	rddreg [dreg:$0x2];
	[bflag:$0x3] =	sbarrier.arrive $0xFFFF;
	s2 =	simm.s32 @!p0 $0x1C01  }
0x66: {  	[timem:s3], [sflag:s2] =	dma.local @!p0 [hbm:s0], s1  }
0x67: {  	s0 =	simm.s32 @!p0 $0x1  }
0x68: {  	_ =	swait.ge @!p0 [sflag:s0], s1  }
0x69: {  	s1 =	ssub.s32 @!p0 $0x0, s1;
	[sflag:s0] =	ssyncset.done @!p0 $0x0  }
0x6a: {  	[sflag:s0] =	ssyncadd.s32 @!p0 s1  }
0x6b: {  	[bflag:$0x3] =	sbarrier.arrive $0xFFFF  }
0x6c: {  	_ =	shalt  }

// kernel: wrapper.3.cloned.1.call-start
scs
__scs_entry_jumppad:
0x0: {  	(pc) =	sbr.rel $0x88, $3  }
0x1: {  	(tag) =	ssettag $0x0;
	lr =	simm.s32 $0x1  }
0x2: {  	[smem:$0x3F98] =	sst lr;
	_ =	strace $0xD0000000  }
0x3: {  	_ = 	snop  }
0x4: {  	_ = 	snop  }
0x5: {  	_ = 	snop  }
0x6: {  	_ = 	snop  }
0x7: {  	_ = 	snop  }
__scs_overlays_trampoline_lowered:
0x8: {  	[smem:$0x3FA7] =	sst s0  }
0x9: {  	[smem:$0x3FA8] =	sst s1  }
0xa: {  	[smem:$0x3FA9] =	sst s2  }
0xb: {  	[smem:$0x3FAA] =	sst s3  }
0xc: {  	[smem:$0x3FAB] =	sst s4  }
0xd: {  	[smem:$0x3FAC] =	sst s5  }
0xe: {  	[smem:$0x3FAD] =	sst s6  }
0xf: {  	[smem:$0x3FAE] =	sst s7  }
0x10: {  	[smem:$0x3FAF] =	sst s8  }
0x11: {  	[smem:$0x3FB0] =	sst s9;
	s0 =	simm.s32 @!p0 $0x0  }
0x12: {  	s1 =	sld [smem:$0x3F96];
	s0 =	simm.s32 @p0 $0x1  }
0x13: {  	[smem:$0x3FB1] =	sst s0;
	s0 =	simm.s32 @!p1 $0x0  }
0x14: {  	s2 =	sld [smem:$0x3F95];
	s0 =	simm.s32 @p1 $0x1  }
0x15: {  	[smem:$0x3FB2] =	sst s0;
	s0 =	simm.s32 @!p2 $0x0  }
0x16: {  	s3 =	sld [smem:$0x3FDB];
	s0 =	simm.s32 @p2 $0x1  }
0x17: {  	s4 =	simm.s32 $0x1BF5;
	[smem:$0x3FB4] =	sst s0  }
0x18: {  	s0 =	sld [smem:$0x3F97];
	_ =	swait.ge [sflag:s4], $0x0  }
0x19: {  	s7 =	sld [smem:$0x3F98]  }
0x1a: {  	s8 =	sadd.s32 $0xFFFFE003, lr  }
0x1b: {  	s9 =	sadd.s32 $0xFFFFFEF7, lr;
	s5 =	simm.s32 $0xFFFFFFFF;
	p2 =	slt.u32 s8, $0xFFFFF086  }
0x1c: {  	p1 =	slt.u32 s9, $0xF7A;
	s5 =	simm.s32 @!p2 $0x0  }
0x1d: {  	s5 =	simm.s32 @p1 $0x1;
	p0 =	seq.s32 s7, s2  }
0x1e: {  	s7 =	smul.u32 @!p0 $0xF7A, s2;
	p2 =	seq.s32 @!p0 s5, $0x0  }
0x1f: {  	s9 =	smul.u32 $0xF7A, s1;
	s8 =	simm.s32 @!p0 $0x1BF5;
	p2 =	por !p2, p0  }
0x20: {  	[sflag:s8] =	ssyncset.s32 @!p0 $0xFFFFF086;
	s6 =	sadd.s32 @!p0 s3, s7;
	s7 =	simm.s32 @!p0 $0x108  }
0x21: {  	s3 =	sadd.s32 s3, s9;
	s6 =	sadd.s32 @!p0 $0x88, s6;
	s7 =	simm.s32 @p2 $0x1082  }
0x22: {  	[simem:s7], [sflag:s8] =	dma.local @!p0 [hbm:s6], $0xF7A  }
0x23: {  	s9 =	sor.u32 $0xD0000000, s2;
	s6 =	simm.s32 $0x108;
	_ =	swait.ge @!p0 [sflag:s8], $0x0  }
0x24: {  	s3 =	sadd.s32 $0x88, s3;
	s6 =	simm.s32 @!p1 $0x1082;
	[sflag:s4] =	ssyncset.s32 $0xFFFFF086  }
0x25: {  	[simem:s6], [sflag:s4] =	dma.local [hbm:s3], $0xF7A  }
0x26: {  	[smem:$0x3F98] =	sst s1;
	(tag) =	ssettag s2;
	_ =	strace s9  }
0x27: {  	s1 =	sld [smem:$0x3FA8]  }
0x28: {  	s2 =	sld [smem:$0x3FA9]  }
0x29: {  	s4 =	sld [smem:$0x3FAB]  }
0x2a: {  	p0 =	seq.s32 s5, $0x0;
	s5 =	sld [smem:$0x3FAC]  }
0x2b: {  	s6 =	sld [smem:$0x3FAD]  }
0x2c: {  	s7 =	sld [smem:$0x3FAE]  }
0x2d: {  	s3 =	simm.s32 $0x108;
	s8 =	sld [smem:$0x3FAF]  }
0x2e: {  	s3 =	simm.s32 @!p0 $0x1082;
	s9 =	sld [smem:$0x3FB0]  }
0x2f: {  	lr =	sadd.s32 s0, s3;
	s0 =	sld [smem:$0x3FA7]  }
0x30: {  	s3 =	sld [smem:$0x3FAA]  }
0x31: {  	[smem:$0x3FB3] =	sst s10  }
0x32: {  	s10 =	sld [smem:$0x3FB1];
	_ =	sdelay $0x3  }
0x33: {  	p0 =	seq.s32 s10, $0x1;
	s10 =	sld [smem:$0x3FB3];
	_ =	sdelay $0x3  }
0x34: {  	[smem:$0x3FB3] =	sst s10  }
0x35: {  	s10 =	sld [smem:$0x3FB2];
	_ =	sdelay $0x3  }
0x36: {  	p1 =	seq.s32 s10, $0x1;
	s10 =	sld [smem:$0x3FB3];
	_ =	sdelay $0x3  }
0x37: {  	[smem:$0x3FB3] =	sst s10  }
0x38: {  	s10 =	sld [smem:$0x3FB4]  }
0x39: {  	_ = 	snop;
	(pc) =	sbr.ind lr, $3  }
0x3a: {  	_ = 	snop  }
0x3b: {  	_ = 	snop  }
0x3c: {  	p2 =	seq.s32 s10, $0x1;
	s10 =	sld [smem:$0x3FB3]  }
0x3d: {  	_ =	shalt  }
0x3e: {  	_ =	shalt  }
0x3f: {  	_ =	shalt  }
0x40: {  	_ =	shalt  }
0x41: {  	_ =	shalt  }
0x42: {  	_ =	shalt  }
0x43: {  	_ =	shalt  }
0x44: {  	_ =	shalt  }
0x45: {  	_ =	shalt  }
0x46: {  	_ =	shalt  }
0x47: {  	_ =	shalt  }
0x48: {  	_ =	shalt  }
0x49: {  	_ =	shalt  }
0x4a: {  	_ =	shalt  }
0x4b: {  	_ =	shalt  }
0x4c: {  	_ =	shalt  }
0x4d: {  	_ =	shalt  }
0x4e: {  	_ =	shalt  }
0x4f: {  	_ =	shalt  }
0x50: {  	_ =	shalt  }
0x51: {  	_ =	shalt  }
0x52: {  	_ =	shalt  }
0x53: {  	_ =	shalt  }
0x54: {  	_ =	shalt  }
0x55: {  	_ =	shalt  }
0x56: {  	_ =	shalt  }
0x57: {  	_ =	shalt  }
0x58: {  	_ =	shalt  }
0x59: {  	_ =	shalt  }
0x5a: {  	_ =	shalt  }
0x5b: {  	_ =	shalt  }
0x5c: {  	_ =	shalt  }
0x5d: {  	_ =	shalt  }
0x5e: {  	_ =	shalt  }
0x5f: {  	_ =	shalt  }
0x60: {  	_ =	shalt  }
0x61: {  	_ =	shalt  }
0x62: {  	_ =	shalt  }
0x63: {  	_ =	shalt  }
0x64: {  	_ =	shalt  }
0x65: {  	_ =	shalt  }
0x66: {  	_ =	shalt  }
0x67: {  	_ =	shalt  }
0x68: {  	_ =	shalt  }
0x69: {  	_ =	shalt  }
0x6a: {  	_ =	shalt  }
0x6b: {  	_ =	shalt  }
0x6c: {  	_ =	shalt  }
0x6d: {  	_ =	shalt  }
0x6e: {  	_ =	shalt  }
0x6f: {  	_ =	shalt  }
0x70: {  	_ =	shalt  }
0x71: {  	_ =	shalt  }
0x72: {  	_ =	shalt  }
0x73: {  	_ =	shalt  }
0x74: {  	_ =	shalt  }
0x75: {  	_ =	shalt  }
0x76: {  	_ =	shalt  }
0x77: {  	_ =	shalt  }
0x78: {  	_ =	shalt  }
0x79: {  	_ =	shalt  }
0x7a: {  	_ =	shalt  }
0x7b: {  	_ =	shalt  }
0x7c: {  	_ =	shalt  }
0x7d: {  	_ =	shalt  }
0x7e: {  	_ =	shalt  }
0x7f: {  	_ =	shalt  }
0x80: {  	_ =	shalt  }
0x81: {  	_ =	shalt  }
0x82: {  	_ =	shalt  }
0x83: {  	_ =	shalt  }
0x84: {  	_ =	shalt  }
0x85: {  	_ =	shalt  }
0x86: {  	_ =	shalt  }
0x87: {  	_ =	shalt  }
.Lfunc_end0:
.L_simem_size_0:
called_computation.1_lowered:
.L_overlay_start_0:
0x88: {  	s2 =	sld [smem:$0x3FD9]  }
0x89: {  	s3 =	sld [smem:$0x3FFE];
	_ =	sdelay $0x1  }
0x8a: {  	s1 =	srdreg.scid  }
0x8b: {  	s0 =	sand.u32 $0x1, s1  }
0x8c: {  	s17 =	sshll.u32 s0, $0xA;
	s2 =	sadd.s32 s3, s2  }
0x8d: {  	s2 =	sadd.s32 s2, s17  }
0x8e: {  	[smem:$0x3FBF] =	sst s2  }
0x8f: {  	_ = 	snop  }
0x90: {  	s2 =	sld [smem:$0x3FD0];
	(tm) =	ssettm $0x1  }
0x91: {  	s18 =	sld [smem:$0x3FFB];
	_ =	sdelay $0x3  }
0x92: {  	_ =	strace s18  }
0x93: {  	s3 =	sld [smem:$0x3FFC];
	_ =	sdelay $0x3  }
0x94: {  	_ =	strace s3  }
0x95: {  	s3 =	sld [smem:$0x3FFD];
	_ =	sdelay $0x3  }
0x96: {  	_ =	strace s3  }
0x97: {  	_ =	strace $0x8FFFFFFF  }
0x98: {  	s19 =	sld [smem:$0x3FDB];
	_ =	sdelay $0x1  }
0x99: {  	s4 =	simm.s32 $_scs_section_size  }
0x9a: {  	s5 =	simm.s32 $_size__tile_overlayer_lowered;
	s6 =	simm.s32 $_tile_overlayer_lowered  }
0x9b: {  	s22 =	simm.s32 $0x1BFF;
	s21 =	sshll.u32 s6, $0x1;
	s3 =	sadd.s32 s4, s19  }
0x9c: {  	s7 =	simm.s32 $0x0;
	s20 =	sshll.u32 s5, $0x1;
	s5 =	sadd.s32 s21, s3  }
0x9d: {  	[timem:s7], [sflag:s22] =	dma.local [hbm:s5], s20  }
0x9e: {  	_ =	swait.ge [sflag:s22], s20  }
0x9f: {  	s4 =	ssub.s32 $0x0, s20;
	[sflag:s22] =	ssyncset.done $0x0  }
0xa0: {  	[sflag:s22] =	ssyncadd.s32 s4;
	_ =	sdelay $0x1  }
0xa1: {  	s23 =	simm.s32 $0x1B8B  }
0xa2: {  	_ =	swait.ge [sflag:s23], $0x1  }
0xa3: {  	[sflag:s23] =	ssyncset.done $0x0  }
0xa4: {  	s25 =	simm.s32 $0x1B8E;
	s24 =	sld [smem:$0x3FFE];
	[sflag:s23] =	ssyncadd.s32 $0xFFFFFFFF  }
0xa5: {  	s26 =	simm.s32 $execute0_lowered;
	[smem:$0x3FD2] =	sst s25  }
0xa6: {  	s5 =	sshll.u32 s26, $0x1;
	_ =	strace $0x80000046;
	[dreg:$0x1] =	wrdreg $0xFFFFFFFF  }
0xa7: {  	s28 =	simm.s32 $_size_execute0_lowered;
	s3 =	sadd.s32 s3, s5;
	[dreg:$0x0] =	wrdreg $0x0  }
0xa8: {  	s5 =	sshll.u32 s28, $0x1;
	[dreg:$0x2] =	wrdreg s3  }
0xa9: {  	[dreg:$0x3] =	wrdreg s5  }
0xaa: {  	[dreg:$0x4] =	wrdreg $0xC0  }
0xab: {  	_ =	task [dreg:s7], $0x5FFFF  }
0xac: {  	[dreg:$0x1] =	wrdreg $0xFFFFFFFF  }
0xad: {  	[dreg:$0x0] =	wrdreg $0x60  }
0xae: {  	[dreg:$0x2] =	wrdreg s24  }
0xaf: {  	[dreg:$0x3] =	wrdreg s2  }
0xb0: {  	[dreg:$0x4] =	wrdreg $0x9  }
0xb1: {  	_ =	task.clear_ibuf [dreg:s7], $0x5FFFF;
	_ =	strace $0x90000046  }
0xb2: {  	s29 =	simm.s32 $0x9;
	_ =	strace $0x80000048  }
0xb3: {  	_ =	swait.ge [sflag:s29], $0x1  }
0xb4: {  	[sflag:s29] =	ssyncadd.s32 $0xFFFFFFFF  }
0xb5: {  	_ =	strace $0x90000048  }
0xb6: {  	_ =	sfence  }
0xb7: {  	s30 =	sld [smem:$0x0];
	_ =	sdelay $0x2  }
0xb8: {  	s31 =	sshll.u32 s1, $0xD;
	s1 =	sshrl.u32 s1, $0x2  }
0xb9: {  	s3 =	sand.u32 $0x4000, s31;
	s1 =	sadd.s32 s1, s30  }
0xba: {  	s0 =	sor.u32 s3, s0;
	s1 =	sshll.u32 s1, $0x11  }
0xbb: {  	s0 =	sor.u32 s1, s0  }
0xbc: {  	s0 =	sadd.s32 $0x8F2B, s0  }
0xbd: {  	[sflag:s0] =	ssyncadd.remote.s32 $0x1  }
0xbe: {  	_ =	sfence.sel $0xFFFF  }
0xbf: {  	[dreg:$0x0] =	wrdreg $0xFFFFFFFF;
	(pc) =	sbr.abs _section_cstart, $3  }
0xc0: {  	[dreg:$0x1] =	wrdreg $0xFFFFFFFF  }
0xc1: {  	_ =	task.clear_ibuf [dreg:s7], $0x2FFFF;
	_ =	strace $0x9FFFFFFF  }
0xc2: {  	(tm) =	ssettm $0x7FFFFFFF  }
0xc3: {  	_ =	shalt  }
tec
execute0_lowered:
.L_overlay_start_1:
0x0: {  	(tag) =	ssettag $0x1  }
0x1: {  	s0 =	rddreg [dreg:$0x0]  }
0x2: {  	s1 =	rddreg [dreg:$0x1];
	s2 =	srdreg.scid  }
0x3: {  	s3 =	simm.s32 $0x0;
	s8 =	stileid.u32;
	s16 =	simm.s32 $0x80  }
0x4: {  	s31 =	simm.s32 $0x8;
	[smem:$0x7FF] =	sst s3;
	s22 =	sadd.s32 $0xF50C00, s0  }
0x5: {  	s23 =	sadd.s32 $0xDC8C00, s0;
	_ =	strace $0x80000047;
	[dreg:$0x6] =	wrdreg s22  }
0x6: {  	s2 =	sand.u32 $0x1, s2;
	s24 =	sadd.s32 $0xC40C00, s0;
	[dreg:$0x7] =	wrdreg s23  }
0x7: {  	s7 =	sshll.u32 s8, $0xA;
	s25 =	sadd.s32 $0xAB8C00, s0;
	[dreg:$0x8] =	wrdreg s24  }
0x8: {  	s26 =	sadd.s32 $0x930C00, s0;
	s13 =	smul.u32 $0x1A400, s8;
	[dreg:$0x9] =	wrdreg s25  }
0x9: {  	s28 =	sadd.s32 $0x7A8C00, s0;
	s10 =	sshll.u32 s2, $0x9;
	[dreg:$0xa] =	wrdreg s26  }
0xa: {  	s12 =	sadd.s32 s7, s0;
	[dreg:$0xb] =	wrdreg s28;
	s14 =	ssub.s32 $0x2, s2  }
0xb: {  	s2 =	smul.u32 $0xD200, s2;
	[dreg:$0x4] =	wrdreg s31;
	s22 =	simm.s32 $0x1  }
0xc: {  	s23 =	simm.s32 $0x20;
	s21 =	sor.u32 s10, s7;
	s1 =	sadd.s32 s13, s1  }
0xd: {  	s29 =	sshrl.u32 s14, $0x1;
	s5 =	sshrl.u32 s21, $0x3;
	s1 =	sadd.s32 s2, s1  }
0xe: {  	s11 =	sadd.s32 s5, s0;
	s0 =	sadd.s32 $0x620C00, s0;
	[dreg:$0x3] =	wrdreg s1  }
0xf: {  	[dreg:$0x5] =	wrdreg s0;
	s0 =	ssub.s32 s14, s29;
	s11 =	sadd.s32 $0x4C00, s11  }
0x10: {  	s30 =	sadd.s32 s10, s12;
	[dreg:$0xc] =	wrdreg s11;
	s0 =	smax.u32 s0, $0x1  }
0x11: {  	s24 =	simm.s32 $0x348;
	[dreg:$0xd] =	wrdreg s0;
	s0 =	sadd.s32 $0xC00, s30  }
0x12: {  	s25 =	simm.s32 $0x2;
	s1 =	simm.s32 $0x0;
	[dreg:$0xe] =	wrdreg s0  }
.LBB2_1:
0x13: {  	[dreg:$0xf] =	wrdreg s1;
	s1 =	simm.s32 $0x0  }
0x14: {  	s0 =	rddreg [dreg:$0xc];
	s26 =	simm.s32 $0x200;
	s28 =	simm.s32 $0x4000  }
0x15: {  	[tilespmem:s1], [sflag:$0x3] =	stream.strided.gather [hbm4b:s0+s26], $0x3400, s28, s26, $0x38;
	[tilespmem:$0x1D800] =	vst v63  }
0x16: {  	s28 =	simm.s32 $0x3  }
0x17: {  	_ =	swait.ge [sflag:s28], $0x3400  }
0x18: {  	s9 =	simm.s32 $0x0;
	[sflag:s28] =	ssyncset.done $0x0  }
0x19: {  	s26 =	simm.s32 $0x3400;
	s2 =	rddreg [dreg:$0x6];
	[sflag:s28] =	ssyncadd.s32 $0xFFFFCC00  }
0x1a: {  	[tilespmem:s26], [sflag:$0x1] =	stream.indirect.gather [hbm4b:s2+s16], $0x20, s9, s16, $0xb8;
	[tilespmem:$0x1D800] =	vst v63  }
0x1b: {  	s10 =	simm.s32 $0x200;
	s13 =	simm.s32 $0x4400  }
0x1c: {  	[tilespmem:s13], [sflag:$0x1] =	stream.indirect.gather [hbm4b:s2+s16], $0x20, s10, s16, $0xb8;
	[tilespmem:$0x1D800] =	vst v63  }
0x1d: {  	s11 =	simm.s32 $0x400;
	s14 =	simm.s32 $0x5400  }
0x1e: {  	[tilespmem:s14], [sflag:$0x1] =	stream.indirect.gather [hbm4b:s2+s16], $0x20, s11, s16, $0xb8;
	[tilespmem:$0x1D800] =	vst v63  }
0x1f: {  	s12 =	simm.s32 $0x600;
	s10 =	simm.s32 $0x6400  }
0x20: {  	[tilespmem:s10], [sflag:$0x1] =	stream.indirect.gather [hbm4b:s2+s16], $0x20, s12, s16, $0xb8;
	[tilespmem:$0x1D800] =	vst v63  }
0x21: {  	s15 =	simm.s32 $0x800;
	s3 =	rddreg [dreg:$0x7];
	s11 =	simm.s32 $0x7400  }
0x22: {  	[tilespmem:s11], [sflag:$0x1] =	stream.indirect.gather [hbm4b:s3+s16], $0x20, s15, s16, $0xb8;
	[tilespmem:$0x1D800] =	vst v63  }
0x23: {  	s17 =	simm.s32 $0xA00;
	s12 =	simm.s32 $0x8400  }
0x24: {  	[tilespmem:s12], [sflag:$0x1] =	stream.indirect.gather [hbm4b:s3+s16], $0x20, s17, s16, $0xb8;
	[tilespmem:$0x1D800] =	vst v63  }
0x25: {  	s18 =	simm.s32 $0xC00;
	s19 =	simm.s32 $0x9400  }
0x26: {  	[tilespmem:s19], [sflag:$0x1] =	stream.indirect.gather [hbm4b:s3+s16], $0x20, s18, s16, $0xb8;
	[tilespmem:$0x1D800] =	vst v63  }
0x27: {  	s20 =	simm.s32 $0xE00;
	s17 =	simm.s32 $0xA400  }
0x28: {  	[tilespmem:s17], [sflag:$0x1] =	stream.indirect.gather [hbm4b:s3+s16], $0x20, s20, s16, $0xb8;
	[tilespmem:$0x1D800] =	vst v63  }
0x29: {  	s21 =	simm.s32 $0x1000;
	s31 =	rddreg [dreg:$0x8];
	s18 =	simm.s32 $0xB400  }
0x2a: {  	[tilespmem:s18], [sflag:$0x1] =	stream.indirect.gather [hbm4b:s31+s16], $0x20, s21, s16, $0xb8;
	[tilespmem:$0x1D800] =	vst v63  }
0x2b: {  	s2 =	simm.s32 $0x1200;
	s19 =	simm.s32 $0xC400  }
0x2c: {  	[tilespmem:s19], [sflag:$0x1] =	stream.indirect.gather [hbm4b:s31+s16], $0x20, s2, s16, $0xb8;
	[tilespmem:$0x1D800] =	vst v63  }
0x2d: {  	s4 =	simm.s32 $0x1400;
	s20 =	simm.s32 $0xD400  }
0x2e: {  	[tilespmem:s20], [sflag:$0x1] =	stream.indirect.gather [hbm4b:s31+s16], $0x20, s4, s16, $0xb8;
	[tilespmem:$0x1D800] =	vst v63  }
0x2f: {  	s5 =	simm.s32 $0x1600;
	s21 =	simm.s32 $0xE400  }
0x30: {  	[tilespmem:s21], [sflag:$0x1] =	stream.indirect.gather [hbm4b:s31+s16], $0x20, s5, s16, $0xb8;
	[tilespmem:$0x1D800] =	vst v63  }
0x31: {  	s6 =	simm.s32 $0x1800;
	s15 =	simm.s32 $0xF400;
	s5 =	rddreg [dreg:$0x9]  }
0x32: {  	[tilespmem:s15], [sflag:$0x1] =	stream.indirect.gather [hbm4b:s5+s16], $0x20, s6, s16, $0xb8;
	[tilespmem:$0x1D800] =	vst v63  }
0x33: {  	s7 =	simm.s32 $0x1A00;
	s9 =	simm.s32 $0x10400  }
0x34: {  	[tilespmem:s9], [sflag:$0x1] =	stream.indirect.gather [hbm4b:s5+s16], $0x20, s7, s16, $0xb8;
	[tilespmem:$0x1D800] =	vst v63  }
0x35: {  	s8 =	simm.s32 $0x1C00;
	s31 =	simm.s32 $0x11400  }
0x36: {  	[tilespmem:s31], [sflag:$0x1] =	stream.indirect.gather [hbm4b:s5+s16], $0x20, s8, s16, $0xb8;
	[tilespmem:$0x1D800] =	vst v63  }
0x37: {  	s3 =	simm.s32 $0x1E00;
	s4 =	simm.s32 $0x12400  }
0x38: {  	[tilespmem:s4], [sflag:$0x1] =	stream.indirect.gather [hbm4b:s5+s16], $0x20, s3, s16, $0xb8;
	[tilespmem:$0x1D800] =	vst v63  }
0x39: {  	s6 =	simm.s32 $0x2000;
	s7 =	rddreg [dreg:$0xa];
	s5 =	simm.s32 $0x13400  }
0x3a: {  	[tilespmem:s5], [sflag:$0x1] =	stream.indirect.gather [hbm4b:s7+s16], $0x20, s6, s16, $0xb8;
	[tilespmem:$0x1D800] =	vst v63  }
0x3b: {  	s8 =	simm.s32 $0x2200;
	s6 =	simm.s32 $0x14400  }
0x3c: {  	[tilespmem:s6], [sflag:$0x1] =	stream.indirect.gather [hbm4b:s7+s16], $0x20, s8, s16, $0xb8;
	[tilespmem:$0x1D800] =	vst v63  }
0x3d: {  	s31 =	simm.s32 $0x2400;
	s8 =	simm.s32 $0x15400  }
0x3e: {  	[tilespmem:s8], [sflag:$0x1] =	stream.indirect.gather [hbm4b:s7+s16], $0x20, s31, s16, $0xb8;
	[tilespmem:$0x1D800] =	vst v63  }
0x3f: {  	s30 =	simm.s32 $0x16400;
	s2 =	simm.s32 $0x2600  }
0x40: {  	[tilespmem:s30], [sflag:$0x1] =	stream.indirect.gather [hbm4b:s7+s16], $0x20, s2, s16, $0xb8;
	[tilespmem:$0x1D800] =	vst v63  }
0x41: {  	s3 =	simm.s32 $0x2800;
	s31 =	simm.s32 $0x17400;
	s7 =	rddreg [dreg:$0xb]  }
0x42: {  	[tilespmem:s31], [sflag:$0x1] =	stream.indirect.gather [hbm4b:s7+s16], $0x20, s3, s16, $0xb8;
	[tilespmem:$0x1D800] =	vst v63  }
0x43: {  	s2 =	simm.s32 $0x2A00;
	s3 =	simm.s32 $0x18400  }
0x44: {  	[tilespmem:s3], [sflag:$0x1] =	stream.indirect.gather [hbm4b:s7+s16], $0x20, s2, s16, $0xb8;
	[tilespmem:$0x1D800] =	vst v63  }
0x45: {  	s2 =	simm.s32 $0x2C00;
	s3 =	simm.s32 $0x19400  }
0x46: {  	[tilespmem:s3], [sflag:$0x1] =	stream.indirect.gather [hbm4b:s7+s16], $0x20, s2, s16, $0xb8;
	[tilespmem:$0x1D800] =	vst v63  }
0x47: {  	s3 =	simm.s32 $0x2E00;
	s2 =	simm.s32 $0x1A400  }
0x48: {  	[tilespmem:s2], [sflag:$0x1] =	stream.indirect.gather [hbm4b:s7+s16], $0x20, s3, s16, $0xb8;
	[tilespmem:$0x1D800] =	vst v63  }
0x49: {  	s29 =	rddreg [dreg:$0x5];
	s3 =	simm.s32 $0x3000;
	s7 =	simm.s32 $0x1B400  }
0x4a: {  	[tilespmem:s7], [sflag:$0x1] =	stream.indirect.gather [hbm4b:s29+s16], $0x20, s3, s16, $0xb8;
	[tilespmem:$0x1D800] =	vst v63  }
0x4b: {  	s0 =	simm.s32 $0x3200;
	s3 =	simm.s32 $0x1C400  }
0x4c: {  	[tilespmem:s3], [sflag:$0x1] =	stream.indirect.gather [hbm4b:s29+s16], $0x20, s0, s16, $0xb8;
	[tilespmem:$0x1D800] =	vst v63  }
0x4d: {  	s29 =	rddreg [dreg:$0xe];
	s0 =	simm.s32 $0x1D400  }
0x4e: {  	[tilespmem:s0], [sflag:$0x3] =	stream.linear.gather [hbm4b:s29+s1], $0x400, $0x38;
	[tilespmem:$0x1D800] =	vst v63  }
0x4f: {  	_ =	swait.ge [sflag:s28], $0x400  }
0x50: {  	[sflag:s28] =	ssyncset.done $0x0  }
0x51: {  	[sflag:s28] =	ssyncadd.s32 $0xFFFFFC00  }
0x52: {  	_ =	swait.ge [sflag:s22], $0x1000  }
0x53: {  	[sflag:s22] =	ssyncset.done $0x0  }
0x54: {  	[sflag:s22] =	ssyncadd.s32 $0xFFFFF000  }
0x55: {  	_ =	swait.ge [sflag:s22], $0x1000  }
0x56: {  	[sflag:s22] =	ssyncset.done $0x0  }
0x57: {  	[sflag:s22] =	ssyncadd.s32 $0xFFFFF000  }
0x58: {  	_ =	swait.ge [sflag:s22], $0x1000  }
0x59: {  	[sflag:s22] =	ssyncset.done $0x0  }
0x5a: {  	[sflag:s22] =	ssyncadd.s32 $0xFFFFF000  }
0x5b: {  	_ =	swait.ge [sflag:s22], $0x1000  }
0x5c: {  	[sflag:s22] =	ssyncset.done $0x0  }
0x5d: {  	[sflag:s22] =	ssyncadd.s32 $0xFFFFF000  }
0x5e: {  	_ =	swait.ge [sflag:s22], $0x1000  }
0x5f: {  	[sflag:s22] =	ssyncset.done $0x0  }
0x60: {  	[sflag:s22] =	ssyncadd.s32 $0xFFFFF000  }
0x61: {  	_ =	swait.ge [sflag:s22], $0x1000  }
0x62: {  	[sflag:s22] =	ssyncset.done $0x0  }
0x63: {  	[sflag:s22] =	ssyncadd.s32 $0xFFFFF000  }
0x64: {  	_ =	swait.ge [sflag:s22], $0x1000  }
0x65: {  	[sflag:s22] =	ssyncset.done $0x0  }
0x66: {  	[sflag:s22] =	ssyncadd.s32 $0xFFFFF000  }
0x67: {  	_ =	swait.ge [sflag:s22], $0x1000  }
0x68: {  	[sflag:s22] =	ssyncset.done $0x0  }
0x69: {  	[sflag:s22] =	ssyncadd.s32 $0xFFFFF000  }
0x6a: {  	_ =	swait.ge [sflag:s22], $0x1000  }
0x6b: {  	[sflag:s22] =	ssyncset.done $0x0  }
0x6c: {  	[sflag:s22] =	ssyncadd.s32 $0xFFFFF000  }
0x6d: {  	_ =	swait.ge [sflag:s22], $0x1000  }
0x6e: {  	[sflag:s22] =	ssyncset.done $0x0  }
0x6f: {  	[sflag:s22] =	ssyncadd.s32 $0xFFFFF000  }
0x70: {  	_ =	swait.ge [sflag:s22], $0x1000  }
0x71: {  	[sflag:s22] =	ssyncset.done $0x0  }
0x72: {  	[sflag:s22] =	ssyncadd.s32 $0xFFFFF000  }
0x73: {  	_ =	swait.ge [sflag:s22], $0x1000  }
0x74: {  	[sflag:s22] =	ssyncset.done $0x0  }
0x75: {  	[sflag:s22] =	ssyncadd.s32 $0xFFFFF000  }
0x76: {  	_ =	swait.ge [sflag:s22], $0x1000  }
0x77: {  	[sflag:s22] =	ssyncset.done $0x0  }
0x78: {  	[sflag:s22] =	ssyncadd.s32 $0xFFFFF000  }
0x79: {  	_ =	swait.ge [sflag:s22], $0x1000  }
0x7a: {  	[sflag:s22] =	ssyncset.done $0x0  }
0x7b: {  	[sflag:s22] =	ssyncadd.s32 $0xFFFFF000  }
0x7c: {  	_ =	swait.ge [sflag:s22], $0x1000  }
0x7d: {  	[sflag:s22] =	ssyncset.done $0x0  }
0x7e: {  	[sflag:s22] =	ssyncadd.s32 $0xFFFFF000  }
0x7f: {  	_ =	swait.ge [sflag:s22], $0x1000  }
0x80: {  	[sflag:s22] =	ssyncset.done $0x0  }
0x81: {  	[sflag:s22] =	ssyncadd.s32 $0xFFFFF000  }
0x82: {  	_ =	swait.ge [sflag:s22], $0x1000  }
0x83: {  	[sflag:s22] =	ssyncset.done $0x0  }
0x84: {  	[sflag:s22] =	ssyncadd.s32 $0xFFFFF000  }
0x85: {  	_ =	swait.ge [sflag:s22], $0x1000  }
0x86: {  	[sflag:s22] =	ssyncset.done $0x0  }
0x87: {  	[sflag:s22] =	ssyncadd.s32 $0xFFFFF000  }
0x88: {  	_ =	swait.ge [sflag:s22], $0x1000  }
0x89: {  	[sflag:s22] =	ssyncset.done $0x0  }
0x8a: {  	[sflag:s22] =	ssyncadd.s32 $0xFFFFF000  }
0x8b: {  	_ =	swait.ge [sflag:s22], $0x1000  }
0x8c: {  	[sflag:s22] =	ssyncset.done $0x0  }
0x8d: {  	[sflag:s22] =	ssyncadd.s32 $0xFFFFF000  }
0x8e: {  	_ =	swait.ge [sflag:s22], $0x1000  }
0x8f: {  	[sflag:s22] =	ssyncset.done $0x0  }
0x90: {  	[sflag:s22] =	ssyncadd.s32 $0xFFFFF000  }
0x91: {  	_ =	swait.ge [sflag:s22], $0x1000  }
0x92: {  	[sflag:s22] =	ssyncset.done $0x0  }
0x93: {  	[sflag:s22] =	ssyncadd.s32 $0xFFFFF000  }
0x94: {  	_ =	swait.ge [sflag:s22], $0x1000  }
0x95: {  	[sflag:s22] =	ssyncset.done $0x0  }
0x96: {  	[sflag:s22] =	ssyncadd.s32 $0xFFFFF000  }
0x97: {  	_ =	swait.ge [sflag:s22], $0x1000  }
0x98: {  	[sflag:s22] =	ssyncset.done $0x0  }
0x99: {  	[sflag:s22] =	ssyncadd.s32 $0xFFFFF000  }
0x9a: {  	_ =	swait.ge [sflag:s22], $0x1000  }
0x9b: {  	[sflag:s22] =	ssyncset.done $0x0  }
0x9c: {  	[sflag:s22] =	ssyncadd.s32 $0xFFFFF000  }
0x9d: {  	_ =	swait.ge [sflag:s22], $0x1000  }
0x9e: {  	s0 =	rddreg [dreg:$0x3];
	[sflag:s22] =	ssyncset.done $0x0  }
0x9f: {  	[sflag:s22] =	ssyncadd.s32 $0xFFFFF000;
	s0 =	sadd.s32 $0x0, s0  }
0xa0: {  	[hbm4b:s0+s23] =	stream.strided.scatter [tilespmem:s26], [sflag:$0x2], $0x1000, s24, s23, $0x38;
	[tilespmem:$0x1D800] =	vst v63  }
0xa1: {  	s26 =	sadd.s32 $0x4, s0  }
0xa2: {  	[hbm4b:s26+s23] =	stream.strided.scatter [tilespmem:s13], [sflag:$0x2], $0x1000, s24, s23, $0x38;
	[tilespmem:$0x1D800] =	vst v63  }
0xa3: {  	s13 =	sadd.s32 $0x8, s0  }
0xa4: {  	[hbm4b:s13+s23] =	stream.strided.scatter [tilespmem:s14], [sflag:$0x2], $0x1000, s24, s23, $0x38;
	[tilespmem:$0x1D800] =	vst v63  }
0xa5: {  	s14 =	sadd.s32 $0xC, s0  }
0xa6: {  	[hbm4b:s14+s23] =	stream.strided.scatter [tilespmem:s10], [sflag:$0x2], $0x1000, s24, s23, $0x38;
	[tilespmem:$0x1D800] =	vst v63  }
0xa7: {  	s10 =	sadd.s32 $0x10, s0  }
0xa8: {  	[hbm4b:s10+s23] =	stream.strided.scatter [tilespmem:s11], [sflag:$0x2], $0x1000, s24, s23, $0x38;
	[tilespmem:$0x1D800] =	vst v63  }
0xa9: {  	s11 =	sadd.s32 $0x14, s0  }
0xaa: {  	[hbm4b:s11+s23] =	stream.strided.scatter [tilespmem:s12], [sflag:$0x2], $0x1000, s24, s23, $0x38;
	[tilespmem:$0x1D800] =	vst v63  }
0xab: {  	s13 =	sadd.s32 $0x18, s0;
	s14 =	simm.s32 $0x9400  }
0xac: {  	[hbm4b:s13+s23] =	stream.strided.scatter [tilespmem:s14], [sflag:$0x2], $0x1000, s24, s23, $0x38;
	[tilespmem:$0x1D800] =	vst v63  }
0xad: {  	s11 =	sadd.s32 $0x1C, s0  }
0xae: {  	[hbm4b:s11+s23] =	stream.strided.scatter [tilespmem:s17], [sflag:$0x2], $0x1000, s24, s23, $0x38;
	[tilespmem:$0x1D800] =	vst v63  }
0xaf: {  	s12 =	sadd.s32 $0x20, s0  }
0xb0: {  	[hbm4b:s12+s23] =	stream.strided.scatter [tilespmem:s18], [sflag:$0x2], $0x1000, s24, s23, $0x38;
	[tilespmem:$0x1D800] =	vst v63  }
0xb1: {  	s13 =	sadd.s32 $0x24, s0  }
0xb2: {  	[hbm4b:s13+s23] =	stream.strided.scatter [tilespmem:s19], [sflag:$0x2], $0x1000, s24, s23, $0x38;
	[tilespmem:$0x1D800] =	vst v63  }
0xb3: {  	s14 =	sadd.s32 $0x28, s0  }
0xb4: {  	[hbm4b:s14+s23] =	stream.strided.scatter [tilespmem:s20], [sflag:$0x2], $0x1000, s24, s23, $0x38;
	[tilespmem:$0x1D800] =	vst v63  }
0xb5: {  	s17 =	sadd.s32 $0x2C, s0  }
0xb6: {  	[hbm4b:s17+s23] =	stream.strided.scatter [tilespmem:s21], [sflag:$0x2], $0x1000, s24, s23, $0x38;
	[tilespmem:$0x1D800] =	vst v63  }
0xb7: {  	s18 =	sadd.s32 $0x30, s0  }
0xb8: {  	[hbm4b:s18+s23] =	stream.strided.scatter [tilespmem:s15], [sflag:$0x2], $0x1000, s24, s23, $0x38;
	[tilespmem:$0x1D800] =	vst v63  }
0xb9: {  	s19 =	sadd.s32 $0x34, s0  }
0xba: {  	[hbm4b:s19+s23] =	stream.strided.scatter [tilespmem:s9], [sflag:$0x2], $0x1000, s24, s23, $0x38;
	[tilespmem:$0x1D800] =	vst v63  }
0xbb: {  	s20 =	sadd.s32 $0x38, s0;
	s21 =	simm.s32 $0x11400  }
0xbc: {  	[hbm4b:s20+s23] =	stream.strided.scatter [tilespmem:s21], [sflag:$0x2], $0x1000, s24, s23, $0x38;
	[tilespmem:$0x1D800] =	vst v63  }
0xbd: {  	s9 =	sadd.s32 $0x3C, s0  }
0xbe: {  	[hbm4b:s9+s23] =	stream.strided.scatter [tilespmem:s4], [sflag:$0x2], $0x1000, s24, s23, $0x38;
	[tilespmem:$0x1D800] =	vst v63  }
0xbf: {  	s10 =	sadd.s32 $0x40, s0  }
0xc0: {  	[hbm4b:s10+s23] =	stream.strided.scatter [tilespmem:s5], [sflag:$0x2], $0x1000, s24, s23, $0x38;
	[tilespmem:$0x1D800] =	vst v63  }
0xc1: {  	s11 =	sadd.s32 $0x44, s0  }
0xc2: {  	[hbm4b:s11+s23] =	stream.strided.scatter [tilespmem:s6], [sflag:$0x2], $0x1000, s24, s23, $0x38;
	[tilespmem:$0x1D800] =	vst v63  }
0xc3: {  	s12 =	sadd.s32 $0x48, s0  }
0xc4: {  	[hbm4b:s12+s23] =	stream.strided.scatter [tilespmem:s8], [sflag:$0x2], $0x1000, s24, s23, $0x38;
	[tilespmem:$0x1D800] =	vst v63  }
0xc5: {  	s13 =	sadd.s32 $0x4C, s0  }
0xc6: {  	[hbm4b:s13+s23] =	stream.strided.scatter [tilespmem:s30], [sflag:$0x2], $0x1000, s24, s23, $0x38;
	[tilespmem:$0x1D800] =	vst v63  }
0xc7: {  	s14 =	sadd.s32 $0x50, s0  }
0xc8: {  	[hbm4b:s14+s23] =	stream.strided.scatter [tilespmem:s31], [sflag:$0x2], $0x1000, s24, s23, $0x38;
	[tilespmem:$0x1D800] =	vst v63  }
0xc9: {  	s17 =	simm.s32 $0x18400;
	s15 =	sadd.s32 $0x54, s0  }
0xca: {  	[hbm4b:s15+s23] =	stream.strided.scatter [tilespmem:s17], [sflag:$0x2], $0x1000, s24, s23, $0x38;
	[tilespmem:$0x1D800] =	vst v63  }
0xcb: {  	s18 =	sadd.s32 $0x58, s0;
	s19 =	simm.s32 $0x19400  }
0xcc: {  	[hbm4b:s18+s23] =	stream.strided.scatter [tilespmem:s19], [sflag:$0x2], $0x1000, s24, s23, $0x38;
	[tilespmem:$0x1D800] =	vst v63  }
0xcd: {  	s20 =	sadd.s32 $0x5C, s0  }
0xce: {  	[hbm4b:s20+s23] =	stream.strided.scatter [tilespmem:s2], [sflag:$0x2], $0x1000, s24, s23, $0x38;
	[tilespmem:$0x1D800] =	vst v63  }
0xcf: {  	s21 =	sadd.s32 $0x60, s0  }
0xd0: {  	[hbm4b:s21+s23] =	stream.strided.scatter [tilespmem:s7], [sflag:$0x2], $0x1000, s24, s23, $0x38;
	[tilespmem:$0x1D800] =	vst v63  }
0xd1: {  	s3 =	simm.s32 $0x1C400;
	s31 =	sadd.s32 $0x64, s0  }
0xd2: {  	[hbm4b:s31+s23] =	stream.strided.scatter [tilespmem:s3], [sflag:$0x2], $0x1000, s24, s23, $0x38;
	[tilespmem:$0x1D800] =	vst v63  }
0xd3: {  	s1 =	simm.s32 $0x1D400;
	s28 =	rddreg [dreg:$0x4];
	s0 =	sadd.s32 $0x68, s0  }
0xd4: {  	[hbm4b:s0+s28] =	stream.strided.scatter [tilespmem:s1], [sflag:$0x2], $0x400, s24, s28, $0x38;
	[tilespmem:$0x1D800] =	vst v63  }
0xd5: {  	_ =	swait.ge [sflag:s25], $0x1000  }
0xd6: {  	[sflag:s25] =	ssyncset.done $0x0  }
0xd7: {  	[sflag:s25] =	ssyncadd.s32 $0xFFFFF000  }
0xd8: {  	_ =	swait.ge [sflag:s25], $0x1000  }
0xd9: {  	[sflag:s25] =	ssyncset.done $0x0  }
0xda: {  	[sflag:s25] =	ssyncadd.s32 $0xFFFFF000  }
0xdb: {  	_ =	swait.ge [sflag:s25], $0x1000  }
0xdc: {  	[sflag:s25] =	ssyncset.done $0x0  }
0xdd: {  	[sflag:s25] =	ssyncadd.s32 $0xFFFFF000  }
0xde: {  	_ =	swait.ge [sflag:s25], $0x1000  }
0xdf: {  	[sflag:s25] =	ssyncset.done $0x0  }
0xe0: {  	[sflag:s25] =	ssyncadd.s32 $0xFFFFF000  }
0xe1: {  	_ =	swait.ge [sflag:s25], $0x1000  }
0xe2: {  	[sflag:s25] =	ssyncset.done $0x0  }
0xe3: {  	[sflag:s25] =	ssyncadd.s32 $0xFFFFF000  }
0xe4: {  	_ =	swait.ge [sflag:s25], $0x1000  }
0xe5: {  	[sflag:s25] =	ssyncset.done $0x0  }
0xe6: {  	[sflag:s25] =	ssyncadd.s32 $0xFFFFF000  }
0xe7: {  	_ =	swait.ge [sflag:s25], $0x1000  }
0xe8: {  	[sflag:s25] =	ssyncset.done $0x0  }
0xe9: {  	[sflag:s25] =	ssyncadd.s32 $0xFFFFF000  }
0xea: {  	_ =	swait.ge [sflag:s25], $0x1000  }
0xeb: {  	[sflag:s25] =	ssyncset.done $0x0  }
0xec: {  	[sflag:s25] =	ssyncadd.s32 $0xFFFFF000  }
0xed: {  	_ =	swait.ge [sflag:s25], $0x1000  }
0xee: {  	[sflag:s25] =	ssyncset.done $0x0  }
0xef: {  	[sflag:s25] =	ssyncadd.s32 $0xFFFFF000  }
0xf0: {  	_ =	swait.ge [sflag:s25], $0x1000  }
0xf1: {  	[sflag:s25] =	ssyncset.done $0x0  }
0xf2: {  	[sflag:s25] =	ssyncadd.s32 $0xFFFFF000  }
0xf3: {  	_ =	swait.ge [sflag:s25], $0x1000  }
0xf4: {  	[sflag:s25] =	ssyncset.done $0x0  }
0xf5: {  	[sflag:s25] =	ssyncadd.s32 $0xFFFFF000  }
0xf6: {  	_ =	swait.ge [sflag:s25], $0x1000  }
0xf7: {  	[sflag:s25] =	ssyncset.done $0x0  }
0xf8: {  	[sflag:s25] =	ssyncadd.s32 $0xFFFFF000  }
0xf9: {  	_ =	swait.ge [sflag:s25], $0x1000  }
0xfa: {  	[sflag:s25] =	ssyncset.done $0x0  }
0xfb: {  	[sflag:s25] =	ssyncadd.s32 $0xFFFFF000  }
0xfc: {  	_ =	swait.ge [sflag:s25], $0x1000  }
0xfd: {  	[sflag:s25] =	ssyncset.done $0x0  }
0xfe: {  	[sflag:s25] =	ssyncadd.s32 $0xFFFFF000  }
0xff: {  	_ =	swait.ge [sflag:s25], $0x1000  }
0x100: {  	[sflag:s25] =	ssyncset.done $0x0  }
0x101: {  	[sflag:s25] =	ssyncadd.s32 $0xFFFFF000  }
0x102: {  	_ =	swait.ge [sflag:s25], $0x1000  }
0x103: {  	[sflag:s25] =	ssyncset.done $0x0  }
0x104: {  	[sflag:s25] =	ssyncadd.s32 $0xFFFFF000  }
0x105: {  	_ =	swait.ge [sflag:s25], $0x1000  }
0x106: {  	[sflag:s25] =	ssyncset.done $0x0  }
0x107: {  	[sflag:s25] =	ssyncadd.s32 $0xFFFFF000  }
0x108: {  	_ =	swait.ge [sflag:s25], $0x1000  }
0x109: {  	[sflag:s25] =	ssyncset.done $0x0  }
0x10a: {  	[sflag:s25] =	ssyncadd.s32 $0xFFFFF000  }
0x10b: {  	_ =	swait.ge [sflag:s25], $0x1000  }
0x10c: {  	[sflag:s25] =	ssyncset.done $0x0  }
0x10d: {  	[sflag:s25] =	ssyncadd.s32 $0xFFFFF000  }
0x10e: {  	_ =	swait.ge [sflag:s25], $0x1000  }
0x10f: {  	[sflag:s25] =	ssyncset.done $0x0  }
0x110: {  	[sflag:s25] =	ssyncadd.s32 $0xFFFFF000  }
0x111: {  	_ =	swait.ge [sflag:s25], $0x1000  }
0x112: {  	[sflag:s25] =	ssyncset.done $0x0  }
0x113: {  	[sflag:s25] =	ssyncadd.s32 $0xFFFFF000  }
0x114: {  	_ =	swait.ge [sflag:s25], $0x1000  }
0x115: {  	[sflag:s25] =	ssyncset.done $0x0  }
0x116: {  	[sflag:s25] =	ssyncadd.s32 $0xFFFFF000  }
0x117: {  	_ =	swait.ge [sflag:s25], $0x1000  }
0x118: {  	[sflag:s25] =	ssyncset.done $0x0  }
0x119: {  	[sflag:s25] =	ssyncadd.s32 $0xFFFFF000  }
0x11a: {  	_ =	swait.ge [sflag:s25], $0x1000  }
0x11b: {  	[sflag:s25] =	ssyncset.done $0x0  }
0x11c: {  	[sflag:s25] =	ssyncadd.s32 $0xFFFFF000  }
0x11d: {  	_ =	swait.ge [sflag:s25], $0x1000  }
0x11e: {  	[sflag:s25] =	ssyncset.done $0x0  }
0x11f: {  	[sflag:s25] =	ssyncadd.s32 $0xFFFFF000  }
0x120: {  	_ =	swait.ge [sflag:s25], $0x1000  }
0x121: {  	[sflag:s25] =	ssyncset.done $0x0  }
0x122: {  	[sflag:s25] =	ssyncadd.s32 $0xFFFFF000  }
0x123: {  	s26 =	simm.s32 $0x3480;
	_ =	swait.ge [sflag:s25], $0x400  }
0x124: {  	s30 =	simm.s32 $0x6900;
	s28 =	simm.s32 $0x3280;
	[sflag:s25] =	ssyncset.done $0x0  }
.LBB2_2:
0x125: {  	s0 =	sadd.s32 $0xFFFFCE00, s28  }
0x126: {  	[sflag:s25] =	ssyncadd.s32 $0xFFFFFC00;
	s1 =	simm.s32 $0x3400;
	s2 =	rddreg [dreg:$0x6]  }
0x127: {  	[tilespmem:s1], [sflag:$0x1] =	stream.indirect.gather [hbm4b:s2+s16], $0x20, s0, s16, $0xb8;
	[tilespmem:$0x1D800] =	vst v63  }
0x128: {  	s21 =	sadd.s32 $0xFFFFD000, s28;
	s13 =	simm.s32 $0x4400  }
0x129: {  	[tilespmem:s13], [sflag:$0x1] =	stream.indirect.gather [hbm4b:s2+s16], $0x20, s21, s16, $0xb8;
	[tilespmem:$0x1D800] =	vst v63  }
0x12a: {  	s14 =	simm.s32 $0x5400;
	s1 =	sadd.s32 $0xFFFFD200, s28  }
0x12b: {  	[tilespmem:s14], [sflag:$0x1] =	stream.indirect.gather [hbm4b:s2+s16], $0x20, s1, s16, $0xb8;
	[tilespmem:$0x1D800] =	vst v63  }
0x12c: {  	s3 =	sadd.s32 $0xFFFFD400, s28;
	s10 =	simm.s32 $0x6400  }
0x12d: {  	[tilespmem:s10], [sflag:$0x1] =	stream.indirect.gather [hbm4b:s2+s16], $0x20, s3, s16, $0xb8;
	[tilespmem:$0x1D800] =	vst v63  }
0x12e: {  	s4 =	sadd.s32 $0xFFFFD600, s28;
	s11 =	simm.s32 $0x7400;
	s3 =	rddreg [dreg:$0x7]  }
0x12f: {  	[tilespmem:s11], [sflag:$0x1] =	stream.indirect.gather [hbm4b:s3+s16], $0x20, s4, s16, $0xb8;
	[tilespmem:$0x1D800] =	vst v63  }
0x130: {  	s5 =	sadd.s32 $0xFFFFD800, s28;
	s12 =	simm.s32 $0x8400  }
0x131: {  	[tilespmem:s12], [sflag:$0x1] =	stream.indirect.gather [hbm4b:s3+s16], $0x20, s5, s16, $0xb8;
	[tilespmem:$0x1D800] =	vst v63  }
0x132: {  	s6 =	sadd.s32 $0xFFFFDA00, s28;
	s7 =	simm.s32 $0x9400  }
0x133: {  	[tilespmem:s7], [sflag:$0x1] =	stream.indirect.gather [hbm4b:s3+s16], $0x20, s6, s16, $0xb8;
	[tilespmem:$0x1D800] =	vst v63  }
0x134: {  	s8 =	sadd.s32 $0xFFFFDC00, s28;
	s17 =	simm.s32 $0xA400  }
0x135: {  	[tilespmem:s17], [sflag:$0x1] =	stream.indirect.gather [hbm4b:s3+s16], $0x20, s8, s16, $0xb8;
	[tilespmem:$0x1D800] =	vst v63  }
0x136: {  	s9 =	sadd.s32 $0xFFFFDE00, s28;
	s18 =	simm.s32 $0xB400;
	s15 =	rddreg [dreg:$0x8]  }
0x137: {  	[tilespmem:s18], [sflag:$0x1] =	stream.indirect.gather [hbm4b:s15+s16], $0x20, s9, s16, $0xb8;
	[tilespmem:$0x1D800] =	vst v63  }
0x138: {  	s19 =	simm.s32 $0xC400;
	s21 =	sadd.s32 $0xFFFFE000, s28  }
0x139: {  	[tilespmem:s19], [sflag:$0x1] =	stream.indirect.gather [hbm4b:s15+s16], $0x20, s21, s16, $0xb8;
	[tilespmem:$0x1D800] =	vst v63  }
0x13a: {  	s20 =	simm.s32 $0xD400;
	s1 =	sadd.s32 $0xFFFFE200, s28  }
0x13b: {  	[tilespmem:s20], [sflag:$0x1] =	stream.indirect.gather [hbm4b:s15+s16], $0x20, s1, s16, $0xb8;
	[tilespmem:$0x1D800] =	vst v63  }
0x13c: {  	s2 =	sadd.s32 $0xFFFFE400, s28;
	s21 =	simm.s32 $0xE400  }
0x13d: {  	[tilespmem:s21], [sflag:$0x1] =	stream.indirect.gather [hbm4b:s15+s16], $0x20, s2, s16, $0xb8;
	[tilespmem:$0x1D800] =	vst v63  }
0x13e: {  	s4 =	sadd.s32 $0xFFFFE600, s28;
	s5 =	rddreg [dreg:$0x9];
	s15 =	simm.s32 $0xF400  }
0x13f: {  	[tilespmem:s15], [sflag:$0x1] =	stream.indirect.gather [hbm4b:s5+s16], $0x20, s4, s16, $0xb8;
	[tilespmem:$0x1D800] =	vst v63  }
0x140: {  	s6 =	sadd.s32 $0xFFFFE800, s28;
	s9 =	simm.s32 $0x10400  }
0x141: {  	[tilespmem:s9], [sflag:$0x1] =	stream.indirect.gather [hbm4b:s5+s16], $0x20, s6, s16, $0xb8;
	[tilespmem:$0x1D800] =	vst v63  }
0x142: {  	s7 =	sadd.s32 $0xFFFFEA00, s28;
	s8 =	simm.s32 $0x11400  }
0x143: {  	[tilespmem:s8], [sflag:$0x1] =	stream.indirect.gather [hbm4b:s5+s16], $0x20, s7, s16, $0xb8;
	[tilespmem:$0x1D800] =	vst v63  }
0x144: {  	s1 =	sadd.s32 $0xFFFFEC00, s28;
	s2 =	simm.s32 $0x12400  }
0x145: {  	[tilespmem:s2], [sflag:$0x1] =	stream.indirect.gather [hbm4b:s5+s16], $0x20, s1, s16, $0xb8;
	[tilespmem:$0x1D800] =	vst v63  }
0x146: {  	s4 =	sadd.s32 $0xFFFFEE00, s28;
	s6 =	simm.s32 $0x13400;
	s5 =	rddreg [dreg:$0xa]  }
0x147: {  	[tilespmem:s6], [sflag:$0x1] =	stream.indirect.gather [hbm4b:s5+s16], $0x20, s4, s16, $0xb8;
	[tilespmem:$0x1D800] =	vst v63  }
0x148: {  	s8 =	sadd.s32 $0xFFFFF000, s28;
	s7 =	simm.s32 $0x14400  }
0x149: {  	[tilespmem:s7], [sflag:$0x1] =	stream.indirect.gather [hbm4b:s5+s16], $0x20, s8, s16, $0xb8;
	[tilespmem:$0x1D800] =	vst v63  }
0x14a: {  	s1 =	sadd.s32 $0xFFFFF200, s28;
	s8 =	simm.s32 $0x15400  }
0x14b: {  	[tilespmem:s8], [sflag:$0x1] =	stream.indirect.gather [hbm4b:s5+s16], $0x20, s1, s16, $0xb8;
	[tilespmem:$0x1D800] =	vst v63  }
0x14c: {  	s2 =	sadd.s32 $0xFFFFF400, s28;
	s1 =	simm.s32 $0x16400  }
0x14d: {  	[tilespmem:s1], [sflag:$0x1] =	stream.indirect.gather [hbm4b:s5+s16], $0x20, s2, s16, $0xb8;
	[tilespmem:$0x1D800] =	vst v63  }
0x14e: {  	s3 =	rddreg [dreg:$0xb];
	s4 =	sadd.s32 $0xFFFFF600, s28;
	s2 =	simm.s32 $0x17400  }
0x14f: {  	[tilespmem:s2], [sflag:$0x1] =	stream.indirect.gather [hbm4b:s3+s16], $0x20, s4, s16, $0xb8;
	[tilespmem:$0x1D800] =	vst v63  }
0x150: {  	s5 =	sadd.s32 $0xFFFFF800, s28;
	s4 =	simm.s32 $0x18400  }
0x151: {  	[tilespmem:s4], [sflag:$0x1] =	stream.indirect.gather [hbm4b:s3+s16], $0x20, s5, s16, $0xb8;
	[tilespmem:$0x1D800] =	vst v63  }
0x152: {  	s4 =	sadd.s32 $0xFFFFFA00, s28;
	s5 =	simm.s32 $0x19400  }
0x153: {  	[tilespmem:s5], [sflag:$0x1] =	stream.indirect.gather [hbm4b:s3+s16], $0x20, s4, s16, $0xb8;
	[tilespmem:$0x1D800] =	vst v63  }
0x154: {  	s5 =	sadd.s32 $0xFFFFFC00, s28;
	s4 =	simm.s32 $0x1A400  }
0x155: {  	[tilespmem:s4], [sflag:$0x1] =	stream.indirect.gather [hbm4b:s3+s16], $0x20, s5, s16, $0xb8;
	[tilespmem:$0x1D800] =	vst v63  }
0x156: {  	s0 =	sadd.s32 $0xFFFFFE00, s28;
	s3 =	rddreg [dreg:$0x5];
	s5 =	simm.s32 $0x1B400  }
0x157: {  	[tilespmem:s5], [sflag:$0x1] =	stream.indirect.gather [hbm4b:s3+s16], $0x20, s0, s16, $0xb8;
	[tilespmem:$0x1D800] =	vst v63  }
0x158: {  	s0 =	simm.s32 $0x1C400  }
0x159: {  	[tilespmem:s0], [sflag:$0x1] =	stream.indirect.gather [hbm4b:s3+s16], $0x20, s28, s16, $0xb8;
	[tilespmem:$0x1D800] =	vst v63  }
0x15a: {  	s29 =	sadd.s32 $0x80, s29;
	s0 =	simm.s32 $0x0;
	s3 =	simm.s32 $0x1D400  }
0x15b: {  	[tilespmem:s3], [sflag:$0x3] =	stream.linear.gather [hbm4b:s29+s0], $0x400, $0x38;
	[tilespmem:$0x1D800] =	vst v63  }
0x15c: {  	s0 =	simm.s32 $0x3  }
0x15d: {  	_ =	swait.ge [sflag:s0], $0x400  }
0x15e: {  	[sflag:s0] =	ssyncset.done $0x0  }
0x15f: {  	[sflag:s0] =	ssyncadd.s32 $0xFFFFFC00  }
0x160: {  	_ =	swait.ge [sflag:s22], $0x1000  }
0x161: {  	[sflag:s22] =	ssyncset.done $0x0  }
0x162: {  	[sflag:s22] =	ssyncadd.s32 $0xFFFFF000  }
0x163: {  	_ =	swait.ge [sflag:s22], $0x1000  }
0x164: {  	[sflag:s22] =	ssyncset.done $0x0  }
0x165: {  	[sflag:s22] =	ssyncadd.s32 $0xFFFFF000  }
0x166: {  	_ =	swait.ge [sflag:s22], $0x1000  }
0x167: {  	[sflag:s22] =	ssyncset.done $0x0  }
0x168: {  	[sflag:s22] =	ssyncadd.s32 $0xFFFFF000  }
0x169: {  	_ =	swait.ge [sflag:s22], $0x1000  }
0x16a: {  	[sflag:s22] =	ssyncset.done $0x0  }
0x16b: {  	[sflag:s22] =	ssyncadd.s32 $0xFFFFF000  }
0x16c: {  	_ =	swait.ge [sflag:s22], $0x1000  }
0x16d: {  	[sflag:s22] =	ssyncset.done $0x0  }
0x16e: {  	[sflag:s22] =	ssyncadd.s32 $0xFFFFF000  }
0x16f: {  	_ =	swait.ge [sflag:s22], $0x1000  }
0x170: {  	[sflag:s22] =	ssyncset.done $0x0  }
0x171: {  	[sflag:s22] =	ssyncadd.s32 $0xFFFFF000  }
0x172: {  	_ =	swait.ge [sflag:s22], $0x1000  }
0x173: {  	[sflag:s22] =	ssyncset.done $0x0  }
0x174: {  	[sflag:s22] =	ssyncadd.s32 $0xFFFFF000  }
0x175: {  	_ =	swait.ge [sflag:s22], $0x1000  }
0x176: {  	[sflag:s22] =	ssyncset.done $0x0  }
0x177: {  	[sflag:s22] =	ssyncadd.s32 $0xFFFFF000  }
0x178: {  	_ =	swait.ge [sflag:s22], $0x1000  }
0x179: {  	[sflag:s22] =	ssyncset.done $0x0  }
0x17a: {  	[sflag:s22] =	ssyncadd.s32 $0xFFFFF000  }
0x17b: {  	_ =	swait.ge [sflag:s22], $0x1000  }
0x17c: {  	[sflag:s22] =	ssyncset.done $0x0  }
0x17d: {  	[sflag:s22] =	ssyncadd.s32 $0xFFFFF000  }
0x17e: {  	_ =	swait.ge [sflag:s22], $0x1000  }
0x17f: {  	[sflag:s22] =	ssyncset.done $0x0  }
0x180: {  	[sflag:s22] =	ssyncadd.s32 $0xFFFFF000  }
0x181: {  	_ =	swait.ge [sflag:s22], $0x1000  }
0x182: {  	[sflag:s22] =	ssyncset.done $0x0  }
0x183: {  	[sflag:s22] =	ssyncadd.s32 $0xFFFFF000  }
0x184: {  	_ =	swait.ge [sflag:s22], $0x1000  }
0x185: {  	[sflag:s22] =	ssyncset.done $0x0  }
0x186: {  	[sflag:s22] =	ssyncadd.s32 $0xFFFFF000  }
0x187: {  	_ =	swait.ge [sflag:s22], $0x1000  }
0x188: {  	[sflag:s22] =	ssyncset.done $0x0  }
0x189: {  	[sflag:s22] =	ssyncadd.s32 $0xFFFFF000  }
0x18a: {  	_ =	swait.ge [sflag:s22], $0x1000  }
0x18b: {  	[sflag:s22] =	ssyncset.done $0x0  }
0x18c: {  	[sflag:s22] =	ssyncadd.s32 $0xFFFFF000  }
0x18d: {  	_ =	swait.ge [sflag:s22], $0x1000  }
0x18e: {  	[sflag:s22] =	ssyncset.done $0x0  }
0x18f: {  	[sflag:s22] =	ssyncadd.s32 $0xFFFFF000  }
0x190: {  	_ =	swait.ge [sflag:s22], $0x1000  }
0x191: {  	[sflag:s22] =	ssyncset.done $0x0  }
0x192: {  	[sflag:s22] =	ssyncadd.s32 $0xFFFFF000  }
0x193: {  	_ =	swait.ge [sflag:s22], $0x1000  }
0x194: {  	[sflag:s22] =	ssyncset.done $0x0  }
0x195: {  	[sflag:s22] =	ssyncadd.s32 $0xFFFFF000  }
0x196: {  	_ =	swait.ge [sflag:s22], $0x1000  }
0x197: {  	[sflag:s22] =	ssyncset.done $0x0  }
0x198: {  	[sflag:s22] =	ssyncadd.s32 $0xFFFFF000  }
0x199: {  	_ =	swait.ge [sflag:s22], $0x1000  }
0x19a: {  	[sflag:s22] =	ssyncset.done $0x0  }
0x19b: {  	[sflag:s22] =	ssyncadd.s32 $0xFFFFF000  }
0x19c: {  	_ =	swait.ge [sflag:s22], $0x1000  }
0x19d: {  	[sflag:s22] =	ssyncset.done $0x0  }
0x19e: {  	[sflag:s22] =	ssyncadd.s32 $0xFFFFF000  }
0x19f: {  	_ =	swait.ge [sflag:s22], $0x1000  }
0x1a0: {  	[sflag:s22] =	ssyncset.done $0x0  }
0x1a1: {  	[sflag:s22] =	ssyncadd.s32 $0xFFFFF000  }
0x1a2: {  	_ =	swait.ge [sflag:s22], $0x1000  }
0x1a3: {  	[sflag:s22] =	ssyncset.done $0x0  }
0x1a4: {  	[sflag:s22] =	ssyncadd.s32 $0xFFFFF000  }
0x1a5: {  	_ =	swait.ge [sflag:s22], $0x1000  }
0x1a6: {  	[sflag:s22] =	ssyncset.done $0x0  }
0x1a7: {  	[sflag:s22] =	ssyncadd.s32 $0xFFFFF000  }
0x1a8: {  	_ =	swait.ge [sflag:s22], $0x1000  }
0x1a9: {  	[sflag:s22] =	ssyncset.done $0x0  }
0x1aa: {  	[sflag:s22] =	ssyncadd.s32 $0xFFFFF000  }
0x1ab: {  	_ =	swait.ge [sflag:s22], $0x1000  }
0x1ac: {  	[sflag:s22] =	ssyncset.done $0x0  }
0x1ad: {  	s31 =	smov.u32 s30;
	s0 =	rddreg [dreg:$0x3];
	[sflag:s22] =	ssyncadd.s32 $0xFFFFF000  }
0x1ae: {  	s0 =	sadd.s32 s26, s0;
	s26 =	smov.u32 s31;
	s31 =	simm.s32 $0x3400  }
0x1af: {  	[hbm4b:s0+s23] =	stream.strided.scatter [tilespmem:s31], [sflag:$0x2], $0x1000, s24, s23, $0x38;
	[tilespmem:$0x1D800] =	vst v63  }
0x1b0: {  	s31 =	sadd.s32 $0x4, s0  }
0x1b1: {  	[hbm4b:s31+s23] =	stream.strided.scatter [tilespmem:s13], [sflag:$0x2], $0x1000, s24, s23, $0x38;
	[tilespmem:$0x1D800] =	vst v63  }
0x1b2: {  	s13 =	sadd.s32 $0x8, s0  }
0x1b3: {  	[hbm4b:s13+s23] =	stream.strided.scatter [tilespmem:s14], [sflag:$0x2], $0x1000, s24, s23, $0x38;
	[tilespmem:$0x1D800] =	vst v63  }
0x1b4: {  	s14 =	sadd.s32 $0xC, s0  }
0x1b5: {  	[hbm4b:s14+s23] =	stream.strided.scatter [tilespmem:s10], [sflag:$0x2], $0x1000, s24, s23, $0x38;
	[tilespmem:$0x1D800] =	vst v63  }
0x1b6: {  	s10 =	sadd.s32 $0x10, s0  }
0x1b7: {  	[hbm4b:s10+s23] =	stream.strided.scatter [tilespmem:s11], [sflag:$0x2], $0x1000, s24, s23, $0x38;
	[tilespmem:$0x1D800] =	vst v63  }
0x1b8: {  	s11 =	sadd.s32 $0x14, s0  }
0x1b9: {  	[hbm4b:s11+s23] =	stream.strided.scatter [tilespmem:s12], [sflag:$0x2], $0x1000, s24, s23, $0x38;
	[tilespmem:$0x1D800] =	vst v63  }
0x1ba: {  	s13 =	simm.s32 $0x9400;
	s12 =	sadd.s32 $0x18, s0  }
0x1bb: {  	[hbm4b:s12+s23] =	stream.strided.scatter [tilespmem:s13], [sflag:$0x2], $0x1000, s24, s23, $0x38;
	[tilespmem:$0x1D800] =	vst v63  }
0x1bc: {  	s14 =	sadd.s32 $0x1C, s0  }
0x1bd: {  	[hbm4b:s14+s23] =	stream.strided.scatter [tilespmem:s17], [sflag:$0x2], $0x1000, s24, s23, $0x38;
	[tilespmem:$0x1D800] =	vst v63  }
0x1be: {  	s10 =	sadd.s32 $0x20, s0  }
0x1bf: {  	[hbm4b:s10+s23] =	stream.strided.scatter [tilespmem:s18], [sflag:$0x2], $0x1000, s24, s23, $0x38;
	[tilespmem:$0x1D800] =	vst v63  }
0x1c0: {  	s11 =	sadd.s32 $0x24, s0  }
0x1c1: {  	[hbm4b:s11+s23] =	stream.strided.scatter [tilespmem:s19], [sflag:$0x2], $0x1000, s24, s23, $0x38;
	[tilespmem:$0x1D800] =	vst v63  }
0x1c2: {  	s12 =	sadd.s32 $0x28, s0  }
0x1c3: {  	[hbm4b:s12+s23] =	stream.strided.scatter [tilespmem:s20], [sflag:$0x2], $0x1000, s24, s23, $0x38;
	[tilespmem:$0x1D800] =	vst v63  }
0x1c4: {  	s13 =	sadd.s32 $0x2C, s0  }
0x1c5: {  	[hbm4b:s13+s23] =	stream.strided.scatter [tilespmem:s21], [sflag:$0x2], $0x1000, s24, s23, $0x38;
	[tilespmem:$0x1D800] =	vst v63  }
0x1c6: {  	s14 =	sadd.s32 $0x30, s0  }
0x1c7: {  	[hbm4b:s14+s23] =	stream.strided.scatter [tilespmem:s15], [sflag:$0x2], $0x1000, s24, s23, $0x38;
	[tilespmem:$0x1D800] =	vst v63  }
0x1c8: {  	s15 =	sadd.s32 $0x34, s0  }
0x1c9: {  	[hbm4b:s15+s23] =	stream.strided.scatter [tilespmem:s9], [sflag:$0x2], $0x1000, s24, s23, $0x38;
	[tilespmem:$0x1D800] =	vst v63  }
0x1ca: {  	s17 =	sadd.s32 $0x38, s0;
	s18 =	simm.s32 $0x11400  }
0x1cb: {  	[hbm4b:s17+s23] =	stream.strided.scatter [tilespmem:s18], [sflag:$0x2], $0x1000, s24, s23, $0x38;
	[tilespmem:$0x1D800] =	vst v63  }
0x1cc: {  	s19 =	sadd.s32 $0x3C, s0;
	s20 =	simm.s32 $0x12400  }
0x1cd: {  	[hbm4b:s19+s23] =	stream.strided.scatter [tilespmem:s20], [sflag:$0x2], $0x1000, s24, s23, $0x38;
	[tilespmem:$0x1D800] =	vst v63  }
0x1ce: {  	s21 =	sadd.s32 $0x40, s0  }
0x1cf: {  	[hbm4b:s21+s23] =	stream.strided.scatter [tilespmem:s6], [sflag:$0x2], $0x1000, s24, s23, $0x38;
	[tilespmem:$0x1D800] =	vst v63  }
0x1d0: {  	s6 =	sadd.s32 $0x44, s0  }
0x1d1: {  	[hbm4b:s6+s23] =	stream.strided.scatter [tilespmem:s7], [sflag:$0x2], $0x1000, s24, s23, $0x38;
	[tilespmem:$0x1D800] =	vst v63  }
0x1d2: {  	s9 =	sadd.s32 $0x48, s0  }
0x1d3: {  	[hbm4b:s9+s23] =	stream.strided.scatter [tilespmem:s8], [sflag:$0x2], $0x1000, s24, s23, $0x38;
	[tilespmem:$0x1D800] =	vst v63  }
0x1d4: {  	s10 =	sadd.s32 $0x4C, s0  }
0x1d5: {  	[hbm4b:s10+s23] =	stream.strided.scatter [tilespmem:s1], [sflag:$0x2], $0x1000, s24, s23, $0x38;
	[tilespmem:$0x1D800] =	vst v63  }
0x1d6: {  	s11 =	sadd.s32 $0x50, s0  }
0x1d7: {  	[hbm4b:s11+s23] =	stream.strided.scatter [tilespmem:s2], [sflag:$0x2], $0x1000, s24, s23, $0x38;
	[tilespmem:$0x1D800] =	vst v63  }
0x1d8: {  	s12 =	sadd.s32 $0x54, s0;
	s13 =	simm.s32 $0x18400  }
0x1d9: {  	[hbm4b:s12+s23] =	stream.strided.scatter [tilespmem:s13], [sflag:$0x2], $0x1000, s24, s23, $0x38;
	[tilespmem:$0x1D800] =	vst v63  }
0x1da: {  	s14 =	sadd.s32 $0x58, s0;
	s15 =	simm.s32 $0x19400  }
0x1db: {  	[hbm4b:s14+s23] =	stream.strided.scatter [tilespmem:s15], [sflag:$0x2], $0x1000, s24, s23, $0x38;
	[tilespmem:$0x1D800] =	vst v63  }
0x1dc: {  	s17 =	sadd.s32 $0x5C, s0  }
0x1dd: {  	[hbm4b:s17+s23] =	stream.strided.scatter [tilespmem:s4], [sflag:$0x2], $0x1000, s24, s23, $0x38;
	[tilespmem:$0x1D800] =	vst v63  }
0x1de: {  	s18 =	sadd.s32 $0x60, s0  }
0x1df: {  	[hbm4b:s18+s23] =	stream.strided.scatter [tilespmem:s5], [sflag:$0x2], $0x1000, s24, s23, $0x38;
	[tilespmem:$0x1D800] =	vst v63  }
0x1e0: {  	s19 =	sadd.s32 $0x64, s0;
	s21 =	simm.s32 $0x1C400  }
0x1e1: {  	[hbm4b:s19+s23] =	stream.strided.scatter [tilespmem:s21], [sflag:$0x2], $0x1000, s24, s23, $0x38;
	[tilespmem:$0x1D800] =	vst v63  }
0x1e2: {  	s20 =	rddreg [dreg:$0x4];
	s0 =	sadd.s32 $0x68, s0  }
0x1e3: {  	[hbm4b:s0+s20] =	stream.strided.scatter [tilespmem:s3], [sflag:$0x2], $0x400, s24, s20, $0x38;
	[tilespmem:$0x1D800] =	vst v63  }
0x1e4: {  	_ =	swait.ge [sflag:s25], $0x1000  }
0x1e5: {  	[sflag:s25] =	ssyncset.done $0x0  }
0x1e6: {  	[sflag:s25] =	ssyncadd.s32 $0xFFFFF000  }
0x1e7: {  	_ =	swait.ge [sflag:s25], $0x1000  }
0x1e8: {  	[sflag:s25] =	ssyncset.done $0x0  }
0x1e9: {  	[sflag:s25] =	ssyncadd.s32 $0xFFFFF000  }
0x1ea: {  	_ =	swait.ge [sflag:s25], $0x1000  }
0x1eb: {  	[sflag:s25] =	ssyncset.done $0x0  }
0x1ec: {  	[sflag:s25] =	ssyncadd.s32 $0xFFFFF000  }
0x1ed: {  	_ =	swait.ge [sflag:s25], $0x1000  }
0x1ee: {  	[sflag:s25] =	ssyncset.done $0x0  }
0x1ef: {  	[sflag:s25] =	ssyncadd.s32 $0xFFFFF000  }
0x1f0: {  	_ =	swait.ge [sflag:s25], $0x1000  }
0x1f1: {  	[sflag:s25] =	ssyncset.done $0x0  }
0x1f2: {  	[sflag:s25] =	ssyncadd.s32 $0xFFFFF000  }
0x1f3: {  	_ =	swait.ge [sflag:s25], $0x1000  }
0x1f4: {  	[sflag:s25] =	ssyncset.done $0x0  }
0x1f5: {  	[sflag:s25] =	ssyncadd.s32 $0xFFFFF000  }
0x1f6: {  	_ =	swait.ge [sflag:s25], $0x1000  }
0x1f7: {  	[sflag:s25] =	ssyncset.done $0x0  }
0x1f8: {  	[sflag:s25] =	ssyncadd.s32 $0xFFFFF000  }
0x1f9: {  	_ =	swait.ge [sflag:s25], $0x1000  }
0x1fa: {  	[sflag:s25] =	ssyncset.done $0x0  }
0x1fb: {  	[sflag:s25] =	ssyncadd.s32 $0xFFFFF000  }
0x1fc: {  	_ =	swait.ge [sflag:s25], $0x1000  }
0x1fd: {  	[sflag:s25] =	ssyncset.done $0x0  }
0x1fe: {  	[sflag:s25] =	ssyncadd.s32 $0xFFFFF000  }
0x1ff: {  	_ =	swait.ge [sflag:s25], $0x1000  }
0x200: {  	[sflag:s25] =	ssyncset.done $0x0  }
0x201: {  	[sflag:s25] =	ssyncadd.s32 $0xFFFFF000  }
0x202: {  	_ =	swait.ge [sflag:s25], $0x1000  }
0x203: {  	[sflag:s25] =	ssyncset.done $0x0  }
0x204: {  	[sflag:s25] =	ssyncadd.s32 $0xFFFFF000  }
0x205: {  	_ =	swait.ge [sflag:s25], $0x1000  }
0x206: {  	[sflag:s25] =	ssyncset.done $0x0  }
0x207: {  	[sflag:s25] =	ssyncadd.s32 $0xFFFFF000  }
0x208: {  	_ =	swait.ge [sflag:s25], $0x1000  }
0x209: {  	[sflag:s25] =	ssyncset.done $0x0  }
0x20a: {  	[sflag:s25] =	ssyncadd.s32 $0xFFFFF000  }
0x20b: {  	_ =	swait.ge [sflag:s25], $0x1000  }
0x20c: {  	[sflag:s25] =	ssyncset.done $0x0  }
0x20d: {  	[sflag:s25] =	ssyncadd.s32 $0xFFFFF000  }
0x20e: {  	_ =	swait.ge [sflag:s25], $0x1000  }
0x20f: {  	[sflag:s25] =	ssyncset.done $0x0  }
0x210: {  	[sflag:s25] =	ssyncadd.s32 $0xFFFFF000  }
0x211: {  	_ =	swait.ge [sflag:s25], $0x1000  }
0x212: {  	[sflag:s25] =	ssyncset.done $0x0  }
0x213: {  	[sflag:s25] =	ssyncadd.s32 $0xFFFFF000  }
0x214: {  	_ =	swait.ge [sflag:s25], $0x1000  }
0x215: {  	[sflag:s25] =	ssyncset.done $0x0  }
0x216: {  	[sflag:s25] =	ssyncadd.s32 $0xFFFFF000  }
0x217: {  	_ =	swait.ge [sflag:s25], $0x1000  }
0x218: {  	[sflag:s25] =	ssyncset.done $0x0  }
0x219: {  	[sflag:s25] =	ssyncadd.s32 $0xFFFFF000  }
0x21a: {  	_ =	swait.ge [sflag:s25], $0x1000  }
0x21b: {  	[sflag:s25] =	ssyncset.done $0x0  }
0x21c: {  	[sflag:s25] =	ssyncadd.s32 $0xFFFFF000  }
0x21d: {  	_ =	swait.ge [sflag:s25], $0x1000  }
0x21e: {  	[sflag:s25] =	ssyncset.done $0x0  }
0x21f: {  	[sflag:s25] =	ssyncadd.s32 $0xFFFFF000  }
0x220: {  	_ =	swait.ge [sflag:s25], $0x1000  }
0x221: {  	[sflag:s25] =	ssyncset.done $0x0  }
0x222: {  	[sflag:s25] =	ssyncadd.s32 $0xFFFFF000  }
0x223: {  	_ =	swait.ge [sflag:s25], $0x1000  }
0x224: {  	[sflag:s25] =	ssyncset.done $0x0  }
0x225: {  	[sflag:s25] =	ssyncadd.s32 $0xFFFFF000  }
0x226: {  	_ =	swait.ge [sflag:s25], $0x1000  }
0x227: {  	[sflag:s25] =	ssyncset.done $0x0  }
0x228: {  	[sflag:s25] =	ssyncadd.s32 $0xFFFFF000  }
0x229: {  	_ =	swait.ge [sflag:s25], $0x1000  }
0x22a: {  	[sflag:s25] =	ssyncset.done $0x0  }
0x22b: {  	[sflag:s25] =	ssyncadd.s32 $0xFFFFF000  }
0x22c: {  	_ =	swait.ge [sflag:s25], $0x1000  }
0x22d: {  	[sflag:s25] =	ssyncset.done $0x0  }
0x22e: {  	p0 =	sne.s32 s30, $0x9D80;
	[sflag:s25] =	ssyncadd.s32 $0xFFFFF000  }
.Ltmp0:
0x22f: {  	_ =	swait.ge [sflag:s25], $0x1000;
	(pc) =	sbr.rel @p0 .LBB2_2-.Ltmp0, $4  }
0x230: {  	[sflag:s25] =	ssyncset.done $0x0  }
0x231: {  	[sflag:s25] =	ssyncadd.s32 $0xFFFFF000  }
0x232: {  	_ =	swait.ge [sflag:s25], $0x400  }
0x233: {  	s30 =	sadd.s32 $0x3480, s30;
	s28 =	sadd.s32 $0x80, s28;
	[sflag:s25] =	ssyncset.done $0x0  }
0x234: {  	s0 =	sadd.s32 $0xFFFFCE00, s28  }
0x235: {  	[sflag:s25] =	ssyncadd.s32 $0xFFFFFC00;
	s30 =	simm.s32 $0x3400;
	s1 =	rddreg [dreg:$0x6]  }
0x236: {  	[tilespmem:s30], [sflag:$0x1] =	stream.indirect.gather [hbm4b:s1+s16], $0x20, s0, s16, $0xb8;
	[tilespmem:$0x1D800] =	vst v63  }
0x237: {  	s31 =	sadd.s32 $0xFFFFD000, s28;
	s13 =	simm.s32 $0x4400  }
0x238: {  	[tilespmem:s13], [sflag:$0x1] =	stream.indirect.gather [hbm4b:s1+s16], $0x20, s31, s16, $0xb8;
	[tilespmem:$0x1D800] =	vst v63  }
0x239: {  	s2 =	sadd.s32 $0xFFFFD200, s28;
	s14 =	simm.s32 $0x5400  }
0x23a: {  	[tilespmem:s14], [sflag:$0x1] =	stream.indirect.gather [hbm4b:s1+s16], $0x20, s2, s16, $0xb8;
	[tilespmem:$0x1D800] =	vst v63  }
0x23b: {  	s3 =	sadd.s32 $0xFFFFD400, s28;
	s10 =	simm.s32 $0x6400  }
0x23c: {  	[tilespmem:s10], [sflag:$0x1] =	stream.indirect.gather [hbm4b:s1+s16], $0x20, s3, s16, $0xb8;
	[tilespmem:$0x1D800] =	vst v63  }
0x23d: {  	s4 =	sadd.s32 $0xFFFFD600, s28;
	s11 =	simm.s32 $0x7400;
	s5 =	rddreg [dreg:$0x7]  }
0x23e: {  	[tilespmem:s11], [sflag:$0x1] =	stream.indirect.gather [hbm4b:s5+s16], $0x20, s4, s16, $0xb8;
	[tilespmem:$0x1D800] =	vst v63  }
0x23f: {  	s6 =	sadd.s32 $0xFFFFD800, s28;
	s12 =	simm.s32 $0x8400  }
0x240: {  	[tilespmem:s12], [sflag:$0x1] =	stream.indirect.gather [hbm4b:s5+s16], $0x20, s6, s16, $0xb8;
	[tilespmem:$0x1D800] =	vst v63  }
0x241: {  	s7 =	sadd.s32 $0xFFFFDA00, s28;
	s2 =	simm.s32 $0x9400  }
0x242: {  	[tilespmem:s2], [sflag:$0x1] =	stream.indirect.gather [hbm4b:s5+s16], $0x20, s7, s16, $0xb8;
	[tilespmem:$0x1D800] =	vst v63  }
0x243: {  	s8 =	sadd.s32 $0xFFFFDC00, s28;
	s17 =	simm.s32 $0xA400  }
0x244: {  	[tilespmem:s17], [sflag:$0x1] =	stream.indirect.gather [hbm4b:s5+s16], $0x20, s8, s16, $0xb8;
	[tilespmem:$0x1D800] =	vst v63  }
0x245: {  	s9 =	sadd.s32 $0xFFFFDE00, s28;
	s18 =	simm.s32 $0xB400;
	s15 =	rddreg [dreg:$0x8]  }
0x246: {  	[tilespmem:s18], [sflag:$0x1] =	stream.indirect.gather [hbm4b:s15+s16], $0x20, s9, s16, $0xb8;
	[tilespmem:$0x1D800] =	vst v63  }
0x247: {  	s19 =	simm.s32 $0xC400;
	s31 =	sadd.s32 $0xFFFFE000, s28  }
0x248: {  	[tilespmem:s19], [sflag:$0x1] =	stream.indirect.gather [hbm4b:s15+s16], $0x20, s31, s16, $0xb8;
	[tilespmem:$0x1D800] =	vst v63  }
0x249: {  	s20 =	simm.s32 $0xD400;
	s2 =	sadd.s32 $0xFFFFE200, s28  }
0x24a: {  	[tilespmem:s20], [sflag:$0x1] =	stream.indirect.gather [hbm4b:s15+s16], $0x20, s2, s16, $0xb8;
	[tilespmem:$0x1D800] =	vst v63  }
0x24b: {  	s21 =	simm.s32 $0xE400;
	s3 =	sadd.s32 $0xFFFFE400, s28  }
0x24c: {  	[tilespmem:s21], [sflag:$0x1] =	stream.indirect.gather [hbm4b:s15+s16], $0x20, s3, s16, $0xb8;
	[tilespmem:$0x1D800] =	vst v63  }
0x24d: {  	s4 =	sadd.s32 $0xFFFFE600, s28;
	s5 =	rddreg [dreg:$0x9];
	s15 =	simm.s32 $0xF400  }
0x24e: {  	[tilespmem:s15], [sflag:$0x1] =	stream.indirect.gather [hbm4b:s5+s16], $0x20, s4, s16, $0xb8;
	[tilespmem:$0x1D800] =	vst v63  }
0x24f: {  	s6 =	sadd.s32 $0xFFFFE800, s28;
	s9 =	simm.s32 $0x10400  }
0x250: {  	[tilespmem:s9], [sflag:$0x1] =	stream.indirect.gather [hbm4b:s5+s16], $0x20, s6, s16, $0xb8;
	[tilespmem:$0x1D800] =	vst v63  }
0x251: {  	s7 =	sadd.s32 $0xFFFFEA00, s28;
	s8 =	simm.s32 $0x11400  }
0x252: {  	[tilespmem:s8], [sflag:$0x1] =	stream.indirect.gather [hbm4b:s5+s16], $0x20, s7, s16, $0xb8;
	[tilespmem:$0x1D800] =	vst v63  }
0x253: {  	s31 =	sadd.s32 $0xFFFFEC00, s28;
	s4 =	simm.s32 $0x12400  }
0x254: {  	[tilespmem:s4], [sflag:$0x1] =	stream.indirect.gather [hbm4b:s5+s16], $0x20, s31, s16, $0xb8;
	[tilespmem:$0x1D800] =	vst v63  }
0x255: {  	s2 =	sadd.s32 $0xFFFFEE00, s28;
	s3 =	rddreg [dreg:$0xa];
	s5 =	simm.s32 $0x13400  }
0x256: {  	[tilespmem:s5], [sflag:$0x1] =	stream.indirect.gather [hbm4b:s3+s16], $0x20, s2, s16, $0xb8;
	[tilespmem:$0x1D800] =	vst v63  }
0x257: {  	s6 =	simm.s32 $0x14400;
	s8 =	sadd.s32 $0xFFFFF000, s28  }
0x258: {  	[tilespmem:s6], [sflag:$0x1] =	stream.indirect.gather [hbm4b:s3+s16], $0x20, s8, s16, $0xb8;
	[tilespmem:$0x1D800] =	vst v63  }
0x259: {  	s7 =	simm.s32 $0x15400;
	s31 =	sadd.s32 $0xFFFFF200, s28  }
0x25a: {  	[tilespmem:s7], [sflag:$0x1] =	stream.indirect.gather [hbm4b:s3+s16], $0x20, s31, s16, $0xb8;
	[tilespmem:$0x1D800] =	vst v63  }
0x25b: {  	s2 =	sadd.s32 $0xFFFFF400, s28;
	s8 =	simm.s32 $0x16400  }
0x25c: {  	[tilespmem:s8], [sflag:$0x1] =	stream.indirect.gather [hbm4b:s3+s16], $0x20, s2, s16, $0xb8;
	[tilespmem:$0x1D800] =	vst v63  }
0x25d: {  	s1 =	rddreg [dreg:$0xb];
	s31 =	simm.s32 $0x17400;
	s3 =	sadd.s32 $0xFFFFF600, s28  }
0x25e: {  	[tilespmem:s31], [sflag:$0x1] =	stream.indirect.gather [hbm4b:s1+s16], $0x20, s3, s16, $0xb8;
	[tilespmem:$0x1D800] =	vst v63  }
0x25f: {  	s2 =	sadd.s32 $0xFFFFF800, s28;
	s3 =	simm.s32 $0x18400  }
0x260: {  	[tilespmem:s3], [sflag:$0x1] =	stream.indirect.gather [hbm4b:s1+s16], $0x20, s2, s16, $0xb8;
	[tilespmem:$0x1D800] =	vst v63  }
0x261: {  	s2 =	sadd.s32 $0xFFFFFA00, s28;
	s3 =	simm.s32 $0x19400  }
0x262: {  	[tilespmem:s3], [sflag:$0x1] =	stream.indirect.gather [hbm4b:s1+s16], $0x20, s2, s16, $0xb8;
	[tilespmem:$0x1D800] =	vst v63  }
0x263: {  	s3 =	sadd.s32 $0xFFFFFC00, s28;
	s2 =	simm.s32 $0x1A400  }
0x264: {  	[tilespmem:s2], [sflag:$0x1] =	stream.indirect.gather [hbm4b:s1+s16], $0x20, s3, s16, $0xb8;
	[tilespmem:$0x1D800] =	vst v63  }
0x265: {  	s0 =	sadd.s32 $0xFFFFFE00, s28;
	s1 =	rddreg [dreg:$0x5];
	s3 =	simm.s32 $0x1B400  }
0x266: {  	[tilespmem:s3], [sflag:$0x1] =	stream.indirect.gather [hbm4b:s1+s16], $0x20, s0, s16, $0xb8;
	[tilespmem:$0x1D800] =	vst v63  }
0x267: {  	s0 =	simm.s32 $0x1C400  }
0x268: {  	[tilespmem:s0], [sflag:$0x1] =	stream.indirect.gather [hbm4b:s1+s16], $0x20, s28, s16, $0xb8;
	[tilespmem:$0x1D800] =	vst v63  }
0x269: {  	s1 =	sadd.s32 $0x80, s29;
	s29 =	simm.s32 $0x0;
	s28 =	simm.s32 $0x1D400  }
0x26a: {  	[tilespmem:s28], [sflag:$0x3] =	stream.linear.gather [hbm4b:s1+s29], $0x400, $0x38;
	[tilespmem:$0x1D800] =	vst v63  }
0x26b: {  	s1 =	simm.s32 $0x3  }
0x26c: {  	_ =	swait.ge [sflag:s1], $0x400  }
0x26d: {  	[sflag:s1] =	ssyncset.done $0x0  }
0x26e: {  	[sflag:s1] =	ssyncadd.s32 $0xFFFFFC00  }
0x26f: {  	_ =	swait.ge [sflag:s22], $0x1000  }
0x270: {  	[sflag:s22] =	ssyncset.done $0x0  }
0x271: {  	[sflag:s22] =	ssyncadd.s32 $0xFFFFF000  }
0x272: {  	_ =	swait.ge [sflag:s22], $0x1000  }
0x273: {  	[sflag:s22] =	ssyncset.done $0x0  }
0x274: {  	[sflag:s22] =	ssyncadd.s32 $0xFFFFF000  }
0x275: {  	_ =	swait.ge [sflag:s22], $0x1000  }
0x276: {  	[sflag:s22] =	ssyncset.done $0x0  }
0x277: {  	[sflag:s22] =	ssyncadd.s32 $0xFFFFF000  }
0x278: {  	_ =	swait.ge [sflag:s22], $0x1000  }
0x279: {  	[sflag:s22] =	ssyncset.done $0x0  }
0x27a: {  	[sflag:s22] =	ssyncadd.s32 $0xFFFFF000  }
0x27b: {  	_ =	swait.ge [sflag:s22], $0x1000  }
0x27c: {  	[sflag:s22] =	ssyncset.done $0x0  }
0x27d: {  	[sflag:s22] =	ssyncadd.s32 $0xFFFFF000  }
0x27e: {  	_ =	swait.ge [sflag:s22], $0x1000  }
0x27f: {  	[sflag:s22] =	ssyncset.done $0x0  }
0x280: {  	[sflag:s22] =	ssyncadd.s32 $0xFFFFF000  }
0x281: {  	_ =	swait.ge [sflag:s22], $0x1000  }
0x282: {  	[sflag:s22] =	ssyncset.done $0x0  }
0x283: {  	[sflag:s22] =	ssyncadd.s32 $0xFFFFF000  }
0x284: {  	_ =	swait.ge [sflag:s22], $0x1000  }
0x285: {  	[sflag:s22] =	ssyncset.done $0x0  }
0x286: {  	[sflag:s22] =	ssyncadd.s32 $0xFFFFF000  }
0x287: {  	_ =	swait.ge [sflag:s22], $0x1000  }
0x288: {  	[sflag:s22] =	ssyncset.done $0x0  }
0x289: {  	[sflag:s22] =	ssyncadd.s32 $0xFFFFF000  }
0x28a: {  	_ =	swait.ge [sflag:s22], $0x1000  }
0x28b: {  	[sflag:s22] =	ssyncset.done $0x0  }
0x28c: {  	[sflag:s22] =	ssyncadd.s32 $0xFFFFF000  }
0x28d: {  	_ =	swait.ge [sflag:s22], $0x1000  }
0x28e: {  	[sflag:s22] =	ssyncset.done $0x0  }
0x28f: {  	[sflag:s22] =	ssyncadd.s32 $0xFFFFF000  }
0x290: {  	_ =	swait.ge [sflag:s22], $0x1000  }
0x291: {  	[sflag:s22] =	ssyncset.done $0x0  }
0x292: {  	[sflag:s22] =	ssyncadd.s32 $0xFFFFF000  }
0x293: {  	_ =	swait.ge [sflag:s22], $0x1000  }
0x294: {  	[sflag:s22] =	ssyncset.done $0x0  }
0x295: {  	[sflag:s22] =	ssyncadd.s32 $0xFFFFF000  }
0x296: {  	_ =	swait.ge [sflag:s22], $0x1000  }
0x297: {  	[sflag:s22] =	ssyncset.done $0x0  }
0x298: {  	[sflag:s22] =	ssyncadd.s32 $0xFFFFF000  }
0x299: {  	_ =	swait.ge [sflag:s22], $0x1000  }
0x29a: {  	[sflag:s22] =	ssyncset.done $0x0  }
0x29b: {  	[sflag:s22] =	ssyncadd.s32 $0xFFFFF000  }
0x29c: {  	_ =	swait.ge [sflag:s22], $0x1000  }
0x29d: {  	[sflag:s22] =	ssyncset.done $0x0  }
0x29e: {  	[sflag:s22] =	ssyncadd.s32 $0xFFFFF000  }
0x29f: {  	_ =	swait.ge [sflag:s22], $0x1000  }
0x2a0: {  	[sflag:s22] =	ssyncset.done $0x0  }
0x2a1: {  	[sflag:s22] =	ssyncadd.s32 $0xFFFFF000  }
0x2a2: {  	_ =	swait.ge [sflag:s22], $0x1000  }
0x2a3: {  	[sflag:s22] =	ssyncset.done $0x0  }
0x2a4: {  	[sflag:s22] =	ssyncadd.s32 $0xFFFFF000  }
0x2a5: {  	_ =	swait.ge [sflag:s22], $0x1000  }
0x2a6: {  	[sflag:s22] =	ssyncset.done $0x0  }
0x2a7: {  	[sflag:s22] =	ssyncadd.s32 $0xFFFFF000  }
0x2a8: {  	_ =	swait.ge [sflag:s22], $0x1000  }
0x2a9: {  	[sflag:s22] =	ssyncset.done $0x0  }
0x2aa: {  	[sflag:s22] =	ssyncadd.s32 $0xFFFFF000  }
0x2ab: {  	_ =	swait.ge [sflag:s22], $0x1000  }
0x2ac: {  	[sflag:s22] =	ssyncset.done $0x0  }
0x2ad: {  	[sflag:s22] =	ssyncadd.s32 $0xFFFFF000  }
0x2ae: {  	_ =	swait.ge [sflag:s22], $0x1000  }
0x2af: {  	[sflag:s22] =	ssyncset.done $0x0  }
0x2b0: {  	[sflag:s22] =	ssyncadd.s32 $0xFFFFF000  }
0x2b1: {  	_ =	swait.ge [sflag:s22], $0x1000  }
0x2b2: {  	[sflag:s22] =	ssyncset.done $0x0  }
0x2b3: {  	[sflag:s22] =	ssyncadd.s32 $0xFFFFF000  }
0x2b4: {  	_ =	swait.ge [sflag:s22], $0x1000  }
0x2b5: {  	[sflag:s22] =	ssyncset.done $0x0  }
0x2b6: {  	[sflag:s22] =	ssyncadd.s32 $0xFFFFF000  }
0x2b7: {  	_ =	swait.ge [sflag:s22], $0x1000  }
0x2b8: {  	[sflag:s22] =	ssyncset.done $0x0  }
0x2b9: {  	[sflag:s22] =	ssyncadd.s32 $0xFFFFF000  }
0x2ba: {  	_ =	swait.ge [sflag:s22], $0x1000  }
0x2bb: {  	s29 =	rddreg [dreg:$0x3];
	[sflag:s22] =	ssyncset.done $0x0  }
0x2bc: {  	[sflag:s22] =	ssyncadd.s32 $0xFFFFF000;
	s0 =	sadd.s32 s26, s29  }
0x2bd: {  	[hbm4b:s0+s23] =	stream.strided.scatter [tilespmem:s30], [sflag:$0x2], $0x1000, s24, s23, $0x38;
	[tilespmem:$0x1D800] =	vst v63  }
0x2be: {  	s30 =	sadd.s32 $0x4, s0  }
0x2bf: {  	[hbm4b:s30+s23] =	stream.strided.scatter [tilespmem:s13], [sflag:$0x2], $0x1000, s24, s23, $0x38;
	[tilespmem:$0x1D800] =	vst v63  }
0x2c0: {  	s26 =	sadd.s32 $0x8, s0  }
0x2c1: {  	[hbm4b:s26+s23] =	stream.strided.scatter [tilespmem:s14], [sflag:$0x2], $0x1000, s24, s23, $0x38;
	[tilespmem:$0x1D800] =	vst v63  }
0x2c2: {  	s29 =	sadd.s32 $0xC, s0  }
0x2c3: {  	[hbm4b:s29+s23] =	stream.strided.scatter [tilespmem:s10], [sflag:$0x2], $0x1000, s24, s23, $0x38;
	[tilespmem:$0x1D800] =	vst v63  }
0x2c4: {  	s30 =	sadd.s32 $0x10, s0  }
0x2c5: {  	[hbm4b:s30+s23] =	stream.strided.scatter [tilespmem:s11], [sflag:$0x2], $0x1000, s24, s23, $0x38;
	[tilespmem:$0x1D800] =	vst v63  }
0x2c6: {  	s10 =	sadd.s32 $0x14, s0  }
0x2c7: {  	[hbm4b:s10+s23] =	stream.strided.scatter [tilespmem:s12], [sflag:$0x2], $0x1000, s24, s23, $0x38;
	[tilespmem:$0x1D800] =	vst v63  }
0x2c8: {  	s11 =	sadd.s32 $0x18, s0;
	s12 =	simm.s32 $0x9400  }
0x2c9: {  	[hbm4b:s11+s23] =	stream.strided.scatter [tilespmem:s12], [sflag:$0x2], $0x1000, s24, s23, $0x38;
	[tilespmem:$0x1D800] =	vst v63  }
0x2ca: {  	s13 =	sadd.s32 $0x1C, s0  }
0x2cb: {  	[hbm4b:s13+s23] =	stream.strided.scatter [tilespmem:s17], [sflag:$0x2], $0x1000, s24, s23, $0x38;
	[tilespmem:$0x1D800] =	vst v63  }
0x2cc: {  	s14 =	sadd.s32 $0x20, s0  }
0x2cd: {  	[hbm4b:s14+s23] =	stream.strided.scatter [tilespmem:s18], [sflag:$0x2], $0x1000, s24, s23, $0x38;
	[tilespmem:$0x1D800] =	vst v63  }
0x2ce: {  	s17 =	sadd.s32 $0x24, s0  }
0x2cf: {  	[hbm4b:s17+s23] =	stream.strided.scatter [tilespmem:s19], [sflag:$0x2], $0x1000, s24, s23, $0x38;
	[tilespmem:$0x1D800] =	vst v63  }
0x2d0: {  	s18 =	sadd.s32 $0x28, s0  }
0x2d1: {  	[hbm4b:s18+s23] =	stream.strided.scatter [tilespmem:s20], [sflag:$0x2], $0x1000, s24, s23, $0x38;
	[tilespmem:$0x1D800] =	vst v63  }
0x2d2: {  	s19 =	sadd.s32 $0x2C, s0  }
0x2d3: {  	[hbm4b:s19+s23] =	stream.strided.scatter [tilespmem:s21], [sflag:$0x2], $0x1000, s24, s23, $0x38;
	[tilespmem:$0x1D800] =	vst v63  }
0x2d4: {  	s20 =	sadd.s32 $0x30, s0  }
0x2d5: {  	[hbm4b:s20+s23] =	stream.strided.scatter [tilespmem:s15], [sflag:$0x2], $0x1000, s24, s23, $0x38;
	[tilespmem:$0x1D800] =	vst v63  }
0x2d6: {  	s21 =	sadd.s32 $0x34, s0  }
0x2d7: {  	[hbm4b:s21+s23] =	stream.strided.scatter [tilespmem:s9], [sflag:$0x2], $0x1000, s24, s23, $0x38;
	[tilespmem:$0x1D800] =	vst v63  }
0x2d8: {  	s26 =	sadd.s32 $0x38, s0;
	s29 =	simm.s32 $0x11400  }
0x2d9: {  	[hbm4b:s26+s23] =	stream.strided.scatter [tilespmem:s29], [sflag:$0x2], $0x1000, s24, s23, $0x38;
	[tilespmem:$0x1D800] =	vst v63  }
0x2da: {  	s30 =	sadd.s32 $0x3C, s0  }
0x2db: {  	[hbm4b:s30+s23] =	stream.strided.scatter [tilespmem:s4], [sflag:$0x2], $0x1000, s24, s23, $0x38;
	[tilespmem:$0x1D800] =	vst v63  }
0x2dc: {  	s4 =	sadd.s32 $0x40, s0  }
0x2dd: {  	[hbm4b:s4+s23] =	stream.strided.scatter [tilespmem:s5], [sflag:$0x2], $0x1000, s24, s23, $0x38;
	[tilespmem:$0x1D800] =	vst v63  }
0x2de: {  	s9 =	sadd.s32 $0x44, s0  }
0x2df: {  	[hbm4b:s9+s23] =	stream.strided.scatter [tilespmem:s6], [sflag:$0x2], $0x1000, s24, s23, $0x38;
	[tilespmem:$0x1D800] =	vst v63  }
0x2e0: {  	s10 =	sadd.s32 $0x48, s0  }
0x2e1: {  	[hbm4b:s10+s23] =	stream.strided.scatter [tilespmem:s7], [sflag:$0x2], $0x1000, s24, s23, $0x38;
	[tilespmem:$0x1D800] =	vst v63  }
0x2e2: {  	s11 =	sadd.s32 $0x4C, s0  }
0x2e3: {  	[hbm4b:s11+s23] =	stream.strided.scatter [tilespmem:s8], [sflag:$0x2], $0x1000, s24, s23, $0x38;
	[tilespmem:$0x1D800] =	vst v63  }
0x2e4: {  	s12 =	sadd.s32 $0x50, s0  }
0x2e5: {  	[hbm4b:s12+s23] =	stream.strided.scatter [tilespmem:s31], [sflag:$0x2], $0x1000, s24, s23, $0x38;
	[tilespmem:$0x1D800] =	vst v63  }
0x2e6: {  	s13 =	sadd.s32 $0x54, s0;
	s14 =	simm.s32 $0x18400  }
0x2e7: {  	[hbm4b:s13+s23] =	stream.strided.scatter [tilespmem:s14], [sflag:$0x2], $0x1000, s24, s23, $0x38;
	[tilespmem:$0x1D800] =	vst v63  }
0x2e8: {  	s17 =	simm.s32 $0x19400;
	s15 =	sadd.s32 $0x58, s0  }
0x2e9: {  	[hbm4b:s15+s23] =	stream.strided.scatter [tilespmem:s17], [sflag:$0x2], $0x1000, s24, s23, $0x38;
	[tilespmem:$0x1D800] =	vst v63  }
0x2ea: {  	s18 =	sadd.s32 $0x5C, s0  }
0x2eb: {  	[hbm4b:s18+s23] =	stream.strided.scatter [tilespmem:s2], [sflag:$0x2], $0x1000, s24, s23, $0x38;
	[tilespmem:$0x1D800] =	vst v63  }
0x2ec: {  	s19 =	sadd.s32 $0x60, s0  }
0x2ed: {  	[hbm4b:s19+s23] =	stream.strided.scatter [tilespmem:s3], [sflag:$0x2], $0x1000, s24, s23, $0x38;
	[tilespmem:$0x1D800] =	vst v63  }
0x2ee: {  	s20 =	sadd.s32 $0x64, s0;
	s29 =	simm.s32 $0x1C400  }
0x2ef: {  	[hbm4b:s20+s23] =	stream.strided.scatter [tilespmem:s29], [sflag:$0x2], $0x1000, s24, s23, $0x38;
	[tilespmem:$0x1D800] =	vst v63  }
0x2f0: {  	s21 =	rddreg [dreg:$0x4];
	s0 =	sadd.s32 $0x68, s0  }
0x2f1: {  	[hbm4b:s0+s21] =	stream.strided.scatter [tilespmem:s28], [sflag:$0x2], $0x400, s24, s21, $0x38;
	[tilespmem:$0x1D800] =	vst v63  }
0x2f2: {  	_ =	swait.ge [sflag:s25], $0x1000  }
0x2f3: {  	[sflag:s25] =	ssyncset.done $0x0  }
0x2f4: {  	[sflag:s25] =	ssyncadd.s32 $0xFFFFF000  }
0x2f5: {  	_ =	swait.ge [sflag:s25], $0x1000  }
0x2f6: {  	[sflag:s25] =	ssyncset.done $0x0  }
0x2f7: {  	[sflag:s25] =	ssyncadd.s32 $0xFFFFF000  }
0x2f8: {  	_ =	swait.ge [sflag:s25], $0x1000  }
0x2f9: {  	[sflag:s25] =	ssyncset.done $0x0  }
0x2fa: {  	[sflag:s25] =	ssyncadd.s32 $0xFFFFF000  }
0x2fb: {  	_ =	swait.ge [sflag:s25], $0x1000  }
0x2fc: {  	[sflag:s25] =	ssyncset.done $0x0  }
0x2fd: {  	[sflag:s25] =	ssyncadd.s32 $0xFFFFF000  }
0x2fe: {  	_ =	swait.ge [sflag:s25], $0x1000  }
0x2ff: {  	[sflag:s25] =	ssyncset.done $0x0  }
0x300: {  	[sflag:s25] =	ssyncadd.s32 $0xFFFFF000  }
0x301: {  	_ =	swait.ge [sflag:s25], $0x1000  }
0x302: {  	[sflag:s25] =	ssyncset.done $0x0  }
0x303: {  	[sflag:s25] =	ssyncadd.s32 $0xFFFFF000  }
0x304: {  	_ =	swait.ge [sflag:s25], $0x1000  }
0x305: {  	[sflag:s25] =	ssyncset.done $0x0  }
0x306: {  	[sflag:s25] =	ssyncadd.s32 $0xFFFFF000  }
0x307: {  	_ =	swait.ge [sflag:s25], $0x1000  }
0x308: {  	[sflag:s25] =	ssyncset.done $0x0  }
0x309: {  	[sflag:s25] =	ssyncadd.s32 $0xFFFFF000  }
0x30a: {  	_ =	swait.ge [sflag:s25], $0x1000  }
0x30b: {  	[sflag:s25] =	ssyncset.done $0x0  }
0x30c: {  	[sflag:s25] =	ssyncadd.s32 $0xFFFFF000  }
0x30d: {  	_ =	swait.ge [sflag:s25], $0x1000  }
0x30e: {  	[sflag:s25] =	ssyncset.done $0x0  }
0x30f: {  	[sflag:s25] =	ssyncadd.s32 $0xFFFFF000  }
0x310: {  	_ =	swait.ge [sflag:s25], $0x1000  }
0x311: {  	[sflag:s25] =	ssyncset.done $0x0  }
0x312: {  	[sflag:s25] =	ssyncadd.s32 $0xFFFFF000  }
0x313: {  	_ =	swait.ge [sflag:s25], $0x1000  }
0x314: {  	[sflag:s25] =	ssyncset.done $0x0  }
0x315: {  	[sflag:s25] =	ssyncadd.s32 $0xFFFFF000  }
0x316: {  	_ =	swait.ge [sflag:s25], $0x1000  }
0x317: {  	[sflag:s25] =	ssyncset.done $0x0  }
0x318: {  	[sflag:s25] =	ssyncadd.s32 $0xFFFFF000  }
0x319: {  	_ =	swait.ge [sflag:s25], $0x1000  }
0x31a: {  	[sflag:s25] =	ssyncset.done $0x0  }
0x31b: {  	[sflag:s25] =	ssyncadd.s32 $0xFFFFF000  }
0x31c: {  	_ =	swait.ge [sflag:s25], $0x1000  }
0x31d: {  	[sflag:s25] =	ssyncset.done $0x0  }
0x31e: {  	[sflag:s25] =	ssyncadd.s32 $0xFFFFF000  }
0x31f: {  	_ =	swait.ge [sflag:s25], $0x1000  }
0x320: {  	[sflag:s25] =	ssyncset.done $0x0  }
0x321: {  	[sflag:s25] =	ssyncadd.s32 $0xFFFFF000  }
0x322: {  	_ =	swait.ge [sflag:s25], $0x1000  }
0x323: {  	[sflag:s25] =	ssyncset.done $0x0  }
0x324: {  	[sflag:s25] =	ssyncadd.s32 $0xFFFFF000  }
0x325: {  	_ =	swait.ge [sflag:s25], $0x1000  }
0x326: {  	[sflag:s25] =	ssyncset.done $0x0  }
0x327: {  	[sflag:s25] =	ssyncadd.s32 $0xFFFFF000  }
0x328: {  	_ =	swait.ge [sflag:s25], $0x1000  }
0x329: {  	[sflag:s25] =	ssyncset.done $0x0  }
0x32a: {  	[sflag:s25] =	ssyncadd.s32 $0xFFFFF000  }
0x32b: {  	_ =	swait.ge [sflag:s25], $0x1000  }
0x32c: {  	[sflag:s25] =	ssyncset.done $0x0  }
0x32d: {  	[sflag:s25] =	ssyncadd.s32 $0xFFFFF000  }
0x32e: {  	_ =	swait.ge [sflag:s25], $0x1000  }
0x32f: {  	[sflag:s25] =	ssyncset.done $0x0  }
0x330: {  	[sflag:s25] =	ssyncadd.s32 $0xFFFFF000  }
0x331: {  	_ =	swait.ge [sflag:s25], $0x1000  }
0x332: {  	[sflag:s25] =	ssyncset.done $0x0  }
0x333: {  	[sflag:s25] =	ssyncadd.s32 $0xFFFFF000  }
0x334: {  	_ =	swait.ge [sflag:s25], $0x1000  }
0x335: {  	[sflag:s25] =	ssyncset.done $0x0  }
0x336: {  	[sflag:s25] =	ssyncadd.s32 $0xFFFFF000  }
0x337: {  	_ =	swait.ge [sflag:s25], $0x1000  }
0x338: {  	[sflag:s25] =	ssyncset.done $0x0  }
0x339: {  	[sflag:s25] =	ssyncadd.s32 $0xFFFFF000  }
0x33a: {  	_ =	swait.ge [sflag:s25], $0x1000  }
0x33b: {  	[sflag:s25] =	ssyncset.done $0x0  }
0x33c: {  	[sflag:s25] =	ssyncadd.s32 $0xFFFFF000  }
0x33d: {  	_ =	swait.ge [sflag:s25], $0x1000  }
0x33e: {  	[sflag:s25] =	ssyncset.done $0x0  }
0x33f: {  	[sflag:s25] =	ssyncadd.s32 $0xFFFFF000  }
0x340: {  	_ =	swait.ge [sflag:s25], $0x400  }
0x341: {  	s30 =	rddreg [dreg:$0xf]  }
0x342: {  	s31 =	rddreg [dreg:$0xd];
	s1 =	sadd.s32 $0x1, s30  }
0x343: {  	p0 =	sne.s32 s1, s31  }
.Ltmp1:
0x344: {  	_ = 	snop;
	(pc) =	sbr.rel @p0 .LBB2_1-.Ltmp1, $3  }
0x345: {  	_ =	sdelay $0x1  }
0x346: {  	[sflag:s25] =	ssyncset.done $0x0  }
0x347: {  	[sflag:s25] =	ssyncadd.s32 $0xFFFFFC00  }
0x348: {  	_ =	sfence.sel $0x180000  }
0x349: {  	[bflag:$0x0] =	sbarrier.arrive $0xFFFF  }
0x34a: {  	_ =	strace $0x90000047  }
0x34b: {  	s0 =	stileid.u32;
	[bflag:$0x2] =	sbarrier.arrive $0xFFFF  }
0x34c: {  	p0 =	sne.s32 s0, $0x0;
	s0 =	rddreg [dreg:$0x2]  }
0x34d: {  	s0 =	sadd.s32 @!p0 $0x100000, s0  }
0x34e: {  	[sflag:s0] =	ssyncadd.tile.s32 @!p0 $0x1;
	_ =	shalt  }
.Lfunc_end2:
_tile_overlayer_lowered:
.L_overlay_start_2:
0x34f: {  	(tag) =	ssettag $0x2  }
0x350: {  	s0 =	rddreg [dreg:$0x0];
	s2 =	stileid.u32  }
0x351: {  	s1 =	rddreg [dreg:$0x1];
	p0 =	sne.s32 s2, $0x0  }
0x352: {  	s3 =	rddreg [dreg:$0x2];
	[bflag:$0x3] =	sbarrier.arrive $0xFFFF;
	s2 =	simm.s32 @!p0 $0x1C03  }
0x353: {  	[timem:s3], [sflag:s2] =	dma.local @!p0 [hbm:s0], s1  }
0x354: {  	s0 =	simm.s32 @!p0 $0x3  }
0x355: {  	_ =	swait.ge @!p0 [sflag:s0], s1  }
0x356: {  	s1 =	ssub.s32 @!p0 $0x0, s1;
	[sflag:s0] =	ssyncset.done @!p0 $0x0  }
0x357: {  	[sflag:s0] =	ssyncadd.s32 @!p0 s1  }
0x358: {  	[bflag:$0x3] =	sbarrier.arrive $0xFFFF  }
0x359: {  	_ =	shalt  }

</sc_bundles>
